<compile_context>
chip_gen: v7x
topology: tpu7x:2x2x1
jax: 0.10.2.dev20260603
libtpu: 0.0.44.dev20260713+nightly
codegen_flags: <defaults>
</compile_context>

<pallas_src>
import functools

import jax
import jax.numpy as jnp
from jax import lax
from jax.experimental import pallas as pl
from jax.experimental.pallas import tpu as pltpu
from jax.experimental.pallas import tpu_sc as plsc

N_NODES = 10000
N_EDGES = 320000
D_IN = 128
HALF = 64
N_PAD = 10240
E_PAD = 327680
E_ROWS = E_PAD // 128
EDGES_PER_TILE = E_PAD // 16
ROWS_PER_WORKER = E_ROWS // 32
CHUNK_ROWS = 8
CHUNK_E = 640
AGG_CHUNKS = EDGES_PER_TILE // CHUNK_E
AGG_PAIRS = AGG_CHUNKS // 2
DEG_STEPS = ROWS_PER_WORKER // CHUNK_ROWS
TILE_SLICE = N_PAD // 16
QW = 32
STAGE_ROWS = N_NODES // 16

_MESH = plsc.VectorSubcoreMesh(
    core_axis_name="c", subcore_axis_name="s", num_cores=2, num_subcores=16)
_SC_PARAMS = pltpu.CompilerParams(use_tc_tiling_on_sc=False)


def _deg_body(dst2d, upd, zrow, deg0, deg1, idx_v, upd_v, deg_sh, sem):
    c = lax.axis_index("c")
    s = lax.axis_index("s")
    pltpu.sync_copy(zrow, deg_sh.at[pl.ds(s * TILE_SLICE, TILE_SLICE)])
    pltpu.sync_copy(upd, upd_v)
    plsc.subcore_barrier()

    base = (s * 2 + c) * ROWS_PER_WORKER

    def step(i, carry):
        rb = base + i * CHUNK_ROWS
        pltpu.sync_copy(dst2d.at[pl.ds(rb, CHUNK_ROWS)], idx_v)
        for j in range(CHUNK_ROWS):
            pltpu.sync_copy(upd_v, deg_sh.at[idx_v.at[j]], add=True)
        return carry

    lax.fori_loop(0, DEG_STEPS, step, 0)
    plsc.subcore_barrier()
    sl = pl.ds(s * TILE_SLICE, TILE_SLICE)

    @pl.when(c == 0)
    def _():
        pltpu.sync_copy(deg_sh.at[sl], deg0.at[sl])

    @pl.when(c == 1)
    def _():
        pltpu.sync_copy(deg_sh.at[sl], deg1.at[sl])


_deg_kernel = pl.kernel(
    _deg_body,
    out_type=(
        jax.ShapeDtypeStruct((N_PAD, 16), jnp.float32),
        jax.ShapeDtypeStruct((N_PAD, 16), jnp.float32),
    ),
    mesh=_MESH,
    scratch_types=[
        pltpu.VMEM((CHUNK_ROWS, 128), jnp.int32),
        pltpu.VMEM((128, 16), jnp.float32),
        pltpu.VMEM_SHARED((N_PAD, 16), jnp.float32),
        pltpu.SemaphoreType.DMA,
    ],
    compiler_params=_SC_PARAMS,
)


def _agg_body(qall, src2d, dst2d, zrow, oall,
              idxd_v, idxs_v, rows_v, table_sh, acc_sh, gsem, ssem):
    c = lax.axis_index("c")
    s = lax.axis_index("s")
    crow = pl.ds(s * AGG_CHUNKS, AGG_CHUNKS)
    pltpu.sync_copy(src2d.at[crow], idxs_v)
    pltpu.sync_copy(dst2d.at[crow], idxd_v)

    def start_gather(t, b):
        pltpu.async_copy(table_sh.at[idxs_v.at[t]], rows_v.at[b], gsem.at[b])

    def wait_gather(t, b):
        pltpu.make_async_copy(table_sh.at[idxs_v.at[t]], rows_v.at[b],
                              gsem.at[b]).wait()

    def start_scatter(t, b):
        pltpu.async_copy(rows_v.at[b], acc_sh.at[idxd_v.at[t]], ssem.at[b],
                         add=True)

    def wait_scatter(t, b):
        pltpu.make_async_copy(rows_v.at[b], acc_sh.at[idxd_v.at[t]],
                              ssem.at[b]).wait()

    def step(k, carry):
        wait_gather(2 * k, 0)
        start_scatter(2 * k, 0)

        @pl.when(k > 0)
        def _():
            wait_scatter(2 * k - 1, 1)
        start_gather(2 * k + 1, 1)
        wait_gather(2 * k + 1, 1)
        start_scatter(2 * k + 1, 1)
        wait_scatter(2 * k, 0)

        @pl.when(k < AGG_PAIRS - 1)
        def _():
            start_gather(2 * k + 2, 0)
        return carry

    acc_sl = pl.ds(s * TILE_SLICE, TILE_SLICE)
    tab_sl = pl.ds(s * STAGE_ROWS, STAGE_ROWS)
    for qq in range(2):
        qcol = pl.ds((c * 2 + qq) * QW, QW)
        pltpu.sync_copy(zrow, acc_sh.at[acc_sl])
        pltpu.sync_copy(qall.at[tab_sl, qcol], table_sh.at[tab_sl])
        plsc.subcore_barrier()
        start_gather(0, 0)
        lax.fori_loop(0, AGG_PAIRS, step, 0)
        wait_scatter(2 * AGG_PAIRS - 1, 1)
        plsc.subcore_barrier()
        pltpu.sync_copy(acc_sh.at[acc_sl], oall.at[acc_sl, qcol])


_agg_kernel = pl.kernel(
    _agg_body,
    out_type=jax.ShapeDtypeStruct((N_PAD, 128), jnp.float32),
    mesh=_MESH,
    scratch_types=[
        pltpu.VMEM((AGG_CHUNKS, CHUNK_E), jnp.int32),
        pltpu.VMEM((AGG_CHUNKS, CHUNK_E), jnp.int32),
        pltpu.VMEM((2, CHUNK_E, QW), jnp.float32),
        pltpu.VMEM_SHARED((N_NODES, QW), jnp.float32),
        pltpu.VMEM_SHARED((N_PAD, QW), jnp.float32),
        pltpu.SemaphoreType.DMA((2,)),
        pltpu.SemaphoreType.DMA((2,)),
    ],
    compiler_params=_SC_PARAMS,
)

BN = 256
GRID = N_PAD // BN


def _norm_from(d0, d1):
    deg = d0[0][:, 0:1] + d1[0][:, 0:1]
    return lax.rsqrt(jnp.maximum(deg, 1.0))


def _scale_x_body(x_ref, d0, d1, o_ref):
    o_ref[...] = x_ref[...] * _norm_from(d0, d1)


def _layer_body(a_ref, d0, d1, w_ref, b_ref, o_ref):
    norm = _norm_from(d0, d1)
    h = a_ref[...] * norm
    t = jnp.dot(h, w_ref[...], preferred_element_type=jnp.float32)
    o_ref[...] = jnp.maximum(t + b_ref[...], 0.0) * norm


def _head_body(a_ref, d0, d1, w_ref, b_ref, wl1_ref, bl1_ref,
               wl2_ref, bl2_ref, o_ref):
    norm = _norm_from(d0, d1)
    h = a_ref[...] * norm
    t = jnp.dot(h, w_ref[...], preferred_element_type=jnp.float32)
    t = jnp.maximum(t + b_ref[...], 0.0)
    t = jnp.dot(t, wl1_ref[...], preferred_element_type=jnp.float32)
    t = jnp.maximum(t + bl1_ref[...], 0.0)
    t = jnp.dot(t, wl2_ref[...], preferred_element_type=jnp.float32)
    o_ref[...] = t + bl2_ref[...]


def _row_spec(width):
    return pl.BlockSpec((BN, width), lambda i: (i, 0))


def _half_spec(width):
    return pl.BlockSpec((1, BN, width), lambda i: (0, i, 0))


def _full_spec(shape):
    return pl.BlockSpec(shape, lambda i: tuple(0 for _ in shape))


def kernel(x, edge_index, W1, b1, W2, b2, Wl1, bl1, Wl2, bl2):
    src = edge_index[0]
    dst = edge_index[1]
    pad = E_PAD - N_EDGES
    srcp = jnp.concatenate([src, jnp.zeros((pad,), jnp.int32)])
    dstp = jnp.concatenate([dst, jnp.full((pad,), N_PAD - 1, jnp.int32)])
    dst2d = dstp.reshape(E_ROWS, 128)
    srcc = srcp.reshape(E_PAD // CHUNK_E, CHUNK_E)
    dstc = dstp.reshape(E_PAD // CHUNK_E, CHUNK_E)

    upd = jnp.zeros((128, 16), jnp.float32).at[:, 0].set(1.0)
    zrow16 = jnp.zeros((TILE_SLICE, 16), jnp.float32)
    zrow32 = jnp.zeros((TILE_SLICE, QW), jnp.float32)

    deg0, deg1 = _deg_kernel(dst2d, upd, zrow16)
    d0b, d1b = deg0[None], deg1[None]

    h1 = pl.pallas_call(
        _scale_x_body,
        grid=(GRID,),
        in_specs=[_row_spec(128), _half_spec(16), _half_spec(16)],
        out_specs=_row_spec(128),
        out_shape=jax.ShapeDtypeStruct((N_NODES, 128), jnp.float32),
    )(x, d0b, d1b)

    a1 = _agg_kernel(h1, srcc, dstc, zrow32)

    h2 = pl.pallas_call(
        _layer_body,
        grid=(GRID,),
        in_specs=[_row_spec(128),
                  _half_spec(16), _half_spec(16),
                  _full_spec((128, 128)), _full_spec((1, 128))],
        out_specs=_row_spec(128),
        out_shape=jax.ShapeDtypeStruct((N_NODES, 128), jnp.float32),
    )(a1, d0b, d1b, W1, b1.reshape(1, 128))

    a2 = _agg_kernel(h2, srcc, dstc, zrow32)

    out = pl.pallas_call(
        _head_body,
        grid=(GRID,),
        in_specs=[_row_spec(128),
                  _half_spec(16), _half_spec(16),
                  _full_spec((128, 128)), _full_spec((1, 128)),
                  _full_spec((128, HALF)), _full_spec((1, HALF)),
                  _full_spec((HALF, 16)), _full_spec((1, 16))],
        out_specs=_row_spec(16),
        out_shape=jax.ShapeDtypeStruct((N_NODES, 16), jnp.float32),
    )(a2, d0b, d1b,
      W2, b2.reshape(1, 128), Wl1, bl1.reshape(1, HALF),
      Wl2, bl2.reshape(1, 16))
    return out

# --- scband reference (transcript-rebuilt; emitter-appended) ---
"""Pipeline reference for scband-gcn-32444182954549 (READ-ONLY COPY).

The authoritative reference and input builder live on the scoring server;
editing this copy changes nothing except your own understanding.
"""

import jax, jax.numpy as jnp
import numpy as np

N = 10000
E = 320000
D = 128
H = 128
C = 16


def setup_inputs(seed: int = 0) -> dict:
    key = jax.random.key(seed)
    ks = jax.random.split(key, 12)
    x = jax.random.normal(ks[0], (N, D), dtype=jnp.float32)
    edge_index = jax.random.randint(ks[1], (2, E), 0, N, dtype=jnp.int32)
    s = 0.05
    W1 = jax.random.normal(ks[2], (D, H), dtype=jnp.float32) * s
    b1 = jnp.zeros((H,), dtype=jnp.float32)
    W2 = jax.random.normal(ks[3], (H, H), dtype=jnp.float32) * s
    b2 = jnp.zeros((H,), dtype=jnp.float32)
    Wl1 = jax.random.normal(ks[4], (H, H // 2), dtype=jnp.float32) * s
    bl1 = jnp.zeros((H // 2,), dtype=jnp.float32)
    Wl2 = jax.random.normal(ks[5], (H // 2, C), dtype=jnp.float32) * s
    bl2 = jnp.zeros((C,), dtype=jnp.float32)
    return {"x": x, "edge_index": edge_index, "W1": W1, "b1": b1,
            "W2": W2, "b2": b2, "Wl1": Wl1, "bl1": bl1,
            "Wl2": Wl2, "bl2": bl2}


def _graph_conv(h, src, dst, W, b):
    # DGL GraphConv with norm='both': D^{-1/2} A D^{-1/2} X W, then ReLU activation
    deg = jnp.zeros((N,), jnp.float32).at[dst].add(1.0)
    deg = jnp.clip(deg, 1.0, None)
    norm = jax.lax.rsqrt(deg)
    h = h * norm[:, None]
    msgs = jnp.take(h, src, axis=0)                      # gather from source nodes
    agg = jnp.zeros((N, h.shape[1]), h.dtype).at[dst].add(msgs)  # scatter-add to dst
    agg = agg * norm[:, None]
    out = agg @ W + b
    return jax.nn.relu(out)


def reference(x, edge_index, W1, b1, W2, b2, Wl1, bl1, Wl2, bl2):
    src = edge_index[0]
    dst = edge_index[1]
    h = _graph_conv(x, src, dst, W1, b1)
    h = _graph_conv(h, src, dst, W2, b2)
    h = jax.nn.relu(h @ Wl1 + bl1)
    h = h @ Wl2 + bl2
    return h

if __name__ == "__main__":
    import jax
    _d = setup_inputs()
    print(jax.jit(kernel)(*tuple(_d.values())))

</pallas_src>

<mosaic_0001>
#map = affine_map<(d0, d1) -> (0, 0)>
module attributes {stable_mosaic.version = 14 : i64} {
  func.func @_agg_body(%arg0: i32, %arg1: i32, %arg2: memref<10000x128xf32, #tpu.memory_space<hbm>>, %arg3: memref<512x640xi32, #tpu.memory_space<hbm>>, %arg4: memref<512x640xi32, #tpu.memory_space<hbm>>, %arg5: memref<640x32xf32, #tpu.memory_space<hbm>>, %arg6: memref<10240x128xf32, #tpu.memory_space<hbm>>, %arg7: memref<32x640xi32, #tpu.memory_space<vmem>>, %arg8: memref<32x640xi32, #tpu.memory_space<vmem>>, %arg9: memref<2x640x32xf32, #tpu.memory_space<vmem>>, %arg10: memref<10000x32xf32, #tpu.memory_space<vmem_shared>>, %arg11: memref<10240x32xf32, #tpu.memory_space<vmem_shared>>, %arg12: memref<2x!tpu.dma_semaphore, #tpu.memory_space<semaphore_mem>>, %arg13: memref<2x!tpu.dma_semaphore, #tpu.memory_space<semaphore_mem>>) attributes {dimension_semantics = [#tpu.dimension_semantics<core_parallel>, #tpu.dimension_semantics<subcore_parallel>], iteration_bounds = array<i64: 2, 16>, scalar_prefetch = 0 : i64, scratch_operands = 7 : i64, tpu.core_type = #tpu.core_type<sc_vector_subcore>, window_params = [{transform_indices = #map}, {transform_indices = #map}, {transform_indices = #map}, {transform_indices = #map}, {transform_indices = #map}]} {
    %mul3A = arith.constant 32 : i32
    %mul3A_0 = arith.muli %arg1, %mul3A : i32
    "tpu.region"() ({
      %run_scoped3A = tpu.sem_alloc : memref<!tpu.dma_semaphore, #tpu.memory_space<semaphore_mem>>
      %dma_start3A_88 = arith.constant 0 : i32
      %dma_start3A_89 = tpu.memref_slice %arg3[%mul3A_0, %dma_start3A_88] : memref<512x640xi32, #tpu.memory_space<hbm>> -> memref<32x640xi32, #tpu.memory_space<hbm>>
      %dma_start3A_90 = arith.constant 0 : i32
      %dma_start3A_91 = tpu.memref_slice %arg3[%mul3A_0, %dma_start3A_90] : memref<512x640xi32, #tpu.memory_space<hbm>> -> memref<32x640xi32, #tpu.memory_space<hbm>>
      tpu.enqueue_dma source(%dma_start3A_91 : memref<32x640xi32, #tpu.memory_space<hbm>>) target(%arg8 : memref<32x640xi32, #tpu.memory_space<vmem>>) target_semaphore(%run_scoped3A : memref<!tpu.dma_semaphore, #tpu.memory_space<semaphore_mem>>)
      %dma_wait3A_92 = arith.constant 0 : i32
      %dma_wait3A_93 = tpu.memref_slice %arg3[%mul3A_0, %dma_wait3A_92] : memref<512x640xi32, #tpu.memory_space<hbm>> -> memref<32x640xi32, #tpu.memory_space<hbm>>
      %dma_wait3A_94 = arith.constant 0 : i32
      %dma_wait3A_95 = tpu.memref_slice %arg3[%mul3A_0, %dma_wait3A_94] : memref<512x640xi32, #tpu.memory_space<hbm>> -> memref<32x640xi32, #tpu.memory_space<hbm>>
      tpu.wait_dma2 semaphore(%run_scoped3A : memref<!tpu.dma_semaphore, #tpu.memory_space<semaphore_mem>>) src(%dma_wait3A_95 : memref<32x640xi32, #tpu.memory_space<hbm>>) dst(%arg8 : memref<32x640xi32, #tpu.memory_space<vmem>>)
      tpu.yield
    }) : () -> ()
    "tpu.region"() ({
      %run_scoped3A = tpu.sem_alloc : memref<!tpu.dma_semaphore, #tpu.memory_space<semaphore_mem>>
      %dma_start3A_88 = arith.constant 0 : i32
      %dma_start3A_89 = tpu.memref_slice %arg4[%mul3A_0, %dma_start3A_88] : memref<512x640xi32, #tpu.memory_space<hbm>> -> memref<32x640xi32, #tpu.memory_space<hbm>>
      %dma_start3A_90 = arith.constant 0 : i32
      %dma_start3A_91 = tpu.memref_slice %arg4[%mul3A_0, %dma_start3A_90] : memref<512x640xi32, #tpu.memory_space<hbm>> -> memref<32x640xi32, #tpu.memory_space<hbm>>
      tpu.enqueue_dma source(%dma_start3A_91 : memref<32x640xi32, #tpu.memory_space<hbm>>) target(%arg7 : memref<32x640xi32, #tpu.memory_space<vmem>>) target_semaphore(%run_scoped3A : memref<!tpu.dma_semaphore, #tpu.memory_space<semaphore_mem>>)
      %dma_wait3A_92 = arith.constant 0 : i32
      %dma_wait3A_93 = tpu.memref_slice %arg4[%mul3A_0, %dma_wait3A_92] : memref<512x640xi32, #tpu.memory_space<hbm>> -> memref<32x640xi32, #tpu.memory_space<hbm>>
      %dma_wait3A_94 = arith.constant 0 : i32
      %dma_wait3A_95 = tpu.memref_slice %arg4[%mul3A_0, %dma_wait3A_94] : memref<512x640xi32, #tpu.memory_space<hbm>> -> memref<32x640xi32, #tpu.memory_space<hbm>>
      tpu.wait_dma2 semaphore(%run_scoped3A : memref<!tpu.dma_semaphore, #tpu.memory_space<semaphore_mem>>) src(%dma_wait3A_95 : memref<32x640xi32, #tpu.memory_space<hbm>>) dst(%arg7 : memref<32x640xi32, #tpu.memory_space<vmem>>)
      tpu.yield
    }) : () -> ()
    %mul3A_1 = arith.constant 640 : i32
    %mul3A_2 = arith.muli %arg1, %mul3A_1 : i32
    %mul3A_3 = arith.constant 625 : i32
    %mul3A_4 = arith.muli %arg1, %mul3A_3 : i32
    %mul3A_5 = arith.constant 2 : i32
    %mul3A_6 = arith.muli %arg0, %mul3A_5 : i32
    %add3A = arith.constant 0 : i32
    %add3A_7 = arith.addi %mul3A_6, %add3A : i32
    %mul3A_8 = arith.constant 32 : i32
    %mul3A_9 = arith.muli %add3A_7, %mul3A_8 : i32
    "tpu.region"() ({
      %run_scoped3A = tpu.sem_alloc : memref<!tpu.dma_semaphore, #tpu.memory_space<semaphore_mem>>
      %dma_start3A_88 = arith.constant 0 : i32
      %dma_start3A_89 = tpu.memref_slice %arg11[%mul3A_2, %dma_start3A_88] : memref<10240x32xf32, #tpu.memory_space<vmem_shared>> -> memref<640x32xf32, #tpu.memory_space<vmem_shared>>
      tpu.enqueue_dma source(%arg5 : memref<640x32xf32, #tpu.memory_space<hbm>>) target(%dma_start3A_89 : memref<640x32xf32, #tpu.memory_space<vmem_shared>>) target_semaphore(%run_scoped3A : memref<!tpu.dma_semaphore, #tpu.memory_space<semaphore_mem>>)
      %dma_wait3A_90 = arith.constant 0 : i32
      %dma_wait3A_91 = tpu.memref_slice %arg11[%mul3A_2, %dma_wait3A_90] : memref<10240x32xf32, #tpu.memory_space<vmem_shared>> -> memref<640x32xf32, #tpu.memory_space<vmem_shared>>
      tpu.wait_dma2 semaphore(%run_scoped3A : memref<!tpu.dma_semaphore, #tpu.memory_space<semaphore_mem>>) src(%arg5 : memref<640x32xf32, #tpu.memory_space<hbm>>) dst(%dma_wait3A_91 : memref<640x32xf32, #tpu.memory_space<vmem_shared>>)
      tpu.yield
    }) : () -> ()
    "tpu.region"() ({
      %run_scoped3A = tpu.sem_alloc : memref<!tpu.dma_semaphore, #tpu.memory_space<semaphore_mem>>
      %dma_start3A_88 = arith.constant 0 : i32
      %dma_start3A_89 = tpu.memref_slice %arg10[%mul3A_4, %dma_start3A_88] : memref<10000x32xf32, #tpu.memory_space<vmem_shared>> -> memref<625x32xf32, #tpu.memory_space<vmem_shared>>
      %dma_start3A_90 = tpu.memref_slice %arg2[%mul3A_4, %mul3A_9] : memref<10000x128xf32, #tpu.memory_space<hbm>> -> memref<625x32xf32, #tpu.memory_space<hbm>>
      tpu.enqueue_dma source(%dma_start3A_90 : memref<625x32xf32, #tpu.memory_space<hbm>>) target(%dma_start3A_89 : memref<625x32xf32, #tpu.memory_space<vmem_shared>>) target_semaphore(%run_scoped3A : memref<!tpu.dma_semaphore, #tpu.memory_space<semaphore_mem>>)
      %dma_wait3A_91 = arith.constant 0 : i32
      %dma_wait3A_92 = tpu.memref_slice %arg10[%mul3A_4, %dma_wait3A_91] : memref<10000x32xf32, #tpu.memory_space<vmem_shared>> -> memref<625x32xf32, #tpu.memory_space<vmem_shared>>
      %dma_wait3A_93 = tpu.memref_slice %arg2[%mul3A_4, %mul3A_9] : memref<10000x128xf32, #tpu.memory_space<hbm>> -> memref<625x32xf32, #tpu.memory_space<hbm>>
      tpu.wait_dma2 semaphore(%run_scoped3A : memref<!tpu.dma_semaphore, #tpu.memory_space<semaphore_mem>>) src(%dma_wait3A_93 : memref<625x32xf32, #tpu.memory_space<hbm>>) dst(%dma_wait3A_92 : memref<625x32xf32, #tpu.memory_space<vmem_shared>>)
      tpu.yield
    }) : () -> ()
    %barrier3A = arith.constant 0 : index
    tpu.barrier barrier_id(%barrier3A)
    %dma_start3A = arith.constant 0 : i32
    %dma_start3A_10 = arith.constant 0 : i32
    %dma_start3A_11 = arith.constant 0 : i32
    %dma_start3A_12 = arith.constant 0 : i32
    %dma_start3A_13 = arith.constant 0 : i32
    %dma_start3A_14 = tpu.memref_slice %arg9[%dma_start3A_10, %dma_start3A_12, %dma_start3A_13] : memref<2x640x32xf32, #tpu.memory_space<vmem>> -> memref<1x640x32xf32, #tpu.memory_space<vmem>>
    %dma_start3A_15 = tpu.memref_squeeze %dma_start3A_14 : memref<1x640x32xf32, #tpu.memory_space<vmem>> -> memref<640x32xf32, #tpu.memory_space<vmem>>
    %dma_start3A_16 = arith.constant 0 : i32
    %dma_start3A_17 = tpu.memref_slice %arg8[%dma_start3A, %dma_start3A_16] : memref<32x640xi32, #tpu.memory_space<vmem>> -> memref<1x640xi32, #tpu.memory_space<vmem>>
    %dma_start3A_18 = tpu.memref_squeeze %dma_start3A_17 : memref<1x640xi32, #tpu.memory_space<vmem>> -> memref<640xi32, #tpu.memory_space<vmem>>
    %dma_start3A_19 = arith.constant 0 : i32
    %dma_start3A_20 = arith.constant 0 : i32
    %dma_start3A_21 = tpu.memref_slice %arg10[%dma_start3A_19, %dma_start3A_20] : memref<10000x32xf32, #tpu.memory_space<vmem_shared>> -> memref<10000x32xf32, #tpu.memory_space<vmem_shared>>
    %dma_start3A_22 = tpu.memref_slice %arg12[%dma_start3A_11] : memref<2x!tpu.dma_semaphore, #tpu.memory_space<semaphore_mem>> -> memref<1x!tpu.dma_semaphore, #tpu.memory_space<semaphore_mem>>
    %dma_start3A_23 = tpu.memref_squeeze %dma_start3A_22 : memref<1x!tpu.dma_semaphore, #tpu.memory_space<semaphore_mem>> -> memref<!tpu.dma_semaphore, #tpu.memory_space<semaphore_mem>>
    tpu.enqueue_indirect_dma source(%dma_start3A_21 : memref<10000x32xf32, #tpu.memory_space<vmem_shared>>) target(%dma_start3A_15 : memref<640x32xf32, #tpu.memory_space<vmem>>) offsets(%dma_start3A_18 : memref<640xi32, #tpu.memory_space<vmem>>) semaphore(%dma_start3A_23 : memref<!tpu.dma_semaphore, #tpu.memory_space<semaphore_mem>>)
    %scan3A = arith.constant 0 : i32
    %scan3A_24 = arith.constant 0 : i32
    %scan3A_25 = arith.constant 16 : i32
    %scan3A_26 = arith.addi %scan3A_24, %scan3A_25 : i32
    %scan3A_27 = arith.constant 1 : i32
    scf.for %scan3A_88 = %scan3A_24 to %scan3A_26 step %scan3A_27  : i32 {
      %mul3A_89 = arith.constant 2 : i32
      %mul3A_90 = arith.muli %mul3A_89, %scan3A_88 : i32
      %dma_wait3A_91 = arith.constant 0 : i32
      %dma_wait3A_92 = arith.constant 0 : i32
      %dma_wait3A_93 = arith.constant 0 : i32
      %dma_wait3A_94 = arith.constant 0 : i32
      %dma_wait3A_95 = tpu.memref_slice %arg9[%dma_wait3A_91, %dma_wait3A_93, %dma_wait3A_94] : memref<2x640x32xf32, #tpu.memory_space<vmem>> -> memref<1x640x32xf32, #tpu.memory_space<vmem>>
      %dma_wait3A_96 = tpu.memref_squeeze %dma_wait3A_95 : memref<1x640x32xf32, #tpu.memory_space<vmem>> -> memref<640x32xf32, #tpu.memory_space<vmem>>
      %dma_wait3A_97 = arith.constant 0 : i32
      %dma_wait3A_98 = tpu.memref_slice %arg8[%mul3A_90, %dma_wait3A_97] : memref<32x640xi32, #tpu.memory_space<vmem>> -> memref<1x640xi32, #tpu.memory_space<vmem>>
      %dma_wait3A_99 = tpu.memref_squeeze %dma_wait3A_98 : memref<1x640xi32, #tpu.memory_space<vmem>> -> memref<640xi32, #tpu.memory_space<vmem>>
      %dma_wait3A_100 = arith.constant 0 : i32
      %dma_wait3A_101 = arith.constant 0 : i32
      %dma_wait3A_102 = tpu.memref_slice %arg10[%dma_wait3A_100, %dma_wait3A_101] : memref<10000x32xf32, #tpu.memory_space<vmem_shared>> -> memref<10000x32xf32, #tpu.memory_space<vmem_shared>>
      %dma_wait3A_103 = tpu.memref_slice %arg12[%dma_wait3A_92] : memref<2x!tpu.dma_semaphore, #tpu.memory_space<semaphore_mem>> -> memref<1x!tpu.dma_semaphore, #tpu.memory_space<semaphore_mem>>
      %dma_wait3A_104 = tpu.memref_squeeze %dma_wait3A_103 : memref<1x!tpu.dma_semaphore, #tpu.memory_space<semaphore_mem>> -> memref<!tpu.dma_semaphore, #tpu.memory_space<semaphore_mem>>
      tpu.wait_indirect_dma semaphore(%dma_wait3A_104 : memref<!tpu.dma_semaphore, #tpu.memory_space<semaphore_mem>>) src(%dma_wait3A_102 : memref<10000x32xf32, #tpu.memory_space<vmem_shared>>) dst(%dma_wait3A_96 : memref<640x32xf32, #tpu.memory_space<vmem>>)
      %mul3A_105 = arith.constant 2 : i32
      %mul3A_106 = arith.muli %mul3A_105, %scan3A_88 : i32
      %dma_start3A_107 = arith.constant 0 : i32
      %dma_start3A_108 = arith.constant 0 : i32
      %dma_start3A_109 = arith.constant 0 : i32
      %dma_start3A_110 = arith.constant 0 : i32
      %dma_start3A_111 = tpu.memref_slice %arg9[%dma_start3A_107, %dma_start3A_109, %dma_start3A_110] : memref<2x640x32xf32, #tpu.memory_space<vmem>> -> memref<1x640x32xf32, #tpu.memory_space<vmem>>
      %dma_start3A_112 = tpu.memref_squeeze %dma_start3A_111 : memref<1x640x32xf32, #tpu.memory_space<vmem>> -> memref<640x32xf32, #tpu.memory_space<vmem>>
      %dma_start3A_113 = arith.constant 0 : i32
      %dma_start3A_114 = tpu.memref_slice %arg7[%mul3A_106, %dma_start3A_113] : memref<32x640xi32, #tpu.memory_space<vmem>> -> memref<1x640xi32, #tpu.memory_space<vmem>>
      %dma_start3A_115 = tpu.memref_squeeze %dma_start3A_114 : memref<1x640xi32, #tpu.memory_space<vmem>> -> memref<640xi32, #tpu.memory_space<vmem>>
      %dma_start3A_116 = arith.constant 0 : i32
      %dma_start3A_117 = arith.constant 0 : i32
      %dma_start3A_118 = tpu.memref_slice %arg11[%dma_start3A_116, %dma_start3A_117] : memref<10240x32xf32, #tpu.memory_space<vmem_shared>> -> memref<10240x32xf32, #tpu.memory_space<vmem_shared>>
      %dma_start3A_119 = tpu.memref_slice %arg13[%dma_start3A_108] : memref<2x!tpu.dma_semaphore, #tpu.memory_space<semaphore_mem>> -> memref<1x!tpu.dma_semaphore, #tpu.memory_space<semaphore_mem>>
      %dma_start3A_120 = tpu.memref_squeeze %dma_start3A_119 : memref<1x!tpu.dma_semaphore, #tpu.memory_space<semaphore_mem>> -> memref<!tpu.dma_semaphore, #tpu.memory_space<semaphore_mem>>
      tpu.enqueue_indirect_dma source(%dma_start3A_112 : memref<640x32xf32, #tpu.memory_space<vmem>>) target(%dma_start3A_118 : memref<10240x32xf32, #tpu.memory_space<vmem_shared>>) offsets(%dma_start3A_115 : memref<640xi32, #tpu.memory_space<vmem>>) semaphore(%dma_start3A_120 : memref<!tpu.dma_semaphore, #tpu.memory_space<semaphore_mem>>) {add = true}
      %gt3A = arith.constant 0 : i32
      %gt3A_121 = arith.cmpi sgt, %scan3A_88, %gt3A : i32
      %convert_element_type3A = arith.extui %gt3A_121 : i1 to i32
      %cond3A = arith.constant 0 : i32
      %cond3A_122 = arith.cmpi ne, %convert_element_type3A, %cond3A : i32
      scf.if %cond3A_122 {
        %mul3A_197 = arith.constant 2 : i32
        %mul3A_198 = arith.muli %mul3A_197, %scan3A_88 : i32
        %sub3A = arith.constant 1 : i32
        %sub3A_199 = arith.subi %mul3A_198, %sub3A : i32
        %dma_wait3A_200 = arith.constant 1 : i32
        %dma_wait3A_201 = arith.constant 1 : i32
        %dma_wait3A_202 = arith.constant 0 : i32
        %dma_wait3A_203 = arith.constant 0 : i32
        %dma_wait3A_204 = tpu.memref_slice %arg9[%dma_wait3A_200, %dma_wait3A_202, %dma_wait3A_203] : memref<2x640x32xf32, #tpu.memory_space<vmem>> -> memref<1x640x32xf32, #tpu.memory_space<vmem>>
        %dma_wait3A_205 = tpu.memref_squeeze %dma_wait3A_204 : memref<1x640x32xf32, #tpu.memory_space<vmem>> -> memref<640x32xf32, #tpu.memory_space<vmem>>
        %dma_wait3A_206 = arith.constant 0 : i32
        %dma_wait3A_207 = tpu.memref_slice %arg7[%sub3A_199, %dma_wait3A_206] : memref<32x640xi32, #tpu.memory_space<vmem>> -> memref<1x640xi32, #tpu.memory_space<vmem>>
        %dma_wait3A_208 = tpu.memref_squeeze %dma_wait3A_207 : memref<1x640xi32, #tpu.memory_space<vmem>> -> memref<640xi32, #tpu.memory_space<vmem>>
        %dma_wait3A_209 = arith.constant 0 : i32
        %dma_wait3A_210 = arith.constant 0 : i32
        %dma_wait3A_211 = tpu.memref_slice %arg11[%dma_wait3A_209, %dma_wait3A_210] : memref<10240x32xf32, #tpu.memory_space<vmem_shared>> -> memref<10240x32xf32, #tpu.memory_space<vmem_shared>>
        %dma_wait3A_212 = tpu.memref_slice %arg13[%dma_wait3A_201] : memref<2x!tpu.dma_semaphore, #tpu.memory_space<semaphore_mem>> -> memref<1x!tpu.dma_semaphore, #tpu.memory_space<semaphore_mem>>
        %dma_wait3A_213 = tpu.memref_squeeze %dma_wait3A_212 : memref<1x!tpu.dma_semaphore, #tpu.memory_space<semaphore_mem>> -> memref<!tpu.dma_semaphore, #tpu.memory_space<semaphore_mem>>
        tpu.wait_indirect_dma semaphore(%dma_wait3A_213 : memref<!tpu.dma_semaphore, #tpu.memory_space<semaphore_mem>>) src(%dma_wait3A_205 : memref<640x32xf32, #tpu.memory_space<vmem>>) dst(%dma_wait3A_211 : memref<10240x32xf32, #tpu.memory_space<vmem_shared>>)
      } else {
      }
      %mul3A_123 = arith.constant 2 : i32
      %mul3A_124 = arith.muli %mul3A_123, %scan3A_88 : i32
      %add3A_125 = arith.constant 1 : i32
      %add3A_126 = arith.addi %mul3A_124, %add3A_125 : i32
      %dma_start3A_127 = arith.constant 1 : i32
      %dma_start3A_128 = arith.constant 1 : i32
      %dma_start3A_129 = arith.constant 0 : i32
      %dma_start3A_130 = arith.constant 0 : i32
      %dma_start3A_131 = tpu.memref_slice %arg9[%dma_start3A_127, %dma_start3A_129, %dma_start3A_130] : memref<2x640x32xf32, #tpu.memory_space<vmem>> -> memref<1x640x32xf32, #tpu.memory_space<vmem>>
      %dma_start3A_132 = tpu.memref_squeeze %dma_start3A_131 : memref<1x640x32xf32, #tpu.memory_space<vmem>> -> memref<640x32xf32, #tpu.memory_space<vmem>>
      %dma_start3A_133 = arith.constant 0 : i32
      %dma_start3A_134 = tpu.memref_slice %arg8[%add3A_126, %dma_start3A_133] : memref<32x640xi32, #tpu.memory_space<vmem>> -> memref<1x640xi32, #tpu.memory_space<vmem>>
      %dma_start3A_135 = tpu.memref_squeeze %dma_start3A_134 : memref<1x640xi32, #tpu.memory_space<vmem>> -> memref<640xi32, #tpu.memory_space<vmem>>
      %dma_start3A_136 = arith.constant 0 : i32
      %dma_start3A_137 = arith.constant 0 : i32
      %dma_start3A_138 = tpu.memref_slice %arg10[%dma_start3A_136, %dma_start3A_137] : memref<10000x32xf32, #tpu.memory_space<vmem_shared>> -> memref<10000x32xf32, #tpu.memory_space<vmem_shared>>
      %dma_start3A_139 = tpu.memref_slice %arg12[%dma_start3A_128] : memref<2x!tpu.dma_semaphore, #tpu.memory_space<semaphore_mem>> -> memref<1x!tpu.dma_semaphore, #tpu.memory_space<semaphore_mem>>
      %dma_start3A_140 = tpu.memref_squeeze %dma_start3A_139 : memref<1x!tpu.dma_semaphore, #tpu.memory_space<semaphore_mem>> -> memref<!tpu.dma_semaphore, #tpu.memory_space<semaphore_mem>>
      tpu.enqueue_indirect_dma source(%dma_start3A_138 : memref<10000x32xf32, #tpu.memory_space<vmem_shared>>) target(%dma_start3A_132 : memref<640x32xf32, #tpu.memory_space<vmem>>) offsets(%dma_start3A_135 : memref<640xi32, #tpu.memory_space<vmem>>) semaphore(%dma_start3A_140 : memref<!tpu.dma_semaphore, #tpu.memory_space<semaphore_mem>>)
      %mul3A_141 = arith.constant 2 : i32
      %mul3A_142 = arith.muli %mul3A_141, %scan3A_88 : i32
      %add3A_143 = arith.constant 1 : i32
      %add3A_144 = arith.addi %mul3A_142, %add3A_143 : i32
      %dma_wait3A_145 = arith.constant 1 : i32
      %dma_wait3A_146 = arith.constant 1 : i32
      %dma_wait3A_147 = arith.constant 0 : i32
      %dma_wait3A_148 = arith.constant 0 : i32
      %dma_wait3A_149 = tpu.memref_slice %arg9[%dma_wait3A_145, %dma_wait3A_147, %dma_wait3A_148] : memref<2x640x32xf32, #tpu.memory_space<vmem>> -> memref<1x640x32xf32, #tpu.memory_space<vmem>>
      %dma_wait3A_150 = tpu.memref_squeeze %dma_wait3A_149 : memref<1x640x32xf32, #tpu.memory_space<vmem>> -> memref<640x32xf32, #tpu.memory_space<vmem>>
      %dma_wait3A_151 = arith.constant 0 : i32
      %dma_wait3A_152 = tpu.memref_slice %arg8[%add3A_144, %dma_wait3A_151] : memref<32x640xi32, #tpu.memory_space<vmem>> -> memref<1x640xi32, #tpu.memory_space<vmem>>
      %dma_wait3A_153 = tpu.memref_squeeze %dma_wait3A_152 : memref<1x640xi32, #tpu.memory_space<vmem>> -> memref<640xi32, #tpu.memory_space<vmem>>
      %dma_wait3A_154 = arith.constant 0 : i32
      %dma_wait3A_155 = arith.constant 0 : i32
      %dma_wait3A_156 = tpu.memref_slice %arg10[%dma_wait3A_154, %dma_wait3A_155] : memref<10000x32xf32, #tpu.memory_space<vmem_shared>> -> memref<10000x32xf32, #tpu.memory_space<vmem_shared>>
      %dma_wait3A_157 = tpu.memref_slice %arg12[%dma_wait3A_146] : memref<2x!tpu.dma_semaphore, #tpu.memory_space<semaphore_mem>> -> memref<1x!tpu.dma_semaphore, #tpu.memory_space<semaphore_mem>>
      %dma_wait3A_158 = tpu.memref_squeeze %dma_wait3A_157 : memref<1x!tpu.dma_semaphore, #tpu.memory_space<semaphore_mem>> -> memref<!tpu.dma_semaphore, #tpu.memory_space<semaphore_mem>>
      tpu.wait_indirect_dma semaphore(%dma_wait3A_158 : memref<!tpu.dma_semaphore, #tpu.memory_space<semaphore_mem>>) src(%dma_wait3A_156 : memref<10000x32xf32, #tpu.memory_space<vmem_shared>>) dst(%dma_wait3A_150 : memref<640x32xf32, #tpu.memory_space<vmem>>)
      %mul3A_159 = arith.constant 2 : i32
      %mul3A_160 = arith.muli %mul3A_159, %scan3A_88 : i32
      %add3A_161 = arith.constant 1 : i32
      %add3A_162 = arith.addi %mul3A_160, %add3A_161 : i32
      %dma_start3A_163 = arith.constant 1 : i32
      %dma_start3A_164 = arith.constant 1 : i32
      %dma_start3A_165 = arith.constant 0 : i32
      %dma_start3A_166 = arith.constant 0 : i32
      %dma_start3A_167 = tpu.memref_slice %arg9[%dma_start3A_163, %dma_start3A_165, %dma_start3A_166] : memref<2x640x32xf32, #tpu.memory_space<vmem>> -> memref<1x640x32xf32, #tpu.memory_space<vmem>>
      %dma_start3A_168 = tpu.memref_squeeze %dma_start3A_167 : memref<1x640x32xf32, #tpu.memory_space<vmem>> -> memref<640x32xf32, #tpu.memory_space<vmem>>
      %dma_start3A_169 = arith.constant 0 : i32
      %dma_start3A_170 = tpu.memref_slice %arg7[%add3A_162, %dma_start3A_169] : memref<32x640xi32, #tpu.memory_space<vmem>> -> memref<1x640xi32, #tpu.memory_space<vmem>>
      %dma_start3A_171 = tpu.memref_squeeze %dma_start3A_170 : memref<1x640xi32, #tpu.memory_space<vmem>> -> memref<640xi32, #tpu.memory_space<vmem>>
      %dma_start3A_172 = arith.constant 0 : i32
      %dma_start3A_173 = arith.constant 0 : i32
      %dma_start3A_174 = tpu.memref_slice %arg11[%dma_start3A_172, %dma_start3A_173] : memref<10240x32xf32, #tpu.memory_space<vmem_shared>> -> memref<10240x32xf32, #tpu.memory_space<vmem_shared>>
      %dma_start3A_175 = tpu.memref_slice %arg13[%dma_start3A_164] : memref<2x!tpu.dma_semaphore, #tpu.memory_space<semaphore_mem>> -> memref<1x!tpu.dma_semaphore, #tpu.memory_space<semaphore_mem>>
      %dma_start3A_176 = tpu.memref_squeeze %dma_start3A_175 : memref<1x!tpu.dma_semaphore, #tpu.memory_space<semaphore_mem>> -> memref<!tpu.dma_semaphore, #tpu.memory_space<semaphore_mem>>
      tpu.enqueue_indirect_dma source(%dma_start3A_168 : memref<640x32xf32, #tpu.memory_space<vmem>>) target(%dma_start3A_174 : memref<10240x32xf32, #tpu.memory_space<vmem_shared>>) offsets(%dma_start3A_171 : memref<640xi32, #tpu.memory_space<vmem>>) semaphore(%dma_start3A_176 : memref<!tpu.dma_semaphore, #tpu.memory_space<semaphore_mem>>) {add = true}
      %mul3A_177 = arith.constant 2 : i32
      %mul3A_178 = arith.muli %mul3A_177, %scan3A_88 : i32
      %dma_wait3A_179 = arith.constant 0 : i32
      %dma_wait3A_180 = arith.constant 0 : i32
      %dma_wait3A_181 = arith.constant 0 : i32
      %dma_wait3A_182 = arith.constant 0 : i32
      %dma_wait3A_183 = tpu.memref_slice %arg9[%dma_wait3A_179, %dma_wait3A_181, %dma_wait3A_182] : memref<2x640x32xf32, #tpu.memory_space<vmem>> -> memref<1x640x32xf32, #tpu.memory_space<vmem>>
      %dma_wait3A_184 = tpu.memref_squeeze %dma_wait3A_183 : memref<1x640x32xf32, #tpu.memory_space<vmem>> -> memref<640x32xf32, #tpu.memory_space<vmem>>
      %dma_wait3A_185 = arith.constant 0 : i32
      %dma_wait3A_186 = tpu.memref_slice %arg7[%mul3A_178, %dma_wait3A_185] : memref<32x640xi32, #tpu.memory_space<vmem>> -> memref<1x640xi32, #tpu.memory_space<vmem>>
      %dma_wait3A_187 = tpu.memref_squeeze %dma_wait3A_186 : memref<1x640xi32, #tpu.memory_space<vmem>> -> memref<640xi32, #tpu.memory_space<vmem>>
      %dma_wait3A_188 = arith.constant 0 : i32
      %dma_wait3A_189 = arith.constant 0 : i32
      %dma_wait3A_190 = tpu.memref_slice %arg11[%dma_wait3A_188, %dma_wait3A_189] : memref<10240x32xf32, #tpu.memory_space<vmem_shared>> -> memref<10240x32xf32, #tpu.memory_space<vmem_shared>>
      %dma_wait3A_191 = tpu.memref_slice %arg13[%dma_wait3A_180] : memref<2x!tpu.dma_semaphore, #tpu.memory_space<semaphore_mem>> -> memref<1x!tpu.dma_semaphore, #tpu.memory_space<semaphore_mem>>
      %dma_wait3A_192 = tpu.memref_squeeze %dma_wait3A_191 : memref<1x!tpu.dma_semaphore, #tpu.memory_space<semaphore_mem>> -> memref<!tpu.dma_semaphore, #tpu.memory_space<semaphore_mem>>
      tpu.wait_indirect_dma semaphore(%dma_wait3A_192 : memref<!tpu.dma_semaphore, #tpu.memory_space<semaphore_mem>>) src(%dma_wait3A_184 : memref<640x32xf32, #tpu.memory_space<vmem>>) dst(%dma_wait3A_190 : memref<10240x32xf32, #tpu.memory_space<vmem_shared>>)
      %lt3A = arith.constant 15 : i32
      %lt3A_193 = arith.cmpi slt, %scan3A_88, %lt3A : i32
      %convert_element_type3A_194 = arith.extui %lt3A_193 : i1 to i32
      %cond3A_195 = arith.constant 0 : i32
      %cond3A_196 = arith.cmpi ne, %convert_element_type3A_194, %cond3A_195 : i32
      scf.if %cond3A_196 {
        %mul3A_197 = arith.constant 2 : i32
        %mul3A_198 = arith.muli %mul3A_197, %scan3A_88 : i32
        %add3A_199 = arith.constant 2 : i32
        %add3A_200 = arith.addi %mul3A_198, %add3A_199 : i32
        %dma_start3A_201 = arith.constant 0 : i32
        %dma_start3A_202 = arith.constant 0 : i32
        %dma_start3A_203 = arith.constant 0 : i32
        %dma_start3A_204 = arith.constant 0 : i32
        %dma_start3A_205 = tpu.memref_slice %arg9[%dma_start3A_201, %dma_start3A_203, %dma_start3A_204] : memref<2x640x32xf32, #tpu.memory_space<vmem>> -> memref<1x640x32xf32, #tpu.memory_space<vmem>>
        %dma_start3A_206 = tpu.memref_squeeze %dma_start3A_205 : memref<1x640x32xf32, #tpu.memory_space<vmem>> -> memref<640x32xf32, #tpu.memory_space<vmem>>
        %dma_start3A_207 = arith.constant 0 : i32
        %dma_start3A_208 = tpu.memref_slice %arg8[%add3A_200, %dma_start3A_207] : memref<32x640xi32, #tpu.memory_space<vmem>> -> memref<1x640xi32, #tpu.memory_space<vmem>>
        %dma_start3A_209 = tpu.memref_squeeze %dma_start3A_208 : memref<1x640xi32, #tpu.memory_space<vmem>> -> memref<640xi32, #tpu.memory_space<vmem>>
        %dma_start3A_210 = arith.constant 0 : i32
        %dma_start3A_211 = arith.constant 0 : i32
        %dma_start3A_212 = tpu.memref_slice %arg10[%dma_start3A_210, %dma_start3A_211] : memref<10000x32xf32, #tpu.memory_space<vmem_shared>> -> memref<10000x32xf32, #tpu.memory_space<vmem_shared>>
        %dma_start3A_213 = tpu.memref_slice %arg12[%dma_start3A_202] : memref<2x!tpu.dma_semaphore, #tpu.memory_space<semaphore_mem>> -> memref<1x!tpu.dma_semaphore, #tpu.memory_space<semaphore_mem>>
        %dma_start3A_214 = tpu.memref_squeeze %dma_start3A_213 : memref<1x!tpu.dma_semaphore, #tpu.memory_space<semaphore_mem>> -> memref<!tpu.dma_semaphore, #tpu.memory_space<semaphore_mem>>
        tpu.enqueue_indirect_dma source(%dma_start3A_212 : memref<10000x32xf32, #tpu.memory_space<vmem_shared>>) target(%dma_start3A_206 : memref<640x32xf32, #tpu.memory_space<vmem>>) offsets(%dma_start3A_209 : memref<640xi32, #tpu.memory_space<vmem>>) semaphore(%dma_start3A_214 : memref<!tpu.dma_semaphore, #tpu.memory_space<semaphore_mem>>)
      } else {
      }
    }
    %scan3A_28 = arith.constant 16 : i32
    %dma_wait3A = arith.constant 1 : i32
    %dma_wait3A_29 = arith.constant 31 : i32
    %dma_wait3A_30 = arith.constant 1 : i32
    %dma_wait3A_31 = arith.constant 0 : i32
    %dma_wait3A_32 = arith.constant 0 : i32
    %dma_wait3A_33 = tpu.memref_slice %arg9[%dma_wait3A, %dma_wait3A_31, %dma_wait3A_32] : memref<2x640x32xf32, #tpu.memory_space<vmem>> -> memref<1x640x32xf32, #tpu.memory_space<vmem>>
    %dma_wait3A_34 = tpu.memref_squeeze %dma_wait3A_33 : memref<1x640x32xf32, #tpu.memory_space<vmem>> -> memref<640x32xf32, #tpu.memory_space<vmem>>
    %dma_wait3A_35 = arith.constant 0 : i32
    %dma_wait3A_36 = tpu.memref_slice %arg7[%dma_wait3A_29, %dma_wait3A_35] : memref<32x640xi32, #tpu.memory_space<vmem>> -> memref<1x640xi32, #tpu.memory_space<vmem>>
    %dma_wait3A_37 = tpu.memref_squeeze %dma_wait3A_36 : memref<1x640xi32, #tpu.memory_space<vmem>> -> memref<640xi32, #tpu.memory_space<vmem>>
    %dma_wait3A_38 = arith.constant 0 : i32
    %dma_wait3A_39 = arith.constant 0 : i32
    %dma_wait3A_40 = tpu.memref_slice %arg11[%dma_wait3A_38, %dma_wait3A_39] : memref<10240x32xf32, #tpu.memory_space<vmem_shared>> -> memref<10240x32xf32, #tpu.memory_space<vmem_shared>>
    %dma_wait3A_41 = tpu.memref_slice %arg13[%dma_wait3A_30] : memref<2x!tpu.dma_semaphore, #tpu.memory_space<semaphore_mem>> -> memref<1x!tpu.dma_semaphore, #tpu.memory_space<semaphore_mem>>
    %dma_wait3A_42 = tpu.memref_squeeze %dma_wait3A_41 : memref<1x!tpu.dma_semaphore, #tpu.memory_space<semaphore_mem>> -> memref<!tpu.dma_semaphore, #tpu.memory_space<semaphore_mem>>
    tpu.wait_indirect_dma semaphore(%dma_wait3A_42 : memref<!tpu.dma_semaphore, #tpu.memory_space<semaphore_mem>>) src(%dma_wait3A_34 : memref<640x32xf32, #tpu.memory_space<vmem>>) dst(%dma_wait3A_40 : memref<10240x32xf32, #tpu.memory_space<vmem_shared>>)
    %barrier3A_43 = arith.constant 0 : index
    tpu.barrier barrier_id(%barrier3A_43)
    "tpu.region"() ({
      %run_scoped3A = tpu.sem_alloc : memref<!tpu.dma_semaphore, #tpu.memory_space<semaphore_mem>>
      %dma_start3A_88 = tpu.memref_slice %arg6[%mul3A_2, %mul3A_9] : memref<10240x128xf32, #tpu.memory_space<hbm>> -> memref<640x32xf32, #tpu.memory_space<hbm>>
      %dma_start3A_89 = arith.constant 0 : i32
      %dma_start3A_90 = tpu.memref_slice %arg11[%mul3A_2, %dma_start3A_89] : memref<10240x32xf32, #tpu.memory_space<vmem_shared>> -> memref<640x32xf32, #tpu.memory_space<vmem_shared>>
      tpu.enqueue_dma source(%dma_start3A_90 : memref<640x32xf32, #tpu.memory_space<vmem_shared>>) target(%dma_start3A_88 : memref<640x32xf32, #tpu.memory_space<hbm>>) target_semaphore(%run_scoped3A : memref<!tpu.dma_semaphore, #tpu.memory_space<semaphore_mem>>)
      %dma_wait3A_91 = tpu.memref_slice %arg6[%mul3A_2, %mul3A_9] : memref<10240x128xf32, #tpu.memory_space<hbm>> -> memref<640x32xf32, #tpu.memory_space<hbm>>
      %dma_wait3A_92 = arith.constant 0 : i32
      %dma_wait3A_93 = tpu.memref_slice %arg11[%mul3A_2, %dma_wait3A_92] : memref<10240x32xf32, #tpu.memory_space<vmem_shared>> -> memref<640x32xf32, #tpu.memory_space<vmem_shared>>
      tpu.wait_dma2 semaphore(%run_scoped3A : memref<!tpu.dma_semaphore, #tpu.memory_space<semaphore_mem>>) src(%dma_wait3A_93 : memref<640x32xf32, #tpu.memory_space<vmem_shared>>) dst(%dma_wait3A_91 : memref<640x32xf32, #tpu.memory_space<hbm>>)
      tpu.yield
    }) : () -> ()
    %mul3A_44 = arith.constant 2 : i32
    %mul3A_45 = arith.muli %arg0, %mul3A_44 : i32
    %add3A_46 = arith.constant 1 : i32
    %add3A_47 = arith.addi %mul3A_45, %add3A_46 : i32
    %mul3A_48 = arith.constant 32 : i32
    %mul3A_49 = arith.muli %add3A_47, %mul3A_48 : i32
    "tpu.region"() ({
      %run_scoped3A = tpu.sem_alloc : memref<!tpu.dma_semaphore, #tpu.memory_space<semaphore_mem>>
      %dma_start3A_88 = arith.constant 0 : i32
      %dma_start3A_89 = tpu.memref_slice %arg11[%mul3A_2, %dma_start3A_88] : memref<10240x32xf32, #tpu.memory_space<vmem_shared>> -> memref<640x32xf32, #tpu.memory_space<vmem_shared>>
      tpu.enqueue_dma source(%arg5 : memref<640x32xf32, #tpu.memory_space<hbm>>) target(%dma_start3A_89 : memref<640x32xf32, #tpu.memory_space<vmem_shared>>) target_semaphore(%run_scoped3A : memref<!tpu.dma_semaphore, #tpu.memory_space<semaphore_mem>>)
      %dma_wait3A_90 = arith.constant 0 : i32
      %dma_wait3A_91 = tpu.memref_slice %arg11[%mul3A_2, %dma_wait3A_90] : memref<10240x32xf32, #tpu.memory_space<vmem_shared>> -> memref<640x32xf32, #tpu.memory_space<vmem_shared>>
      tpu.wait_dma2 semaphore(%run_scoped3A : memref<!tpu.dma_semaphore, #tpu.memory_space<semaphore_mem>>) src(%arg5 : memref<640x32xf32, #tpu.memory_space<hbm>>) dst(%dma_wait3A_91 : memref<640x32xf32, #tpu.memory_space<vmem_shared>>)
      tpu.yield
    }) : () -> ()
    "tpu.region"() ({
      %run_scoped3A = tpu.sem_alloc : memref<!tpu.dma_semaphore, #tpu.memory_space<semaphore_mem>>
      %dma_start3A_88 = arith.constant 0 : i32
      %dma_start3A_89 = tpu.memref_slice %arg10[%mul3A_4, %dma_start3A_88] : memref<10000x32xf32, #tpu.memory_space<vmem_shared>> -> memref<625x32xf32, #tpu.memory_space<vmem_shared>>
      %dma_start3A_90 = tpu.memref_slice %arg2[%mul3A_4, %mul3A_49] : memref<10000x128xf32, #tpu.memory_space<hbm>> -> memref<625x32xf32, #tpu.memory_space<hbm>>
      tpu.enqueue_dma source(%dma_start3A_90 : memref<625x32xf32, #tpu.memory_space<hbm>>) target(%dma_start3A_89 : memref<625x32xf32, #tpu.memory_space<vmem_shared>>) target_semaphore(%run_scoped3A : memref<!tpu.dma_semaphore, #tpu.memory_space<semaphore_mem>>)
      %dma_wait3A_91 = arith.constant 0 : i32
      %dma_wait3A_92 = tpu.memref_slice %arg10[%mul3A_4, %dma_wait3A_91] : memref<10000x32xf32, #tpu.memory_space<vmem_shared>> -> memref<625x32xf32, #tpu.memory_space<vmem_shared>>
      %dma_wait3A_93 = tpu.memref_slice %arg2[%mul3A_4, %mul3A_49] : memref<10000x128xf32, #tpu.memory_space<hbm>> -> memref<625x32xf32, #tpu.memory_space<hbm>>
      tpu.wait_dma2 semaphore(%run_scoped3A : memref<!tpu.dma_semaphore, #tpu.memory_space<semaphore_mem>>) src(%dma_wait3A_93 : memref<625x32xf32, #tpu.memory_space<hbm>>) dst(%dma_wait3A_92 : memref<625x32xf32, #tpu.memory_space<vmem_shared>>)
      tpu.yield
    }) : () -> ()
    %barrier3A_50 = arith.constant 0 : index
    tpu.barrier barrier_id(%barrier3A_50)
    %dma_start3A_51 = arith.constant 0 : i32
    %dma_start3A_52 = arith.constant 0 : i32
    %dma_start3A_53 = arith.constant 0 : i32
    %dma_start3A_54 = arith.constant 0 : i32
    %dma_start3A_55 = arith.constant 0 : i32
    %dma_start3A_56 = tpu.memref_slice %arg9[%dma_start3A_52, %dma_start3A_54, %dma_start3A_55] : memref<2x640x32xf32, #tpu.memory_space<vmem>> -> memref<1x640x32xf32, #tpu.memory_space<vmem>>
    %dma_start3A_57 = tpu.memref_squeeze %dma_start3A_56 : memref<1x640x32xf32, #tpu.memory_space<vmem>> -> memref<640x32xf32, #tpu.memory_space<vmem>>
    %dma_start3A_58 = arith.constant 0 : i32
    %dma_start3A_59 = tpu.memref_slice %arg8[%dma_start3A_51, %dma_start3A_58] : memref<32x640xi32, #tpu.memory_space<vmem>> -> memref<1x640xi32, #tpu.memory_space<vmem>>
    %dma_start3A_60 = tpu.memref_squeeze %dma_start3A_59 : memref<1x640xi32, #tpu.memory_space<vmem>> -> memref<640xi32, #tpu.memory_space<vmem>>
    %dma_start3A_61 = arith.constant 0 : i32
    %dma_start3A_62 = arith.constant 0 : i32
    %dma_start3A_63 = tpu.memref_slice %arg10[%dma_start3A_61, %dma_start3A_62] : memref<10000x32xf32, #tpu.memory_space<vmem_shared>> -> memref<10000x32xf32, #tpu.memory_space<vmem_shared>>
    %dma_start3A_64 = tpu.memref_slice %arg12[%dma_start3A_53] : memref<2x!tpu.dma_semaphore, #tpu.memory_space<semaphore_mem>> -> memref<1x!tpu.dma_semaphore, #tpu.memory_space<semaphore_mem>>
    %dma_start3A_65 = tpu.memref_squeeze %dma_start3A_64 : memref<1x!tpu.dma_semaphore, #tpu.memory_space<semaphore_mem>> -> memref<!tpu.dma_semaphore, #tpu.memory_space<semaphore_mem>>
    tpu.enqueue_indirect_dma source(%dma_start3A_63 : memref<10000x32xf32, #tpu.memory_space<vmem_shared>>) target(%dma_start3A_57 : memref<640x32xf32, #tpu.memory_space<vmem>>) offsets(%dma_start3A_60 : memref<640xi32, #tpu.memory_space<vmem>>) semaphore(%dma_start3A_65 : memref<!tpu.dma_semaphore, #tpu.memory_space<semaphore_mem>>)
    %scan3A_66 = arith.constant 0 : i32
    %scan3A_67 = arith.constant 0 : i32
    %scan3A_68 = arith.constant 16 : i32
    %scan3A_69 = arith.addi %scan3A_67, %scan3A_68 : i32
    %scan3A_70 = arith.constant 1 : i32
    scf.for %scan3A_88 = %scan3A_67 to %scan3A_69 step %scan3A_70  : i32 {
      %mul3A_89 = arith.constant 2 : i32
      %mul3A_90 = arith.muli %mul3A_89, %scan3A_88 : i32
      %dma_wait3A_91 = arith.constant 0 : i32
      %dma_wait3A_92 = arith.constant 0 : i32
      %dma_wait3A_93 = arith.constant 0 : i32
      %dma_wait3A_94 = arith.constant 0 : i32
      %dma_wait3A_95 = tpu.memref_slice %arg9[%dma_wait3A_91, %dma_wait3A_93, %dma_wait3A_94] : memref<2x640x32xf32, #tpu.memory_space<vmem>> -> memref<1x640x32xf32, #tpu.memory_space<vmem>>
      %dma_wait3A_96 = tpu.memref_squeeze %dma_wait3A_95 : memref<1x640x32xf32, #tpu.memory_space<vmem>> -> memref<640x32xf32, #tpu.memory_space<vmem>>
      %dma_wait3A_97 = arith.constant 0 : i32
      %dma_wait3A_98 = tpu.memref_slice %arg8[%mul3A_90, %dma_wait3A_97] : memref<32x640xi32, #tpu.memory_space<vmem>> -> memref<1x640xi32, #tpu.memory_space<vmem>>
      %dma_wait3A_99 = tpu.memref_squeeze %dma_wait3A_98 : memref<1x640xi32, #tpu.memory_space<vmem>> -> memref<640xi32, #tpu.memory_space<vmem>>
      %dma_wait3A_100 = arith.constant 0 : i32
      %dma_wait3A_101 = arith.constant 0 : i32
      %dma_wait3A_102 = tpu.memref_slice %arg10[%dma_wait3A_100, %dma_wait3A_101] : memref<10000x32xf32, #tpu.memory_space<vmem_shared>> -> memref<10000x32xf32, #tpu.memory_space<vmem_shared>>
      %dma_wait3A_103 = tpu.memref_slice %arg12[%dma_wait3A_92] : memref<2x!tpu.dma_semaphore, #tpu.memory_space<semaphore_mem>> -> memref<1x!tpu.dma_semaphore, #tpu.memory_space<semaphore_mem>>
      %dma_wait3A_104 = tpu.memref_squeeze %dma_wait3A_103 : memref<1x!tpu.dma_semaphore, #tpu.memory_space<semaphore_mem>> -> memref<!tpu.dma_semaphore, #tpu.memory_space<semaphore_mem>>
      tpu.wait_indirect_dma semaphore(%dma_wait3A_104 : memref<!tpu.dma_semaphore, #tpu.memory_space<semaphore_mem>>) src(%dma_wait3A_102 : memref<10000x32xf32, #tpu.memory_space<vmem_shared>>) dst(%dma_wait3A_96 : memref<640x32xf32, #tpu.memory_space<vmem>>)
      %mul3A_105 = arith.constant 2 : i32
      %mul3A_106 = arith.muli %mul3A_105, %scan3A_88 : i32
      %dma_start3A_107 = arith.constant 0 : i32
      %dma_start3A_108 = arith.constant 0 : i32
      %dma_start3A_109 = arith.constant 0 : i32
      %dma_start3A_110 = arith.constant 0 : i32
      %dma_start3A_111 = tpu.memref_slice %arg9[%dma_start3A_107, %dma_start3A_109, %dma_start3A_110] : memref<2x640x32xf32, #tpu.memory_space<vmem>> -> memref<1x640x32xf32, #tpu.memory_space<vmem>>
      %dma_start3A_112 = tpu.memref_squeeze %dma_start3A_111 : memref<1x640x32xf32, #tpu.memory_space<vmem>> -> memref<640x32xf32, #tpu.memory_space<vmem>>
      %dma_start3A_113 = arith.constant 0 : i32
      %dma_start3A_114 = tpu.memref_slice %arg7[%mul3A_106, %dma_start3A_113] : memref<32x640xi32, #tpu.memory_space<vmem>> -> memref<1x640xi32, #tpu.memory_space<vmem>>
      %dma_start3A_115 = tpu.memref_squeeze %dma_start3A_114 : memref<1x640xi32, #tpu.memory_space<vmem>> -> memref<640xi32, #tpu.memory_space<vmem>>
      %dma_start3A_116 = arith.constant 0 : i32
      %dma_start3A_117 = arith.constant 0 : i32
      %dma_start3A_118 = tpu.memref_slice %arg11[%dma_start3A_116, %dma_start3A_117] : memref<10240x32xf32, #tpu.memory_space<vmem_shared>> -> memref<10240x32xf32, #tpu.memory_space<vmem_shared>>
      %dma_start3A_119 = tpu.memref_slice %arg13[%dma_start3A_108] : memref<2x!tpu.dma_semaphore, #tpu.memory_space<semaphore_mem>> -> memref<1x!tpu.dma_semaphore, #tpu.memory_space<semaphore_mem>>
      %dma_start3A_120 = tpu.memref_squeeze %dma_start3A_119 : memref<1x!tpu.dma_semaphore, #tpu.memory_space<semaphore_mem>> -> memref<!tpu.dma_semaphore, #tpu.memory_space<semaphore_mem>>
      tpu.enqueue_indirect_dma source(%dma_start3A_112 : memref<640x32xf32, #tpu.memory_space<vmem>>) target(%dma_start3A_118 : memref<10240x32xf32, #tpu.memory_space<vmem_shared>>) offsets(%dma_start3A_115 : memref<640xi32, #tpu.memory_space<vmem>>) semaphore(%dma_start3A_120 : memref<!tpu.dma_semaphore, #tpu.memory_space<semaphore_mem>>) {add = true}
      %gt3A = arith.constant 0 : i32
      %gt3A_121 = arith.cmpi sgt, %scan3A_88, %gt3A : i32
      %convert_element_type3A = arith.extui %gt3A_121 : i1 to i32
      %cond3A = arith.constant 0 : i32
      %cond3A_122 = arith.cmpi ne, %convert_element_type3A, %cond3A : i32
      scf.if %cond3A_122 {
        %mul3A_197 = arith.constant 2 : i32
        %mul3A_198 = arith.muli %mul3A_197, %scan3A_88 : i32
        %sub3A = arith.constant 1 : i32
        %sub3A_199 = arith.subi %mul3A_198, %sub3A : i32
        %dma_wait3A_200 = arith.constant 1 : i32
        %dma_wait3A_201 = arith.constant 1 : i32
        %dma_wait3A_202 = arith.constant 0 : i32
        %dma_wait3A_203 = arith.constant 0 : i32
        %dma_wait3A_204 = tpu.memref_slice %arg9[%dma_wait3A_200, %dma_wait3A_202, %dma_wait3A_203] : memref<2x640x32xf32, #tpu.memory_space<vmem>> -> memref<1x640x32xf32, #tpu.memory_space<vmem>>
        %dma_wait3A_205 = tpu.memref_squeeze %dma_wait3A_204 : memref<1x640x32xf32, #tpu.memory_space<vmem>> -> memref<640x32xf32, #tpu.memory_space<vmem>>
        %dma_wait3A_206 = arith.constant 0 : i32
        %dma_wait3A_207 = tpu.memref_slice %arg7[%sub3A_199, %dma_wait3A_206] : memref<32x640xi32, #tpu.memory_space<vmem>> -> memref<1x640xi32, #tpu.memory_space<vmem>>
        %dma_wait3A_208 = tpu.memref_squeeze %dma_wait3A_207 : memref<1x640xi32, #tpu.memory_space<vmem>> -> memref<640xi32, #tpu.memory_space<vmem>>
        %dma_wait3A_209 = arith.constant 0 : i32
        %dma_wait3A_210 = arith.constant 0 : i32
        %dma_wait3A_211 = tpu.memref_slice %arg11[%dma_wait3A_209, %dma_wait3A_210] : memref<10240x32xf32, #tpu.memory_space<vmem_shared>> -> memref<10240x32xf32, #tpu.memory_space<vmem_shared>>
        %dma_wait3A_212 = tpu.memref_slice %arg13[%dma_wait3A_201] : memref<2x!tpu.dma_semaphore, #tpu.memory_space<semaphore_mem>> -> memref<1x!tpu.dma_semaphore, #tpu.memory_space<semaphore_mem>>
        %dma_wait3A_213 = tpu.memref_squeeze %dma_wait3A_212 : memref<1x!tpu.dma_semaphore, #tpu.memory_space<semaphore_mem>> -> memref<!tpu.dma_semaphore, #tpu.memory_space<semaphore_mem>>
        tpu.wait_indirect_dma semaphore(%dma_wait3A_213 : memref<!tpu.dma_semaphore, #tpu.memory_space<semaphore_mem>>) src(%dma_wait3A_205 : memref<640x32xf32, #tpu.memory_space<vmem>>) dst(%dma_wait3A_211 : memref<10240x32xf32, #tpu.memory_space<vmem_shared>>)
      } else {
      }
      %mul3A_123 = arith.constant 2 : i32
      %mul3A_124 = arith.muli %mul3A_123, %scan3A_88 : i32
      %add3A_125 = arith.constant 1 : i32
      %add3A_126 = arith.addi %mul3A_124, %add3A_125 : i32
      %dma_start3A_127 = arith.constant 1 : i32
      %dma_start3A_128 = arith.constant 1 : i32
      %dma_start3A_129 = arith.constant 0 : i32
      %dma_start3A_130 = arith.constant 0 : i32
      %dma_start3A_131 = tpu.memref_slice %arg9[%dma_start3A_127, %dma_start3A_129, %dma_start3A_130] : memref<2x640x32xf32, #tpu.memory_space<vmem>> -> memref<1x640x32xf32, #tpu.memory_space<vmem>>
      %dma_start3A_132 = tpu.memref_squeeze %dma_start3A_131 : memref<1x640x32xf32, #tpu.memory_space<vmem>> -> memref<640x32xf32, #tpu.memory_space<vmem>>
      %dma_start3A_133 = arith.constant 0 : i32
      %dma_start3A_134 = tpu.memref_slice %arg8[%add3A_126, %dma_start3A_133] : memref<32x640xi32, #tpu.memory_space<vmem>> -> memref<1x640xi32, #tpu.memory_space<vmem>>
      %dma_start3A_135 = tpu.memref_squeeze %dma_start3A_134 : memref<1x640xi32, #tpu.memory_space<vmem>> -> memref<640xi32, #tpu.memory_space<vmem>>
      %dma_start3A_136 = arith.constant 0 : i32
      %dma_start3A_137 = arith.constant 0 : i32
      %dma_start3A_138 = tpu.memref_slice %arg10[%dma_start3A_136, %dma_start3A_137] : memref<10000x32xf32, #tpu.memory_space<vmem_shared>> -> memref<10000x32xf32, #tpu.memory_space<vmem_shared>>
      %dma_start3A_139 = tpu.memref_slice %arg12[%dma_start3A_128] : memref<2x!tpu.dma_semaphore, #tpu.memory_space<semaphore_mem>> -> memref<1x!tpu.dma_semaphore, #tpu.memory_space<semaphore_mem>>
      %dma_start3A_140 = tpu.memref_squeeze %dma_start3A_139 : memref<1x!tpu.dma_semaphore, #tpu.memory_space<semaphore_mem>> -> memref<!tpu.dma_semaphore, #tpu.memory_space<semaphore_mem>>
      tpu.enqueue_indirect_dma source(%dma_start3A_138 : memref<10000x32xf32, #tpu.memory_space<vmem_shared>>) target(%dma_start3A_132 : memref<640x32xf32, #tpu.memory_space<vmem>>) offsets(%dma_start3A_135 : memref<640xi32, #tpu.memory_space<vmem>>) semaphore(%dma_start3A_140 : memref<!tpu.dma_semaphore, #tpu.memory_space<semaphore_mem>>)
      %mul3A_141 = arith.constant 2 : i32
      %mul3A_142 = arith.muli %mul3A_141, %scan3A_88 : i32
      %add3A_143 = arith.constant 1 : i32
      %add3A_144 = arith.addi %mul3A_142, %add3A_143 : i32
      %dma_wait3A_145 = arith.constant 1 : i32
      %dma_wait3A_146 = arith.constant 1 : i32
      %dma_wait3A_147 = arith.constant 0 : i32
      %dma_wait3A_148 = arith.constant 0 : i32
      %dma_wait3A_149 = tpu.memref_slice %arg9[%dma_wait3A_145, %dma_wait3A_147, %dma_wait3A_148] : memref<2x640x32xf32, #tpu.memory_space<vmem>> -> memref<1x640x32xf32, #tpu.memory_space<vmem>>
      %dma_wait3A_150 = tpu.memref_squeeze %dma_wait3A_149 : memref<1x640x32xf32, #tpu.memory_space<vmem>> -> memref<640x32xf32, #tpu.memory_space<vmem>>
      %dma_wait3A_151 = arith.constant 0 : i32
      %dma_wait3A_152 = tpu.memref_slice %arg8[%add3A_144, %dma_wait3A_151] : memref<32x640xi32, #tpu.memory_space<vmem>> -> memref<1x640xi32, #tpu.memory_space<vmem>>
      %dma_wait3A_153 = tpu.memref_squeeze %dma_wait3A_152 : memref<1x640xi32, #tpu.memory_space<vmem>> -> memref<640xi32, #tpu.memory_space<vmem>>
      %dma_wait3A_154 = arith.constant 0 : i32
      %dma_wait3A_155 = arith.constant 0 : i32
      %dma_wait3A_156 = tpu.memref_slice %arg10[%dma_wait3A_154, %dma_wait3A_155] : memref<10000x32xf32, #tpu.memory_space<vmem_shared>> -> memref<10000x32xf32, #tpu.memory_space<vmem_shared>>
      %dma_wait3A_157 = tpu.memref_slice %arg12[%dma_wait3A_146] : memref<2x!tpu.dma_semaphore, #tpu.memory_space<semaphore_mem>> -> memref<1x!tpu.dma_semaphore, #tpu.memory_space<semaphore_mem>>
      %dma_wait3A_158 = tpu.memref_squeeze %dma_wait3A_157 : memref<1x!tpu.dma_semaphore, #tpu.memory_space<semaphore_mem>> -> memref<!tpu.dma_semaphore, #tpu.memory_space<semaphore_mem>>
      tpu.wait_indirect_dma semaphore(%dma_wait3A_158 : memref<!tpu.dma_semaphore, #tpu.memory_space<semaphore_mem>>) src(%dma_wait3A_156 : memref<10000x32xf32, #tpu.memory_space<vmem_shared>>) dst(%dma_wait3A_150 : memref<640x32xf32, #tpu.memory_space<vmem>>)
      %mul3A_159 = arith.constant 2 : i32
      %mul3A_160 = arith.muli %mul3A_159, %scan3A_88 : i32
      %add3A_161 = arith.constant 1 : i32
      %add3A_162 = arith.addi %mul3A_160, %add3A_161 : i32
      %dma_start3A_163 = arith.constant 1 : i32
      %dma_start3A_164 = arith.constant 1 : i32
      %dma_start3A_165 = arith.constant 0 : i32
      %dma_start3A_166 = arith.constant 0 : i32
      %dma_start3A_167 = tpu.memref_slice %arg9[%dma_start3A_163, %dma_start3A_165, %dma_start3A_166] : memref<2x640x32xf32, #tpu.memory_space<vmem>> -> memref<1x640x32xf32, #tpu.memory_space<vmem>>
      %dma_start3A_168 = tpu.memref_squeeze %dma_start3A_167 : memref<1x640x32xf32, #tpu.memory_space<vmem>> -> memref<640x32xf32, #tpu.memory_space<vmem>>
      %dma_start3A_169 = arith.constant 0 : i32
      %dma_start3A_170 = tpu.memref_slice %arg7[%add3A_162, %dma_start3A_169] : memref<32x640xi32, #tpu.memory_space<vmem>> -> memref<1x640xi32, #tpu.memory_space<vmem>>
      %dma_start3A_171 = tpu.memref_squeeze %dma_start3A_170 : memref<1x640xi32, #tpu.memory_space<vmem>> -> memref<640xi32, #tpu.memory_space<vmem>>
      %dma_start3A_172 = arith.constant 0 : i32
      %dma_start3A_173 = arith.constant 0 : i32
      %dma_start3A_174 = tpu.memref_slice %arg11[%dma_start3A_172, %dma_start3A_173] : memref<10240x32xf32, #tpu.memory_space<vmem_shared>> -> memref<10240x32xf32, #tpu.memory_space<vmem_shared>>
      %dma_start3A_175 = tpu.memref_slice %arg13[%dma_start3A_164] : memref<2x!tpu.dma_semaphore, #tpu.memory_space<semaphore_mem>> -> memref<1x!tpu.dma_semaphore, #tpu.memory_space<semaphore_mem>>
      %dma_start3A_176 = tpu.memref_squeeze %dma_start3A_175 : memref<1x!tpu.dma_semaphore, #tpu.memory_space<semaphore_mem>> -> memref<!tpu.dma_semaphore, #tpu.memory_space<semaphore_mem>>
      tpu.enqueue_indirect_dma source(%dma_start3A_168 : memref<640x32xf32, #tpu.memory_space<vmem>>) target(%dma_start3A_174 : memref<10240x32xf32, #tpu.memory_space<vmem_shared>>) offsets(%dma_start3A_171 : memref<640xi32, #tpu.memory_space<vmem>>) semaphore(%dma_start3A_176 : memref<!tpu.dma_semaphore, #tpu.memory_space<semaphore_mem>>) {add = true}
      %mul3A_177 = arith.constant 2 : i32
      %mul3A_178 = arith.muli %mul3A_177, %scan3A_88 : i32
      %dma_wait3A_179 = arith.constant 0 : i32
      %dma_wait3A_180 = arith.constant 0 : i32
      %dma_wait3A_181 = arith.constant 0 : i32
      %dma_wait3A_182 = arith.constant 0 : i32
      %dma_wait3A_183 = tpu.memref_slice %arg9[%dma_wait3A_179, %dma_wait3A_181, %dma_wait3A_182] : memref<2x640x32xf32, #tpu.memory_space<vmem>> -> memref<1x640x32xf32, #tpu.memory_space<vmem>>
      %dma_wait3A_184 = tpu.memref_squeeze %dma_wait3A_183 : memref<1x640x32xf32, #tpu.memory_space<vmem>> -> memref<640x32xf32, #tpu.memory_space<vmem>>
      %dma_wait3A_185 = arith.constant 0 : i32
      %dma_wait3A_186 = tpu.memref_slice %arg7[%mul3A_178, %dma_wait3A_185] : memref<32x640xi32, #tpu.memory_space<vmem>> -> memref<1x640xi32, #tpu.memory_space<vmem>>
      %dma_wait3A_187 = tpu.memref_squeeze %dma_wait3A_186 : memref<1x640xi32, #tpu.memory_space<vmem>> -> memref<640xi32, #tpu.memory_space<vmem>>
      %dma_wait3A_188 = arith.constant 0 : i32
      %dma_wait3A_189 = arith.constant 0 : i32
      %dma_wait3A_190 = tpu.memref_slice %arg11[%dma_wait3A_188, %dma_wait3A_189] : memref<10240x32xf32, #tpu.memory_space<vmem_shared>> -> memref<10240x32xf32, #tpu.memory_space<vmem_shared>>
      %dma_wait3A_191 = tpu.memref_slice %arg13[%dma_wait3A_180] : memref<2x!tpu.dma_semaphore, #tpu.memory_space<semaphore_mem>> -> memref<1x!tpu.dma_semaphore, #tpu.memory_space<semaphore_mem>>
      %dma_wait3A_192 = tpu.memref_squeeze %dma_wait3A_191 : memref<1x!tpu.dma_semaphore, #tpu.memory_space<semaphore_mem>> -> memref<!tpu.dma_semaphore, #tpu.memory_space<semaphore_mem>>
      tpu.wait_indirect_dma semaphore(%dma_wait3A_192 : memref<!tpu.dma_semaphore, #tpu.memory_space<semaphore_mem>>) src(%dma_wait3A_184 : memref<640x32xf32, #tpu.memory_space<vmem>>) dst(%dma_wait3A_190 : memref<10240x32xf32, #tpu.memory_space<vmem_shared>>)
      %lt3A = arith.constant 15 : i32
      %lt3A_193 = arith.cmpi slt, %scan3A_88, %lt3A : i32
      %convert_element_type3A_194 = arith.extui %lt3A_193 : i1 to i32
      %cond3A_195 = arith.constant 0 : i32
      %cond3A_196 = arith.cmpi ne, %convert_element_type3A_194, %cond3A_195 : i32
      scf.if %cond3A_196 {
        %mul3A_197 = arith.constant 2 : i32
        %mul3A_198 = arith.muli %mul3A_197, %scan3A_88 : i32
        %add3A_199 = arith.constant 2 : i32
        %add3A_200 = arith.addi %mul3A_198, %add3A_199 : i32
        %dma_start3A_201 = arith.constant 0 : i32
        %dma_start3A_202 = arith.constant 0 : i32
        %dma_start3A_203 = arith.constant 0 : i32
        %dma_start3A_204 = arith.constant 0 : i32
        %dma_start3A_205 = tpu.memref_slice %arg9[%dma_start3A_201, %dma_start3A_203, %dma_start3A_204] : memref<2x640x32xf32, #tpu.memory_space<vmem>> -> memref<1x640x32xf32, #tpu.memory_space<vmem>>
        %dma_start3A_206 = tpu.memref_squeeze %dma_start3A_205 : memref<1x640x32xf32, #tpu.memory_space<vmem>> -> memref<640x32xf32, #tpu.memory_space<vmem>>
        %dma_start3A_207 = arith.constant 0 : i32
        %dma_start3A_208 = tpu.memref_slice %arg8[%add3A_200, %dma_start3A_207] : memref<32x640xi32, #tpu.memory_space<vmem>> -> memref<1x640xi32, #tpu.memory_space<vmem>>
        %dma_start3A_209 = tpu.memref_squeeze %dma_start3A_208 : memref<1x640xi32, #tpu.memory_space<vmem>> -> memref<640xi32, #tpu.memory_space<vmem>>
        %dma_start3A_210 = arith.constant 0 : i32
        %dma_start3A_211 = arith.constant 0 : i32
        %dma_start3A_212 = tpu.memref_slice %arg10[%dma_start3A_210, %dma_start3A_211] : memref<10000x32xf32, #tpu.memory_space<vmem_shared>> -> memref<10000x32xf32, #tpu.memory_space<vmem_shared>>
        %dma_start3A_213 = tpu.memref_slice %arg12[%dma_start3A_202] : memref<2x!tpu.dma_semaphore, #tpu.memory_space<semaphore_mem>> -> memref<1x!tpu.dma_semaphore, #tpu.memory_space<semaphore_mem>>
        %dma_start3A_214 = tpu.memref_squeeze %dma_start3A_213 : memref<1x!tpu.dma_semaphore, #tpu.memory_space<semaphore_mem>> -> memref<!tpu.dma_semaphore, #tpu.memory_space<semaphore_mem>>
        tpu.enqueue_indirect_dma source(%dma_start3A_212 : memref<10000x32xf32, #tpu.memory_space<vmem_shared>>) target(%dma_start3A_206 : memref<640x32xf32, #tpu.memory_space<vmem>>) offsets(%dma_start3A_209 : memref<640xi32, #tpu.memory_space<vmem>>) semaphore(%dma_start3A_214 : memref<!tpu.dma_semaphore, #tpu.memory_space<semaphore_mem>>)
      } else {
      }
    }
    %scan3A_71 = arith.constant 16 : i32
    %dma_wait3A_72 = arith.constant 1 : i32
    %dma_wait3A_73 = arith.constant 31 : i32
    %dma_wait3A_74 = arith.constant 1 : i32
    %dma_wait3A_75 = arith.constant 0 : i32
    %dma_wait3A_76 = arith.constant 0 : i32
    %dma_wait3A_77 = tpu.memref_slice %arg9[%dma_wait3A_72, %dma_wait3A_75, %dma_wait3A_76] : memref<2x640x32xf32, #tpu.memory_space<vmem>> -> memref<1x640x32xf32, #tpu.memory_space<vmem>>
    %dma_wait3A_78 = tpu.memref_squeeze %dma_wait3A_77 : memref<1x640x32xf32, #tpu.memory_space<vmem>> -> memref<640x32xf32, #tpu.memory_space<vmem>>
    %dma_wait3A_79 = arith.constant 0 : i32
    %dma_wait3A_80 = tpu.memref_slice %arg7[%dma_wait3A_73, %dma_wait3A_79] : memref<32x640xi32, #tpu.memory_space<vmem>> -> memref<1x640xi32, #tpu.memory_space<vmem>>
    %dma_wait3A_81 = tpu.memref_squeeze %dma_wait3A_80 : memref<1x640xi32, #tpu.memory_space<vmem>> -> memref<640xi32, #tpu.memory_space<vmem>>
    %dma_wait3A_82 = arith.constant 0 : i32
    %dma_wait3A_83 = arith.constant 0 : i32
    %dma_wait3A_84 = tpu.memref_slice %arg11[%dma_wait3A_82, %dma_wait3A_83] : memref<10240x32xf32, #tpu.memory_space<vmem_shared>> -> memref<10240x32xf32, #tpu.memory_space<vmem_shared>>
    %dma_wait3A_85 = tpu.memref_slice %arg13[%dma_wait3A_74] : memref<2x!tpu.dma_semaphore, #tpu.memory_space<semaphore_mem>> -> memref<1x!tpu.dma_semaphore, #tpu.memory_space<semaphore_mem>>
    %dma_wait3A_86 = tpu.memref_squeeze %dma_wait3A_85 : memref<1x!tpu.dma_semaphore, #tpu.memory_space<semaphore_mem>> -> memref<!tpu.dma_semaphore, #tpu.memory_space<semaphore_mem>>
    tpu.wait_indirect_dma semaphore(%dma_wait3A_86 : memref<!tpu.dma_semaphore, #tpu.memory_space<semaphore_mem>>) src(%dma_wait3A_78 : memref<640x32xf32, #tpu.memory_space<vmem>>) dst(%dma_wait3A_84 : memref<10240x32xf32, #tpu.memory_space<vmem_shared>>)
    %barrier3A_87 = arith.constant 0 : index
    tpu.barrier barrier_id(%barrier3A_87)
    "tpu.region"() ({
      %run_scoped3A = tpu.sem_alloc : memref<!tpu.dma_semaphore, #tpu.memory_space<semaphore_mem>>
      %dma_start3A_88 = tpu.memref_slice %arg6[%mul3A_2, %mul3A_49] : memref<10240x128xf32, #tpu.memory_space<hbm>> -> memref<640x32xf32, #tpu.memory_space<hbm>>
      %dma_start3A_89 = arith.constant 0 : i32
      %dma_start3A_90 = tpu.memref_slice %arg11[%mul3A_2, %dma_start3A_89] : memref<10240x32xf32, #tpu.memory_space<vmem_shared>> -> memref<640x32xf32, #tpu.memory_space<vmem_shared>>
      tpu.enqueue_dma source(%dma_start3A_90 : memref<640x32xf32, #tpu.memory_space<vmem_shared>>) target(%dma_start3A_88 : memref<640x32xf32, #tpu.memory_space<hbm>>) target_semaphore(%run_scoped3A : memref<!tpu.dma_semaphore, #tpu.memory_space<semaphore_mem>>)
      %dma_wait3A_91 = tpu.memref_slice %arg6[%mul3A_2, %mul3A_49] : memref<10240x128xf32, #tpu.memory_space<hbm>> -> memref<640x32xf32, #tpu.memory_space<hbm>>
      %dma_wait3A_92 = arith.constant 0 : i32
      %dma_wait3A_93 = tpu.memref_slice %arg11[%mul3A_2, %dma_wait3A_92] : memref<10240x32xf32, #tpu.memory_space<vmem_shared>> -> memref<640x32xf32, #tpu.memory_space<vmem_shared>>
      tpu.wait_dma2 semaphore(%run_scoped3A : memref<!tpu.dma_semaphore, #tpu.memory_space<semaphore_mem>>) src(%dma_wait3A_93 : memref<640x32xf32, #tpu.memory_space<vmem_shared>>) dst(%dma_wait3A_91 : memref<640x32xf32, #tpu.memory_space<hbm>>)
      tpu.yield
    }) : () -> ()
    return
  }
}

#map = affine_map<(d0, d1) -> (0, 0)>
module attributes {stable_mosaic.version = 14 : i64} {
  func.func @_agg_body(%arg0: i32, %arg1: i32, %arg2: memref<10000x128xf32, #tpu.memory_space<hbm>>, %arg3: memref<512x640xi32, #tpu.memory_space<hbm>>, %arg4: memref<512x640xi32, #tpu.memory_space<hbm>>, %arg5: memref<640x32xf32, #tpu.memory_space<hbm>>, %arg6: memref<10240x128xf32, #tpu.memory_space<hbm>>, %arg7: memref<32x640xi32, #tpu.memory_space<vmem>>, %arg8: memref<32x640xi32, #tpu.memory_space<vmem>>, %arg9: memref<2x640x32xf32, #tpu.memory_space<vmem>>, %arg10: memref<10000x32xf32, #tpu.memory_space<vmem_shared>>, %arg11: memref<10240x32xf32, #tpu.memory_space<vmem_shared>>, %arg12: memref<2x!tpu.dma_semaphore, #tpu.memory_space<semaphore_mem>>, %arg13: memref<2x!tpu.dma_semaphore, #tpu.memory_space<semaphore_mem>>) attributes {dimension_semantics = [#tpu.dimension_semantics<core_parallel>, #tpu.dimension_semantics<subcore_parallel>], iteration_bounds = array<i64: 2, 16>, scalar_prefetch = 0 : i64, scratch_operands = 7 : i64, tpu.core_type = #tpu.core_type<sc_vector_subcore>, window_params = [{transform_indices = #map}, {transform_indices = #map}, {transform_indices = #map}, {transform_indices = #map}, {transform_indices = #map}]} {
    %mul3A = arith.constant 32 : i32
    %mul3A_0 = arith.muli %arg1, %mul3A : i32
    "tpu.region"() ({
      %run_scoped3A = tpu.sem_alloc : memref<!tpu.dma_semaphore, #tpu.memory_space<semaphore_mem>>
      %dma_start3A_88 = arith.constant 0 : i32
      %dma_start3A_89 = tpu.memref_slice %arg3[%mul3A_0, %dma_start3A_88] : memref<512x640xi32, #tpu.memory_space<hbm>> -> memref<32x640xi32, #tpu.memory_space<hbm>>
      %dma_start3A_90 = arith.constant 0 : i32
      %dma_start3A_91 = tpu.memref_slice %arg3[%mul3A_0, %dma_start3A_90] : memref<512x640xi32, #tpu.memory_space<hbm>> -> memref<32x640xi32, #tpu.memory_space<hbm>>
      tpu.enqueue_dma source(%dma_start3A_91 : memref<32x640xi32, #tpu.memory_space<hbm>>) target(%arg8 : memref<32x640xi32, #tpu.memory_space<vmem>>) target_semaphore(%run_scoped3A : memref<!tpu.dma_semaphore, #tpu.memory_space<semaphore_mem>>)
      %dma_wait3A_92 = arith.constant 0 : i32
      %dma_wait3A_93 = tpu.memref_slice %arg3[%mul3A_0, %dma_wait3A_92] : memref<512x640xi32, #tpu.memory_space<hbm>> -> memref<32x640xi32, #tpu.memory_space<hbm>>
      %dma_wait3A_94 = arith.constant 0 : i32
      %dma_wait3A_95 = tpu.memref_slice %arg3[%mul3A_0, %dma_wait3A_94] : memref<512x640xi32, #tpu.memory_space<hbm>> -> memref<32x640xi32, #tpu.memory_space<hbm>>
      tpu.wait_dma2 semaphore(%run_scoped3A : memref<!tpu.dma_semaphore, #tpu.memory_space<semaphore_mem>>) src(%dma_wait3A_95 : memref<32x640xi32, #tpu.memory_space<hbm>>) dst(%arg8 : memref<32x640xi32, #tpu.memory_space<vmem>>)
      tpu.yield
    }) : () -> ()
    "tpu.region"() ({
      %run_scoped3A = tpu.sem_alloc : memref<!tpu.dma_semaphore, #tpu.memory_space<semaphore_mem>>
      %dma_start3A_88 = arith.constant 0 : i32
      %dma_start3A_89 = tpu.memref_slice %arg4[%mul3A_0, %dma_start3A_88] : memref<512x640xi32, #tpu.memory_space<hbm>> -> memref<32x640xi32, #tpu.memory_space<hbm>>
      %dma_start3A_90 = arith.constant 0 : i32
      %dma_start3A_91 = tpu.memref_slice %arg4[%mul3A_0, %dma_start3A_90] : memref<512x640xi32, #tpu.memory_space<hbm>> -> memref<32x640xi32, #tpu.memory_space<hbm>>
      tpu.enqueue_dma source(%dma_start3A_91 : memref<32x640xi32, #tpu.memory_space<hbm>>) target(%arg7 : memref<32x640xi32, #tpu.memory_space<vmem>>) target_semaphore(%run_scoped3A : memref<!tpu.dma_semaphore, #tpu.memory_space<semaphore_mem>>)
      %dma_wait3A_92 = arith.constant 0 : i32
      %dma_wait3A_93 = tpu.memref_slice %arg4[%mul3A_0, %dma_wait3A_92] : memref<512x640xi32, #tpu.memory_space<hbm>> -> memref<32x640xi32, #tpu.memory_space<hbm>>
      %dma_wait3A_94 = arith.constant 0 : i32
      %dma_wait3A_95 = tpu.memref_slice %arg4[%mul3A_0, %dma_wait3A_94] : memref<512x640xi32, #tpu.memory_space<hbm>> -> memref<32x640xi32, #tpu.memory_space<hbm>>
      tpu.wait_dma2 semaphore(%run_scoped3A : memref<!tpu.dma_semaphore, #tpu.memory_space<semaphore_mem>>) src(%dma_wait3A_95 : memref<32x640xi32, #tpu.memory_space<hbm>>) dst(%arg7 : memref<32x640xi32, #tpu.memory_space<vmem>>)
      tpu.yield
    }) : () -> ()
    %mul3A_1 = arith.constant 640 : i32
    %mul3A_2 = arith.muli %arg1, %mul3A_1 : i32
    %mul3A_3 = arith.constant 625 : i32
    %mul3A_4 = arith.muli %arg1, %mul3A_3 : i32
    %mul3A_5 = arith.constant 2 : i32
    %mul3A_6 = arith.muli %arg0, %mul3A_5 : i32
    %add3A = arith.constant 0 : i32
    %add3A_7 = arith.addi %mul3A_6, %add3A : i32
    %mul3A_8 = arith.constant 32 : i32
    %mul3A_9 = arith.muli %add3A_7, %mul3A_8 : i32
    "tpu.region"() ({
      %run_scoped3A = tpu.sem_alloc : memref<!tpu.dma_semaphore, #tpu.memory_space<semaphore_mem>>
      %dma_start3A_88 = arith.constant 0 : i32
      %dma_start3A_89 = tpu.memref_slice %arg11[%mul3A_2, %dma_start3A_88] : memref<10240x32xf32, #tpu.memory_space<vmem_shared>> -> memref<640x32xf32, #tpu.memory_space<vmem_shared>>
      tpu.enqueue_dma source(%arg5 : memref<640x32xf32, #tpu.memory_space<hbm>>) target(%dma_start3A_89 : memref<640x32xf32, #tpu.memory_space<vmem_shared>>) target_semaphore(%run_scoped3A : memref<!tpu.dma_semaphore, #tpu.memory_space<semaphore_mem>>)
      %dma_wait3A_90 = arith.constant 0 : i32
      %dma_wait3A_91 = tpu.memref_slice %arg11[%mul3A_2, %dma_wait3A_90] : memref<10240x32xf32, #tpu.memory_space<vmem_shared>> -> memref<640x32xf32, #tpu.memory_space<vmem_shared>>
      tpu.wait_dma2 semaphore(%run_scoped3A : memref<!tpu.dma_semaphore, #tpu.memory_space<semaphore_mem>>) src(%arg5 : memref<640x32xf32, #tpu.memory_space<hbm>>) dst(%dma_wait3A_91 : memref<640x32xf32, #tpu.memory_space<vmem_shared>>)
      tpu.yield
    }) : () -> ()
    "tpu.region"() ({
      %run_scoped3A = tpu.sem_alloc : memref<!tpu.dma_semaphore, #tpu.memory_space<semaphore_mem>>
      %dma_start3A_88 = arith.constant 0 : i32
      %dma_start3A_89 = tpu.memref_slice %arg10[%mul3A_4, %dma_start3A_88] : memref<10000x32xf32, #tpu.memory_space<vmem_shared>> -> memref<625x32xf32, #tpu.memory_space<vmem_shared>>
      %dma_start3A_90 = tpu.memref_slice %arg2[%mul3A_4, %mul3A_9] : memref<10000x128xf32, #tpu.memory_space<hbm>> -> memref<625x32xf32, #tpu.memory_space<hbm>>
      tpu.enqueue_dma source(%dma_start3A_90 : memref<625x32xf32, #tpu.memory_space<hbm>>) target(%dma_start3A_89 : memref<625x32xf32, #tpu.memory_space<vmem_shared>>) target_semaphore(%run_scoped3A : memref<!tpu.dma_semaphore, #tpu.memory_space<semaphore_mem>>)
      %dma_wait3A_91 = arith.constant 0 : i32
      %dma_wait3A_92 = tpu.memref_slice %arg10[%mul3A_4, %dma_wait3A_91] : memref<10000x32xf32, #tpu.memory_space<vmem_shared>> -> memref<625x32xf32, #tpu.memory_space<vmem_shared>>
      %dma_wait3A_93 = tpu.memref_slice %arg2[%mul3A_4, %mul3A_9] : memref<10000x128xf32, #tpu.memory_space<hbm>> -> memref<625x32xf32, #tpu.memory_space<hbm>>
      tpu.wait_dma2 semaphore(%run_scoped3A : memref<!tpu.dma_semaphore, #tpu.memory_space<semaphore_mem>>) src(%dma_wait3A_93 : memref<625x32xf32, #tpu.memory_space<hbm>>) dst(%dma_wait3A_92 : memref<625x32xf32, #tpu.memory_space<vmem_shared>>)
      tpu.yield
    }) : () -> ()
    %barrier3A = arith.constant 0 : index
    tpu.barrier barrier_id(%barrier3A)
    %dma_start3A = arith.constant 0 : i32
    %dma_start3A_10 = arith.constant 0 : i32
    %dma_start3A_11 = arith.constant 0 : i32
    %dma_start3A_12 = arith.constant 0 : i32
    %dma_start3A_13 = arith.constant 0 : i32
    %dma_start3A_14 = tpu.memref_slice %arg9[%dma_start3A_10, %dma_start3A_12, %dma_start3A_13] : memref<2x640x32xf32, #tpu.memory_space<vmem>> -> memref<1x640x32xf32, #tpu.memory_space<vmem>>
    %dma_start3A_15 = tpu.memref_squeeze %dma_start3A_14 : memref<1x640x32xf32, #tpu.memory_space<vmem>> -> memref<640x32xf32, #tpu.memory_space<vmem>>
    %dma_start3A_16 = arith.constant 0 : i32
    %dma_start3A_17 = tpu.memref_slice %arg8[%dma_start3A, %dma_start3A_16] : memref<32x640xi32, #tpu.memory_space<vmem>> -> memref<1x640xi32, #tpu.memory_space<vmem>>
    %dma_start3A_18 = tpu.memref_squeeze %dma_start3A_17 : memref<1x640xi32, #tpu.memory_space<vmem>> -> memref<640xi32, #tpu.memory_space<vmem>>
    %dma_start3A_19 = arith.constant 0 : i32
    %dma_start3A_20 = arith.constant 0 : i32
    %dma_start3A_21 = tpu.memref_slice %arg10[%dma_start3A_19, %dma_start3A_20] : memref<10000x32xf32, #tpu.memory_space<vmem_shared>> -> memref<10000x32xf32, #tpu.memory_space<vmem_shared>>
    %dma_start3A_22 = tpu.memref_slice %arg12[%dma_start3A_11] : memref<2x!tpu.dma_semaphore, #tpu.memory_space<semaphore_mem>> -> memref<1x!tpu.dma_semaphore, #tpu.memory_space<semaphore_mem>>
    %dma_start3A_23 = tpu.memref_squeeze %dma_start3A_22 : memref<1x!tpu.dma_semaphore, #tpu.memory_space<semaphore_mem>> -> memref<!tpu.dma_semaphore, #tpu.memory_space<semaphore_mem>>
    tpu.enqueue_indirect_dma source(%dma_start3A_21 : memref<10000x32xf32, #tpu.memory_space<vmem_shared>>) target(%dma_start3A_15 : memref<640x32xf32, #tpu.memory_space<vmem>>) offsets(%dma_start3A_18 : memref<640xi32, #tpu.memory_space<vmem>>) semaphore(%dma_start3A_23 : memref<!tpu.dma_semaphore, #tpu.memory_space<semaphore_mem>>)
    %scan3A = arith.constant 0 : i32
    %scan3A_24 = arith.constant 0 : i32
    %scan3A_25 = arith.constant 16 : i32
    %scan3A_26 = arith.addi %scan3A_24, %scan3A_25 : i32
    %scan3A_27 = arith.constant 1 : i32
    scf.for %scan3A_88 = %scan3A_24 to %scan3A_26 step %scan3A_27  : i32 {
      %mul3A_89 = arith.constant 2 : i32
      %mul3A_90 = arith.muli %mul3A_89, %scan3A_88 : i32
      %dma_wait3A_91 = arith.constant 0 : i32
      %dma_wait3A_92 = arith.constant 0 : i32
      %dma_wait3A_93 = arith.constant 0 : i32
      %dma_wait3A_94 = arith.constant 0 : i32
      %dma_wait3A_95 = tpu.memref_slice %arg9[%dma_wait3A_91, %dma_wait3A_93, %dma_wait3A_94] : memref<2x640x32xf32, #tpu.memory_space<vmem>> -> memref<1x640x32xf32, #tpu.memory_space<vmem>>
      %dma_wait3A_96 = tpu.memref_squeeze %dma_wait3A_95 : memref<1x640x32xf32, #tpu.memory_space<vmem>> -> memref<640x32xf32, #tpu.memory_space<vmem>>
      %dma_wait3A_97 = arith.constant 0 : i32
      %dma_wait3A_98 = tpu.memref_slice %arg8[%mul3A_90, %dma_wait3A_97] : memref<32x640xi32, #tpu.memory_space<vmem>> -> memref<1x640xi32, #tpu.memory_space<vmem>>
      %dma_wait3A_99 = tpu.memref_squeeze %dma_wait3A_98 : memref<1x640xi32, #tpu.memory_space<vmem>> -> memref<640xi32, #tpu.memory_space<vmem>>
      %dma_wait3A_100 = arith.constant 0 : i32
      %dma_wait3A_101 = arith.constant 0 : i32
      %dma_wait3A_102 = tpu.memref_slice %arg10[%dma_wait3A_100, %dma_wait3A_101] : memref<10000x32xf32, #tpu.memory_space<vmem_shared>> -> memref<10000x32xf32, #tpu.memory_space<vmem_shared>>
      %dma_wait3A_103 = tpu.memref_slice %arg12[%dma_wait3A_92] : memref<2x!tpu.dma_semaphore, #tpu.memory_space<semaphore_mem>> -> memref<1x!tpu.dma_semaphore, #tpu.memory_space<semaphore_mem>>
      %dma_wait3A_104 = tpu.memref_squeeze %dma_wait3A_103 : memref<1x!tpu.dma_semaphore, #tpu.memory_space<semaphore_mem>> -> memref<!tpu.dma_semaphore, #tpu.memory_space<semaphore_mem>>
      tpu.wait_indirect_dma semaphore(%dma_wait3A_104 : memref<!tpu.dma_semaphore, #tpu.memory_space<semaphore_mem>>) src(%dma_wait3A_102 : memref<10000x32xf32, #tpu.memory_space<vmem_shared>>) dst(%dma_wait3A_96 : memref<640x32xf32, #tpu.memory_space<vmem>>)
      %mul3A_105 = arith.constant 2 : i32
      %mul3A_106 = arith.muli %mul3A_105, %scan3A_88 : i32
      %dma_start3A_107 = arith.constant 0 : i32
      %dma_start3A_108 = arith.constant 0 : i32
      %dma_start3A_109 = arith.constant 0 : i32
      %dma_start3A_110 = arith.constant 0 : i32
      %dma_start3A_111 = tpu.memref_slice %arg9[%dma_start3A_107, %dma_start3A_109, %dma_start3A_110] : memref<2x640x32xf32, #tpu.memory_space<vmem>> -> memref<1x640x32xf32, #tpu.memory_space<vmem>>
      %dma_start3A_112 = tpu.memref_squeeze %dma_start3A_111 : memref<1x640x32xf32, #tpu.memory_space<vmem>> -> memref<640x32xf32, #tpu.memory_space<vmem>>
      %dma_start3A_113 = arith.constant 0 : i32
      %dma_start3A_114 = tpu.memref_slice %arg7[%mul3A_106, %dma_start3A_113] : memref<32x640xi32, #tpu.memory_space<vmem>> -> memref<1x640xi32, #tpu.memory_space<vmem>>
      %dma_start3A_115 = tpu.memref_squeeze %dma_start3A_114 : memref<1x640xi32, #tpu.memory_space<vmem>> -> memref<640xi32, #tpu.memory_space<vmem>>
      %dma_start3A_116 = arith.constant 0 : i32
      %dma_start3A_117 = arith.constant 0 : i32
      %dma_start3A_118 = tpu.memref_slice %arg11[%dma_start3A_116, %dma_start3A_117] : memref<10240x32xf32, #tpu.memory_space<vmem_shared>> -> memref<10240x32xf32, #tpu.memory_space<vmem_shared>>
      %dma_start3A_119 = tpu.memref_slice %arg13[%dma_start3A_108] : memref<2x!tpu.dma_semaphore, #tpu.memory_space<semaphore_mem>> -> memref<1x!tpu.dma_semaphore, #tpu.memory_space<semaphore_mem>>
      %dma_start3A_120 = tpu.memref_squeeze %dma_start3A_119 : memref<1x!tpu.dma_semaphore, #tpu.memory_space<semaphore_mem>> -> memref<!tpu.dma_semaphore, #tpu.memory_space<semaphore_mem>>
      tpu.enqueue_indirect_dma source(%dma_start3A_112 : memref<640x32xf32, #tpu.memory_space<vmem>>) target(%dma_start3A_118 : memref<10240x32xf32, #tpu.memory_space<vmem_shared>>) offsets(%dma_start3A_115 : memref<640xi32, #tpu.memory_space<vmem>>) semaphore(%dma_start3A_120 : memref<!tpu.dma_semaphore, #tpu.memory_space<semaphore_mem>>) {add = true}
      %gt3A = arith.constant 0 : i32
      %gt3A_121 = arith.cmpi sgt, %scan3A_88, %gt3A : i32
      %convert_element_type3A = arith.extui %gt3A_121 : i1 to i32
      %cond3A = arith.constant 0 : i32
      %cond3A_122 = arith.cmpi ne, %convert_element_type3A, %cond3A : i32
      scf.if %cond3A_122 {
        %mul3A_197 = arith.constant 2 : i32
        %mul3A_198 = arith.muli %mul3A_197, %scan3A_88 : i32
        %sub3A = arith.constant 1 : i32
        %sub3A_199 = arith.subi %mul3A_198, %sub3A : i32
        %dma_wait3A_200 = arith.constant 1 : i32
        %dma_wait3A_201 = arith.constant 1 : i32
        %dma_wait3A_202 = arith.constant 0 : i32
        %dma_wait3A_203 = arith.constant 0 : i32
        %dma_wait3A_204 = tpu.memref_slice %arg9[%dma_wait3A_200, %dma_wait3A_202, %dma_wait3A_203] : memref<2x640x32xf32, #tpu.memory_space<vmem>> -> memref<1x640x32xf32, #tpu.memory_space<vmem>>
        %dma_wait3A_205 = tpu.memref_squeeze %dma_wait3A_204 : memref<1x640x32xf32, #tpu.memory_space<vmem>> -> memref<640x32xf32, #tpu.memory_space<vmem>>
        %dma_wait3A_206 = arith.constant 0 : i32
        %dma_wait3A_207 = tpu.memref_slice %arg7[%sub3A_199, %dma_wait3A_206] : memref<32x640xi32, #tpu.memory_space<vmem>> -> memref<1x640xi32, #tpu.memory_space<vmem>>
        %dma_wait3A_208 = tpu.memref_squeeze %dma_wait3A_207 : memref<1x640xi32, #tpu.memory_space<vmem>> -> memref<640xi32, #tpu.memory_space<vmem>>
        %dma_wait3A_209 = arith.constant 0 : i32
        %dma_wait3A_210 = arith.constant 0 : i32
        %dma_wait3A_211 = tpu.memref_slice %arg11[%dma_wait3A_209, %dma_wait3A_210] : memref<10240x32xf32, #tpu.memory_space<vmem_shared>> -> memref<10240x32xf32, #tpu.memory_space<vmem_shared>>
        %dma_wait3A_212 = tpu.memref_slice %arg13[%dma_wait3A_201] : memref<2x!tpu.dma_semaphore, #tpu.memory_space<semaphore_mem>> -> memref<1x!tpu.dma_semaphore, #tpu.memory_space<semaphore_mem>>
        %dma_wait3A_213 = tpu.memref_squeeze %dma_wait3A_212 : memref<1x!tpu.dma_semaphore, #tpu.memory_space<semaphore_mem>> -> memref<!tpu.dma_semaphore, #tpu.memory_space<semaphore_mem>>
        tpu.wait_indirect_dma semaphore(%dma_wait3A_213 : memref<!tpu.dma_semaphore, #tpu.memory_space<semaphore_mem>>) src(%dma_wait3A_205 : memref<640x32xf32, #tpu.memory_space<vmem>>) dst(%dma_wait3A_211 : memref<10240x32xf32, #tpu.memory_space<vmem_shared>>)
      } else {
      }
      %mul3A_123 = arith.constant 2 : i32
      %mul3A_124 = arith.muli %mul3A_123, %scan3A_88 : i32
      %add3A_125 = arith.constant 1 : i32
      %add3A_126 = arith.addi %mul3A_124, %add3A_125 : i32
      %dma_start3A_127 = arith.constant 1 : i32
      %dma_start3A_128 = arith.constant 1 : i32
      %dma_start3A_129 = arith.constant 0 : i32
      %dma_start3A_130 = arith.constant 0 : i32
      %dma_start3A_131 = tpu.memref_slice %arg9[%dma_start3A_127, %dma_start3A_129, %dma_start3A_130] : memref<2x640x32xf32, #tpu.memory_space<vmem>> -> memref<1x640x32xf32, #tpu.memory_space<vmem>>
      %dma_start3A_132 = tpu.memref_squeeze %dma_start3A_131 : memref<1x640x32xf32, #tpu.memory_space<vmem>> -> memref<640x32xf32, #tpu.memory_space<vmem>>
      %dma_start3A_133 = arith.constant 0 : i32
      %dma_start3A_134 = tpu.memref_slice %arg8[%add3A_126, %dma_start3A_133] : memref<32x640xi32, #tpu.memory_space<vmem>> -> memref<1x640xi32, #tpu.memory_space<vmem>>
      %dma_start3A_135 = tpu.memref_squeeze %dma_start3A_134 : memref<1x640xi32, #tpu.memory_space<vmem>> -> memref<640xi32, #tpu.memory_space<vmem>>
      %dma_start3A_136 = arith.constant 0 : i32
      %dma_start3A_137 = arith.constant 0 : i32
      %dma_start3A_138 = tpu.memref_slice %arg10[%dma_start3A_136, %dma_start3A_137] : memref<10000x32xf32, #tpu.memory_space<vmem_shared>> -> memref<10000x32xf32, #tpu.memory_space<vmem_shared>>
      %dma_start3A_139 = tpu.memref_slice %arg12[%dma_start3A_128] : memref<2x!tpu.dma_semaphore, #tpu.memory_space<semaphore_mem>> -> memref<1x!tpu.dma_semaphore, #tpu.memory_space<semaphore_mem>>
      %dma_start3A_140 = tpu.memref_squeeze %dma_start3A_139 : memref<1x!tpu.dma_semaphore, #tpu.memory_space<semaphore_mem>> -> memref<!tpu.dma_semaphore, #tpu.memory_space<semaphore_mem>>
      tpu.enqueue_indirect_dma source(%dma_start3A_138 : memref<10000x32xf32, #tpu.memory_space<vmem_shared>>) target(%dma_start3A_132 : memref<640x32xf32, #tpu.memory_space<vmem>>) offsets(%dma_start3A_135 : memref<640xi32, #tpu.memory_space<vmem>>) semaphore(%dma_start3A_140 : memref<!tpu.dma_semaphore, #tpu.memory_space<semaphore_mem>>)
      %mul3A_141 = arith.constant 2 : i32
      %mul3A_142 = arith.muli %mul3A_141, %scan3A_88 : i32
      %add3A_143 = arith.constant 1 : i32
      %add3A_144 = arith.addi %mul3A_142, %add3A_143 : i32
      %dma_wait3A_145 = arith.constant 1 : i32
      %dma_wait3A_146 = arith.constant 1 : i32
      %dma_wait3A_147 = arith.constant 0 : i32
      %dma_wait3A_148 = arith.constant 0 : i32
      %dma_wait3A_149 = tpu.memref_slice %arg9[%dma_wait3A_145, %dma_wait3A_147, %dma_wait3A_148] : memref<2x640x32xf32, #tpu.memory_space<vmem>> -> memref<1x640x32xf32, #tpu.memory_space<vmem>>
      %dma_wait3A_150 = tpu.memref_squeeze %dma_wait3A_149 : memref<1x640x32xf32, #tpu.memory_space<vmem>> -> memref<640x32xf32, #tpu.memory_space<vmem>>
      %dma_wait3A_151 = arith.constant 0 : i32
      %dma_wait3A_152 = tpu.memref_slice %arg8[%add3A_144, %dma_wait3A_151] : memref<32x640xi32, #tpu.memory_space<vmem>> -> memref<1x640xi32, #tpu.memory_space<vmem>>
      %dma_wait3A_153 = tpu.memref_squeeze %dma_wait3A_152 : memref<1x640xi32, #tpu.memory_space<vmem>> -> memref<640xi32, #tpu.memory_space<vmem>>
      %dma_wait3A_154 = arith.constant 0 : i32
      %dma_wait3A_155 = arith.constant 0 : i32
      %dma_wait3A_156 = tpu.memref_slice %arg10[%dma_wait3A_154, %dma_wait3A_155] : memref<10000x32xf32, #tpu.memory_space<vmem_shared>> -> memref<10000x32xf32, #tpu.memory_space<vmem_shared>>
      %dma_wait3A_157 = tpu.memref_slice %arg12[%dma_wait3A_146] : memref<2x!tpu.dma_semaphore, #tpu.memory_space<semaphore_mem>> -> memref<1x!tpu.dma_semaphore, #tpu.memory_space<semaphore_mem>>
      %dma_wait3A_158 = tpu.memref_squeeze %dma_wait3A_157 : memref<1x!tpu.dma_semaphore, #tpu.memory_space<semaphore_mem>> -> memref<!tpu.dma_semaphore, #tpu.memory_space<semaphore_mem>>
      tpu.wait_indirect_dma semaphore(%dma_wait3A_158 : memref<!tpu.dma_semaphore, #tpu.memory_space<semaphore_mem>>) src(%dma_wait3A_156 : memref<10000x32xf32, #tpu.memory_space<vmem_shared>>) dst(%dma_wait3A_150 : memref<640x32xf32, #tpu.memory_space<vmem>>)
      %mul3A_159 = arith.constant 2 : i32
      %mul3A_160 = arith.muli %mul3A_159, %scan3A_88 : i32
      %add3A_161 = arith.constant 1 : i32
      %add3A_162 = arith.addi %mul3A_160, %add3A_161 : i32
      %dma_start3A_163 = arith.constant 1 : i32
      %dma_start3A_164 = arith.constant 1 : i32
      %dma_start3A_165 = arith.constant 0 : i32
      %dma_start3A_166 = arith.constant 0 : i32
      %dma_start3A_167 = tpu.memref_slice %arg9[%dma_start3A_163, %dma_start3A_165, %dma_start3A_166] : memref<2x640x32xf32, #tpu.memory_space<vmem>> -> memref<1x640x32xf32, #tpu.memory_space<vmem>>
      %dma_start3A_168 = tpu.memref_squeeze %dma_start3A_167 : memref<1x640x32xf32, #tpu.memory_space<vmem>> -> memref<640x32xf32, #tpu.memory_space<vmem>>
      %dma_start3A_169 = arith.constant 0 : i32
      %dma_start3A_170 = tpu.memref_slice %arg7[%add3A_162, %dma_start3A_169] : memref<32x640xi32, #tpu.memory_space<vmem>> -> memref<1x640xi32, #tpu.memory_space<vmem>>
      %dma_start3A_171 = tpu.memref_squeeze %dma_start3A_170 : memref<1x640xi32, #tpu.memory_space<vmem>> -> memref<640xi32, #tpu.memory_space<vmem>>
      %dma_start3A_172 = arith.constant 0 : i32
      %dma_start3A_173 = arith.constant 0 : i32
      %dma_start3A_174 = tpu.memref_slice %arg11[%dma_start3A_172, %dma_start3A_173] : memref<10240x32xf32, #tpu.memory_space<vmem_shared>> -> memref<10240x32xf32, #tpu.memory_space<vmem_shared>>
      %dma_start3A_175 = tpu.memref_slice %arg13[%dma_start3A_164] : memref<2x!tpu.dma_semaphore, #tpu.memory_space<semaphore_mem>> -> memref<1x!tpu.dma_semaphore, #tpu.memory_space<semaphore_mem>>
      %dma_start3A_176 = tpu.memref_squeeze %dma_start3A_175 : memref<1x!tpu.dma_semaphore, #tpu.memory_space<semaphore_mem>> -> memref<!tpu.dma_semaphore, #tpu.memory_space<semaphore_mem>>
      tpu.enqueue_indirect_dma source(%dma_start3A_168 : memref<640x32xf32, #tpu.memory_space<vmem>>) target(%dma_start3A_174 : memref<10240x32xf32, #tpu.memory_space<vmem_shared>>) offsets(%dma_start3A_171 : memref<640xi32, #tpu.memory_space<vmem>>) semaphore(%dma_start3A_176 : memref<!tpu.dma_semaphore, #tpu.memory_space<semaphore_mem>>) {add = true}
      %mul3A_177 = arith.constant 2 : i32
      %mul3A_178 = arith.muli %mul3A_177, %scan3A_88 : i32
      %dma_wait3A_179 = arith.constant 0 : i32
      %dma_wait3A_180 = arith.constant 0 : i32
      %dma_wait3A_181 = arith.constant 0 : i32
      %dma_wait3A_182 = arith.constant 0 : i32
      %dma_wait3A_183 = tpu.memref_slice %arg9[%dma_wait3A_179, %dma_wait3A_181, %dma_wait3A_182] : memref<2x640x32xf32, #tpu.memory_space<vmem>> -> memref<1x640x32xf32, #tpu.memory_space<vmem>>
      %dma_wait3A_184 = tpu.memref_squeeze %dma_wait3A_183 : memref<1x640x32xf32, #tpu.memory_space<vmem>> -> memref<640x32xf32, #tpu.memory_space<vmem>>
      %dma_wait3A_185 = arith.constant 0 : i32
      %dma_wait3A_186 = tpu.memref_slice %arg7[%mul3A_178, %dma_wait3A_185] : memref<32x640xi32, #tpu.memory_space<vmem>> -> memref<1x640xi32, #tpu.memory_space<vmem>>
      %dma_wait3A_187 = tpu.memref_squeeze %dma_wait3A_186 : memref<1x640xi32, #tpu.memory_space<vmem>> -> memref<640xi32, #tpu.memory_space<vmem>>
      %dma_wait3A_188 = arith.constant 0 : i32
      %dma_wait3A_189 = arith.constant 0 : i32
      %dma_wait3A_190 = tpu.memref_slice %arg11[%dma_wait3A_188, %dma_wait3A_189] : memref<10240x32xf32, #tpu.memory_space<vmem_shared>> -> memref<10240x32xf32, #tpu.memory_space<vmem_shared>>
      %dma_wait3A_191 = tpu.memref_slice %arg13[%dma_wait3A_180] : memref<2x!tpu.dma_semaphore, #tpu.memory_space<semaphore_mem>> -> memref<1x!tpu.dma_semaphore, #tpu.memory_space<semaphore_mem>>
      %dma_wait3A_192 = tpu.memref_squeeze %dma_wait3A_191 : memref<1x!tpu.dma_semaphore, #tpu.memory_space<semaphore_mem>> -> memref<!tpu.dma_semaphore, #tpu.memory_space<semaphore_mem>>
      tpu.wait_indirect_dma semaphore(%dma_wait3A_192 : memref<!tpu.dma_semaphore, #tpu.memory_space<semaphore_mem>>) src(%dma_wait3A_184 : memref<640x32xf32, #tpu.memory_space<vmem>>) dst(%dma_wait3A_190 : memref<10240x32xf32, #tpu.memory_space<vmem_shared>>)
      %lt3A = arith.constant 15 : i32
      %lt3A_193 = arith.cmpi slt, %scan3A_88, %lt3A : i32
      %convert_element_type3A_194 = arith.extui %lt3A_193 : i1 to i32
      %cond3A_195 = arith.constant 0 : i32
      %cond3A_196 = arith.cmpi ne, %convert_element_type3A_194, %cond3A_195 : i32
      scf.if %cond3A_196 {
        %mul3A_197 = arith.constant 2 : i32
        %mul3A_198 = arith.muli %mul3A_197, %scan3A_88 : i32
        %add3A_199 = arith.constant 2 : i32
        %add3A_200 = arith.addi %mul3A_198, %add3A_199 : i32
        %dma_start3A_201 = arith.constant 0 : i32
        %dma_start3A_202 = arith.constant 0 : i32
        %dma_start3A_203 = arith.constant 0 : i32
        %dma_start3A_204 = arith.constant 0 : i32
        %dma_start3A_205 = tpu.memref_slice %arg9[%dma_start3A_201, %dma_start3A_203, %dma_start3A_204] : memref<2x640x32xf32, #tpu.memory_space<vmem>> -> memref<1x640x32xf32, #tpu.memory_space<vmem>>
        %dma_start3A_206 = tpu.memref_squeeze %dma_start3A_205 : memref<1x640x32xf32, #tpu.memory_space<vmem>> -> memref<640x32xf32, #tpu.memory_space<vmem>>
        %dma_start3A_207 = arith.constant 0 : i32
        %dma_start3A_208 = tpu.memref_slice %arg8[%add3A_200, %dma_start3A_207] : memref<32x640xi32, #tpu.memory_space<vmem>> -> memref<1x640xi32, #tpu.memory_space<vmem>>
        %dma_start3A_209 = tpu.memref_squeeze %dma_start3A_208 : memref<1x640xi32, #tpu.memory_space<vmem>> -> memref<640xi32, #tpu.memory_space<vmem>>
        %dma_start3A_210 = arith.constant 0 : i32
        %dma_start3A_211 = arith.constant 0 : i32
        %dma_start3A_212 = tpu.memref_slice %arg10[%dma_start3A_210, %dma_start3A_211] : memref<10000x32xf32, #tpu.memory_space<vmem_shared>> -> memref<10000x32xf32, #tpu.memory_space<vmem_shared>>
        %dma_start3A_213 = tpu.memref_slice %arg12[%dma_start3A_202] : memref<2x!tpu.dma_semaphore, #tpu.memory_space<semaphore_mem>> -> memref<1x!tpu.dma_semaphore, #tpu.memory_space<semaphore_mem>>
        %dma_start3A_214 = tpu.memref_squeeze %dma_start3A_213 : memref<1x!tpu.dma_semaphore, #tpu.memory_space<semaphore_mem>> -> memref<!tpu.dma_semaphore, #tpu.memory_space<semaphore_mem>>
        tpu.enqueue_indirect_dma source(%dma_start3A_212 : memref<10000x32xf32, #tpu.memory_space<vmem_shared>>) target(%dma_start3A_206 : memref<640x32xf32, #tpu.memory_space<vmem>>) offsets(%dma_start3A_209 : memref<640xi32, #tpu.memory_space<vmem>>) semaphore(%dma_start3A_214 : memref<!tpu.dma_semaphore, #tpu.memory_space<semaphore_mem>>)
      } else {
      }
    }
    %scan3A_28 = arith.constant 16 : i32
    %dma_wait3A = arith.constant 1 : i32
    %dma_wait3A_29 = arith.constant 31 : i32
    %dma_wait3A_30 = arith.constant 1 : i32
    %dma_wait3A_31 = arith.constant 0 : i32
    %dma_wait3A_32 = arith.constant 0 : i32
    %dma_wait3A_33 = tpu.memref_slice %arg9[%dma_wait3A, %dma_wait3A_31, %dma_wait3A_32] : memref<2x640x32xf32, #tpu.memory_space<vmem>> -> memref<1x640x32xf32, #tpu.memory_space<vmem>>
    %dma_wait3A_34 = tpu.memref_squeeze %dma_wait3A_33 : memref<1x640x32xf32, #tpu.memory_space<vmem>> -> memref<640x32xf32, #tpu.memory_space<vmem>>
    %dma_wait3A_35 = arith.constant 0 : i32
    %dma_wait3A_36 = tpu.memref_slice %arg7[%dma_wait3A_29, %dma_wait3A_35] : memref<32x640xi32, #tpu.memory_space<vmem>> -> memref<1x640xi32, #tpu.memory_space<vmem>>
    %dma_wait3A_37 = tpu.memref_squeeze %dma_wait3A_36 : memref<1x640xi32, #tpu.memory_space<vmem>> -> memref<640xi32, #tpu.memory_space<vmem>>
    %dma_wait3A_38 = arith.constant 0 : i32
    %dma_wait3A_39 = arith.constant 0 : i32
    %dma_wait3A_40 = tpu.memref_slice %arg11[%dma_wait3A_38, %dma_wait3A_39] : memref<10240x32xf32, #tpu.memory_space<vmem_shared>> -> memref<10240x32xf32, #tpu.memory_space<vmem_shared>>
    %dma_wait3A_41 = tpu.memref_slice %arg13[%dma_wait3A_30] : memref<2x!tpu.dma_semaphore, #tpu.memory_space<semaphore_mem>> -> memref<1x!tpu.dma_semaphore, #tpu.memory_space<semaphore_mem>>
    %dma_wait3A_42 = tpu.memref_squeeze %dma_wait3A_41 : memref<1x!tpu.dma_semaphore, #tpu.memory_space<semaphore_mem>> -> memref<!tpu.dma_semaphore, #tpu.memory_space<semaphore_mem>>
    tpu.wait_indirect_dma semaphore(%dma_wait3A_42 : memref<!tpu.dma_semaphore, #tpu.memory_space<semaphore_mem>>) src(%dma_wait3A_34 : memref<640x32xf32, #tpu.memory_space<vmem>>) dst(%dma_wait3A_40 : memref<10240x32xf32, #tpu.memory_space<vmem_shared>>)
    %barrier3A_43 = arith.constant 0 : index
    tpu.barrier barrier_id(%barrier3A_43)
    "tpu.region"() ({
      %run_scoped3A = tpu.sem_alloc : memref<!tpu.dma_semaphore, #tpu.memory_space<semaphore_mem>>
      %dma_start3A_88 = tpu.memref_slice %arg6[%mul3A_2, %mul3A_9] : memref<10240x128xf32, #tpu.memory_space<hbm>> -> memref<640x32xf32, #tpu.memory_space<hbm>>
      %dma_start3A_89 = arith.constant 0 : i32
      %dma_start3A_90 = tpu.memref_slice %arg11[%mul3A_2, %dma_start3A_89] : memref<10240x32xf32, #tpu.memory_space<vmem_shared>> -> memref<640x32xf32, #tpu.memory_space<vmem_shared>>
      tpu.enqueue_dma source(%dma_start3A_90 : memref<640x32xf32, #tpu.memory_space<vmem_shared>>) target(%dma_start3A_88 : memref<640x32xf32, #tpu.memory_space<hbm>>) target_semaphore(%run_scoped3A : memref<!tpu.dma_semaphore, #tpu.memory_space<semaphore_mem>>)
      %dma_wait3A_91 = tpu.memref_slice %arg6[%mul3A_2, %mul3A_9] : memref<10240x128xf32, #tpu.memory_space<hbm>> -> memref<640x32xf32, #tpu.memory_space<hbm>>
      %dma_wait3A_92 = arith.constant 0 : i32
      %dma_wait3A_93 = tpu.memref_slice %arg11[%mul3A_2, %dma_wait3A_92] : memref<10240x32xf32, #tpu.memory_space<vmem_shared>> -> memref<640x32xf32, #tpu.memory_space<vmem_shared>>
      tpu.wait_dma2 semaphore(%run_scoped3A : memref<!tpu.dma_semaphore, #tpu.memory_space<semaphore_mem>>) src(%dma_wait3A_93 : memref<640x32xf32, #tpu.memory_space<vmem_shared>>) dst(%dma_wait3A_91 : memref<640x32xf32, #tpu.memory_space<hbm>>)
      tpu.yield
    }) : () -> ()
    %mul3A_44 = arith.constant 2 : i32
    %mul3A_45 = arith.muli %arg0, %mul3A_44 : i32
    %add3A_46 = arith.constant 1 : i32
    %add3A_47 = arith.addi %mul3A_45, %add3A_46 : i32
    %mul3A_48 = arith.constant 32 : i32
    %mul3A_49 = arith.muli %add3A_47, %mul3A_48 : i32
    "tpu.region"() ({
      %run_scoped3A = tpu.sem_alloc : memref<!tpu.dma_semaphore, #tpu.memory_space<semaphore_mem>>
      %dma_start3A_88 = arith.constant 0 : i32
      %dma_start3A_89 = tpu.memref_slice %arg11[%mul3A_2, %dma_start3A_88] : memref<10240x32xf32, #tpu.memory_space<vmem_shared>> -> memref<640x32xf32, #tpu.memory_space<vmem_shared>>
      tpu.enqueue_dma source(%arg5 : memref<640x32xf32, #tpu.memory_space<hbm>>) target(%dma_start3A_89 : memref<640x32xf32, #tpu.memory_space<vmem_shared>>) target_semaphore(%run_scoped3A : memref<!tpu.dma_semaphore, #tpu.memory_space<semaphore_mem>>)
      %dma_wait3A_90 = arith.constant 0 : i32
      %dma_wait3A_91 = tpu.memref_slice %arg11[%mul3A_2, %dma_wait3A_90] : memref<10240x32xf32, #tpu.memory_space<vmem_shared>> -> memref<640x32xf32, #tpu.memory_space<vmem_shared>>
      tpu.wait_dma2 semaphore(%run_scoped3A : memref<!tpu.dma_semaphore, #tpu.memory_space<semaphore_mem>>) src(%arg5 : memref<640x32xf32, #tpu.memory_space<hbm>>) dst(%dma_wait3A_91 : memref<640x32xf32, #tpu.memory_space<vmem_shared>>)
      tpu.yield
    }) : () -> ()
    "tpu.region"() ({
      %run_scoped3A = tpu.sem_alloc : memref<!tpu.dma_semaphore, #tpu.memory_space<semaphore_mem>>
      %dma_start3A_88 = arith.constant 0 : i32
      %dma_start3A_89 = tpu.memref_slice %arg10[%mul3A_4, %dma_start3A_88] : memref<10000x32xf32, #tpu.memory_space<vmem_shared>> -> memref<625x32xf32, #tpu.memory_space<vmem_shared>>
      %dma_start3A_90 = tpu.memref_slice %arg2[%mul3A_4, %mul3A_49] : memref<10000x128xf32, #tpu.memory_space<hbm>> -> memref<625x32xf32, #tpu.memory_space<hbm>>
      tpu.enqueue_dma source(%dma_start3A_90 : memref<625x32xf32, #tpu.memory_space<hbm>>) target(%dma_start3A_89 : memref<625x32xf32, #tpu.memory_space<vmem_shared>>) target_semaphore(%run_scoped3A : memref<!tpu.dma_semaphore, #tpu.memory_space<semaphore_mem>>)
      %dma_wait3A_91 = arith.constant 0 : i32
      %dma_wait3A_92 = tpu.memref_slice %arg10[%mul3A_4, %dma_wait3A_91] : memref<10000x32xf32, #tpu.memory_space<vmem_shared>> -> memref<625x32xf32, #tpu.memory_space<vmem_shared>>
      %dma_wait3A_93 = tpu.memref_slice %arg2[%mul3A_4, %mul3A_49] : memref<10000x128xf32, #tpu.memory_space<hbm>> -> memref<625x32xf32, #tpu.memory_space<hbm>>
      tpu.wait_dma2 semaphore(%run_scoped3A : memref<!tpu.dma_semaphore, #tpu.memory_space<semaphore_mem>>) src(%dma_wait3A_93 : memref<625x32xf32, #tpu.memory_space<hbm>>) dst(%dma_wait3A_92 : memref<625x32xf32, #tpu.memory_space<vmem_shared>>)
      tpu.yield
    }) : () -> ()
    %barrier3A_50 = arith.constant 0 : index
    tpu.barrier barrier_id(%barrier3A_50)
    %dma_start3A_51 = arith.constant 0 : i32
    %dma_start3A_52 = arith.constant 0 : i32
    %dma_start3A_53 = arith.constant 0 : i32
    %dma_start3A_54 = arith.constant 0 : i32
    %dma_start3A_55 = arith.constant 0 : i32
    %dma_start3A_56 = tpu.memref_slice %arg9[%dma_start3A_52, %dma_start3A_54, %dma_start3A_55] : memref<2x640x32xf32, #tpu.memory_space<vmem>> -> memref<1x640x32xf32, #tpu.memory_space<vmem>>
    %dma_start3A_57 = tpu.memref_squeeze %dma_start3A_56 : memref<1x640x32xf32, #tpu.memory_space<vmem>> -> memref<640x32xf32, #tpu.memory_space<vmem>>
    %dma_start3A_58 = arith.constant 0 : i32
    %dma_start3A_59 = tpu.memref_slice %arg8[%dma_start3A_51, %dma_start3A_58] : memref<32x640xi32, #tpu.memory_space<vmem>> -> memref<1x640xi32, #tpu.memory_space<vmem>>
    %dma_start3A_60 = tpu.memref_squeeze %dma_start3A_59 : memref<1x640xi32, #tpu.memory_space<vmem>> -> memref<640xi32, #tpu.memory_space<vmem>>
    %dma_start3A_61 = arith.constant 0 : i32
    %dma_start3A_62 = arith.constant 0 : i32
    %dma_start3A_63 = tpu.memref_slice %arg10[%dma_start3A_61, %dma_start3A_62] : memref<10000x32xf32, #tpu.memory_space<vmem_shared>> -> memref<10000x32xf32, #tpu.memory_space<vmem_shared>>
    %dma_start3A_64 = tpu.memref_slice %arg12[%dma_start3A_53] : memref<2x!tpu.dma_semaphore, #tpu.memory_space<semaphore_mem>> -> memref<1x!tpu.dma_semaphore, #tpu.memory_space<semaphore_mem>>
    %dma_start3A_65 = tpu.memref_squeeze %dma_start3A_64 : memref<1x!tpu.dma_semaphore, #tpu.memory_space<semaphore_mem>> -> memref<!tpu.dma_semaphore, #tpu.memory_space<semaphore_mem>>
    tpu.enqueue_indirect_dma source(%dma_start3A_63 : memref<10000x32xf32, #tpu.memory_space<vmem_shared>>) target(%dma_start3A_57 : memref<640x32xf32, #tpu.memory_space<vmem>>) offsets(%dma_start3A_60 : memref<640xi32, #tpu.memory_space<vmem>>) semaphore(%dma_start3A_65 : memref<!tpu.dma_semaphore, #tpu.memory_space<semaphore_mem>>)
    %scan3A_66 = arith.constant 0 : i32
    %scan3A_67 = arith.constant 0 : i32
    %scan3A_68 = arith.constant 16 : i32
    %scan3A_69 = arith.addi %scan3A_67, %scan3A_68 : i32
    %scan3A_70 = arith.constant 1 : i32
    scf.for %scan3A_88 = %scan3A_67 to %scan3A_69 step %scan3A_70  : i32 {
      %mul3A_89 = arith.constant 2 : i32
      %mul3A_90 = arith.muli %mul3A_89, %scan3A_88 : i32
      %dma_wait3A_91 = arith.constant 0 : i32
      %dma_wait3A_92 = arith.constant 0 : i32
      %dma_wait3A_93 = arith.constant 0 : i32
      %dma_wait3A_94 = arith.constant 0 : i32
      %dma_wait3A_95 = tpu.memref_slice %arg9[%dma_wait3A_91, %dma_wait3A_93, %dma_wait3A_94] : memref<2x640x32xf32, #tpu.memory_space<vmem>> -> memref<1x640x32xf32, #tpu.memory_space<vmem>>
      %dma_wait3A_96 = tpu.memref_squeeze %dma_wait3A_95 : memref<1x640x32xf32, #tpu.memory_space<vmem>> -> memref<640x32xf32, #tpu.memory_space<vmem>>
      %dma_wait3A_97 = arith.constant 0 : i32
      %dma_wait3A_98 = tpu.memref_slice %arg8[%mul3A_90, %dma_wait3A_97] : memref<32x640xi32, #tpu.memory_space<vmem>> -> memref<1x640xi32, #tpu.memory_space<vmem>>
      %dma_wait3A_99 = tpu.memref_squeeze %dma_wait3A_98 : memref<1x640xi32, #tpu.memory_space<vmem>> -> memref<640xi32, #tpu.memory_space<vmem>>
      %dma_wait3A_100 = arith.constant 0 : i32
      %dma_wait3A_101 = arith.constant 0 : i32
      %dma_wait3A_102 = tpu.memref_slice %arg10[%dma_wait3A_100, %dma_wait3A_101] : memref<10000x32xf32, #tpu.memory_space<vmem_shared>> -> memref<10000x32xf32, #tpu.memory_space<vmem_shared>>
      %dma_wait3A_103 = tpu.memref_slice %arg12[%dma_wait3A_92] : memref<2x!tpu.dma_semaphore, #tpu.memory_space<semaphore_mem>> -> memref<1x!tpu.dma_semaphore, #tpu.memory_space<semaphore_mem>>
      %dma_wait3A_104 = tpu.memref_squeeze %dma_wait3A_103 : memref<1x!tpu.dma_semaphore, #tpu.memory_space<semaphore_mem>> -> memref<!tpu.dma_semaphore, #tpu.memory_space<semaphore_mem>>
      tpu.wait_indirect_dma semaphore(%dma_wait3A_104 : memref<!tpu.dma_semaphore, #tpu.memory_space<semaphore_mem>>) src(%dma_wait3A_102 : memref<10000x32xf32, #tpu.memory_space<vmem_shared>>) dst(%dma_wait3A_96 : memref<640x32xf32, #tpu.memory_space<vmem>>)
      %mul3A_105 = arith.constant 2 : i32
      %mul3A_106 = arith.muli %mul3A_105, %scan3A_88 : i32
      %dma_start3A_107 = arith.constant 0 : i32
      %dma_start3A_108 = arith.constant 0 : i32
      %dma_start3A_109 = arith.constant 0 : i32
      %dma_start3A_110 = arith.constant 0 : i32
      %dma_start3A_111 = tpu.memref_slice %arg9[%dma_start3A_107, %dma_start3A_109, %dma_start3A_110] : memref<2x640x32xf32, #tpu.memory_space<vmem>> -> memref<1x640x32xf32, #tpu.memory_space<vmem>>
      %dma_start3A_112 = tpu.memref_squeeze %dma_start3A_111 : memref<1x640x32xf32, #tpu.memory_space<vmem>> -> memref<640x32xf32, #tpu.memory_space<vmem>>
      %dma_start3A_113 = arith.constant 0 : i32
      %dma_start3A_114 = tpu.memref_slice %arg7[%mul3A_106, %dma_start3A_113] : memref<32x640xi32, #tpu.memory_space<vmem>> -> memref<1x640xi32, #tpu.memory_space<vmem>>
      %dma_start3A_115 = tpu.memref_squeeze %dma_start3A_114 : memref<1x640xi32, #tpu.memory_space<vmem>> -> memref<640xi32, #tpu.memory_space<vmem>>
      %dma_start3A_116 = arith.constant 0 : i32
      %dma_start3A_117 = arith.constant 0 : i32
      %dma_start3A_118 = tpu.memref_slice %arg11[%dma_start3A_116, %dma_start3A_117] : memref<10240x32xf32, #tpu.memory_space<vmem_shared>> -> memref<10240x32xf32, #tpu.memory_space<vmem_shared>>
      %dma_start3A_119 = tpu.memref_slice %arg13[%dma_start3A_108] : memref<2x!tpu.dma_semaphore, #tpu.memory_space<semaphore_mem>> -> memref<1x!tpu.dma_semaphore, #tpu.memory_space<semaphore_mem>>
      %dma_start3A_120 = tpu.memref_squeeze %dma_start3A_119 : memref<1x!tpu.dma_semaphore, #tpu.memory_space<semaphore_mem>> -> memref<!tpu.dma_semaphore, #tpu.memory_space<semaphore_mem>>
      tpu.enqueue_indirect_dma source(%dma_start3A_112 : memref<640x32xf32, #tpu.memory_space<vmem>>) target(%dma_start3A_118 : memref<10240x32xf32, #tpu.memory_space<vmem_shared>>) offsets(%dma_start3A_115 : memref<640xi32, #tpu.memory_space<vmem>>) semaphore(%dma_start3A_120 : memref<!tpu.dma_semaphore, #tpu.memory_space<semaphore_mem>>) {add = true}
      %gt3A = arith.constant 0 : i32
      %gt3A_121 = arith.cmpi sgt, %scan3A_88, %gt3A : i32
      %convert_element_type3A = arith.extui %gt3A_121 : i1 to i32
      %cond3A = arith.constant 0 : i32
      %cond3A_122 = arith.cmpi ne, %convert_element_type3A, %cond3A : i32
      scf.if %cond3A_122 {
        %mul3A_197 = arith.constant 2 : i32
        %mul3A_198 = arith.muli %mul3A_197, %scan3A_88 : i32
        %sub3A = arith.constant 1 : i32
        %sub3A_199 = arith.subi %mul3A_198, %sub3A : i32
        %dma_wait3A_200 = arith.constant 1 : i32
        %dma_wait3A_201 = arith.constant 1 : i32
        %dma_wait3A_202 = arith.constant 0 : i32
        %dma_wait3A_203 = arith.constant 0 : i32
        %dma_wait3A_204 = tpu.memref_slice %arg9[%dma_wait3A_200, %dma_wait3A_202, %dma_wait3A_203] : memref<2x640x32xf32, #tpu.memory_space<vmem>> -> memref<1x640x32xf32, #tpu.memory_space<vmem>>
        %dma_wait3A_205 = tpu.memref_squeeze %dma_wait3A_204 : memref<1x640x32xf32, #tpu.memory_space<vmem>> -> memref<640x32xf32, #tpu.memory_space<vmem>>
        %dma_wait3A_206 = arith.constant 0 : i32
        %dma_wait3A_207 = tpu.memref_slice %arg7[%sub3A_199, %dma_wait3A_206] : memref<32x640xi32, #tpu.memory_space<vmem>> -> memref<1x640xi32, #tpu.memory_space<vmem>>
        %dma_wait3A_208 = tpu.memref_squeeze %dma_wait3A_207 : memref<1x640xi32, #tpu.memory_space<vmem>> -> memref<640xi32, #tpu.memory_space<vmem>>
        %dma_wait3A_209 = arith.constant 0 : i32
        %dma_wait3A_210 = arith.constant 0 : i32
        %dma_wait3A_211 = tpu.memref_slice %arg11[%dma_wait3A_209, %dma_wait3A_210] : memref<10240x32xf32, #tpu.memory_space<vmem_shared>> -> memref<10240x32xf32, #tpu.memory_space<vmem_shared>>
        %dma_wait3A_212 = tpu.memref_slice %arg13[%dma_wait3A_201] : memref<2x!tpu.dma_semaphore, #tpu.memory_space<semaphore_mem>> -> memref<1x!tpu.dma_semaphore, #tpu.memory_space<semaphore_mem>>
        %dma_wait3A_213 = tpu.memref_squeeze %dma_wait3A_212 : memref<1x!tpu.dma_semaphore, #tpu.memory_space<semaphore_mem>> -> memref<!tpu.dma_semaphore, #tpu.memory_space<semaphore_mem>>
        tpu.wait_indirect_dma semaphore(%dma_wait3A_213 : memref<!tpu.dma_semaphore, #tpu.memory_space<semaphore_mem>>) src(%dma_wait3A_205 : memref<640x32xf32, #tpu.memory_space<vmem>>) dst(%dma_wait3A_211 : memref<10240x32xf32, #tpu.memory_space<vmem_shared>>)
      } else {
      }
      %mul3A_123 = arith.constant 2 : i32
      %mul3A_124 = arith.muli %mul3A_123, %scan3A_88 : i32
      %add3A_125 = arith.constant 1 : i32
      %add3A_126 = arith.addi %mul3A_124, %add3A_125 : i32
      %dma_start3A_127 = arith.constant 1 : i32
      %dma_start3A_128 = arith.constant 1 : i32
      %dma_start3A_129 = arith.constant 0 : i32
      %dma_start3A_130 = arith.constant 0 : i32
      %dma_start3A_131 = tpu.memref_slice %arg9[%dma_start3A_127, %dma_start3A_129, %dma_start3A_130] : memref<2x640x32xf32, #tpu.memory_space<vmem>> -> memref<1x640x32xf32, #tpu.memory_space<vmem>>
      %dma_start3A_132 = tpu.memref_squeeze %dma_start3A_131 : memref<1x640x32xf32, #tpu.memory_space<vmem>> -> memref<640x32xf32, #tpu.memory_space<vmem>>
      %dma_start3A_133 = arith.constant 0 : i32
      %dma_start3A_134 = tpu.memref_slice %arg8[%add3A_126, %dma_start3A_133] : memref<32x640xi32, #tpu.memory_space<vmem>> -> memref<1x640xi32, #tpu.memory_space<vmem>>
      %dma_start3A_135 = tpu.memref_squeeze %dma_start3A_134 : memref<1x640xi32, #tpu.memory_space<vmem>> -> memref<640xi32, #tpu.memory_space<vmem>>
      %dma_start3A_136 = arith.constant 0 : i32
      %dma_start3A_137 = arith.constant 0 : i32
      %dma_start3A_138 = tpu.memref_slice %arg10[%dma_start3A_136, %dma_start3A_137] : memref<10000x32xf32, #tpu.memory_space<vmem_shared>> -> memref<10000x32xf32, #tpu.memory_space<vmem_shared>>
      %dma_start3A_139 = tpu.memref_slice %arg12[%dma_start3A_128] : memref<2x!tpu.dma_semaphore, #tpu.memory_space<semaphore_mem>> -> memref<1x!tpu.dma_semaphore, #tpu.memory_space<semaphore_mem>>
      %dma_start3A_140 = tpu.memref_squeeze %dma_start3A_139 : memref<1x!tpu.dma_semaphore, #tpu.memory_space<semaphore_mem>> -> memref<!tpu.dma_semaphore, #tpu.memory_space<semaphore_mem>>
      tpu.enqueue_indirect_dma source(%dma_start3A_138 : memref<10000x32xf32, #tpu.memory_space<vmem_shared>>) target(%dma_start3A_132 : memref<640x32xf32, #tpu.memory_space<vmem>>) offsets(%dma_start3A_135 : memref<640xi32, #tpu.memory_space<vmem>>) semaphore(%dma_start3A_140 : memref<!tpu.dma_semaphore, #tpu.memory_space<semaphore_mem>>)
      %mul3A_141 = arith.constant 2 : i32
      %mul3A_142 = arith.muli %mul3A_141, %scan3A_88 : i32
      %add3A_143 = arith.constant 1 : i32
      %add3A_144 = arith.addi %mul3A_142, %add3A_143 : i32
      %dma_wait3A_145 = arith.constant 1 : i32
      %dma_wait3A_146 = arith.constant 1 : i32
      %dma_wait3A_147 = arith.constant 0 : i32
      %dma_wait3A_148 = arith.constant 0 : i32
      %dma_wait3A_149 = tpu.memref_slice %arg9[%dma_wait3A_145, %dma_wait3A_147, %dma_wait3A_148] : memref<2x640x32xf32, #tpu.memory_space<vmem>> -> memref<1x640x32xf32, #tpu.memory_space<vmem>>
      %dma_wait3A_150 = tpu.memref_squeeze %dma_wait3A_149 : memref<1x640x32xf32, #tpu.memory_space<vmem>> -> memref<640x32xf32, #tpu.memory_space<vmem>>
      %dma_wait3A_151 = arith.constant 0 : i32
      %dma_wait3A_152 = tpu.memref_slice %arg8[%add3A_144, %dma_wait3A_151] : memref<32x640xi32, #tpu.memory_space<vmem>> -> memref<1x640xi32, #tpu.memory_space<vmem>>
      %dma_wait3A_153 = tpu.memref_squeeze %dma_wait3A_152 : memref<1x640xi32, #tpu.memory_space<vmem>> -> memref<640xi32, #tpu.memory_space<vmem>>
      %dma_wait3A_154 = arith.constant 0 : i32
      %dma_wait3A_155 = arith.constant 0 : i32
      %dma_wait3A_156 = tpu.memref_slice %arg10[%dma_wait3A_154, %dma_wait3A_155] : memref<10000x32xf32, #tpu.memory_space<vmem_shared>> -> memref<10000x32xf32, #tpu.memory_space<vmem_shared>>
      %dma_wait3A_157 = tpu.memref_slice %arg12[%dma_wait3A_146] : memref<2x!tpu.dma_semaphore, #tpu.memory_space<semaphore_mem>> -> memref<1x!tpu.dma_semaphore, #tpu.memory_space<semaphore_mem>>
      %dma_wait3A_158 = tpu.memref_squeeze %dma_wait3A_157 : memref<1x!tpu.dma_semaphore, #tpu.memory_space<semaphore_mem>> -> memref<!tpu.dma_semaphore, #tpu.memory_space<semaphore_mem>>
      tpu.wait_indirect_dma semaphore(%dma_wait3A_158 : memref<!tpu.dma_semaphore, #tpu.memory_space<semaphore_mem>>) src(%dma_wait3A_156 : memref<10000x32xf32, #tpu.memory_space<vmem_shared>>) dst(%dma_wait3A_150 : memref<640x32xf32, #tpu.memory_space<vmem>>)
      %mul3A_159 = arith.constant 2 : i32
      %mul3A_160 = arith.muli %mul3A_159, %scan3A_88 : i32
      %add3A_161 = arith.constant 1 : i32
      %add3A_162 = arith.addi %mul3A_160, %add3A_161 : i32
      %dma_start3A_163 = arith.constant 1 : i32
      %dma_start3A_164 = arith.constant 1 : i32
      %dma_start3A_165 = arith.constant 0 : i32
      %dma_start3A_166 = arith.constant 0 : i32
      %dma_start3A_167 = tpu.memref_slice %arg9[%dma_start3A_163, %dma_start3A_165, %dma_start3A_166] : memref<2x640x32xf32, #tpu.memory_space<vmem>> -> memref<1x640x32xf32, #tpu.memory_space<vmem>>
      %dma_start3A_168 = tpu.memref_squeeze %dma_start3A_167 : memref<1x640x32xf32, #tpu.memory_space<vmem>> -> memref<640x32xf32, #tpu.memory_space<vmem>>
      %dma_start3A_169 = arith.constant 0 : i32
      %dma_start3A_170 = tpu.memref_slice %arg7[%add3A_162, %dma_start3A_169] : memref<32x640xi32, #tpu.memory_space<vmem>> -> memref<1x640xi32, #tpu.memory_space<vmem>>
      %dma_start3A_171 = tpu.memref_squeeze %dma_start3A_170 : memref<1x640xi32, #tpu.memory_space<vmem>> -> memref<640xi32, #tpu.memory_space<vmem>>
      %dma_start3A_172 = arith.constant 0 : i32
      %dma_start3A_173 = arith.constant 0 : i32
      %dma_start3A_174 = tpu.memref_slice %arg11[%dma_start3A_172, %dma_start3A_173] : memref<10240x32xf32, #tpu.memory_space<vmem_shared>> -> memref<10240x32xf32, #tpu.memory_space<vmem_shared>>
      %dma_start3A_175 = tpu.memref_slice %arg13[%dma_start3A_164] : memref<2x!tpu.dma_semaphore, #tpu.memory_space<semaphore_mem>> -> memref<1x!tpu.dma_semaphore, #tpu.memory_space<semaphore_mem>>
      %dma_start3A_176 = tpu.memref_squeeze %dma_start3A_175 : memref<1x!tpu.dma_semaphore, #tpu.memory_space<semaphore_mem>> -> memref<!tpu.dma_semaphore, #tpu.memory_space<semaphore_mem>>
      tpu.enqueue_indirect_dma source(%dma_start3A_168 : memref<640x32xf32, #tpu.memory_space<vmem>>) target(%dma_start3A_174 : memref<10240x32xf32, #tpu.memory_space<vmem_shared>>) offsets(%dma_start3A_171 : memref<640xi32, #tpu.memory_space<vmem>>) semaphore(%dma_start3A_176 : memref<!tpu.dma_semaphore, #tpu.memory_space<semaphore_mem>>) {add = true}
      %mul3A_177 = arith.constant 2 : i32
      %mul3A_178 = arith.muli %mul3A_177, %scan3A_88 : i32
      %dma_wait3A_179 = arith.constant 0 : i32
      %dma_wait3A_180 = arith.constant 0 : i32
      %dma_wait3A_181 = arith.constant 0 : i32
      %dma_wait3A_182 = arith.constant 0 : i32
      %dma_wait3A_183 = tpu.memref_slice %arg9[%dma_wait3A_179, %dma_wait3A_181, %dma_wait3A_182] : memref<2x640x32xf32, #tpu.memory_space<vmem>> -> memref<1x640x32xf32, #tpu.memory_space<vmem>>
      %dma_wait3A_184 = tpu.memref_squeeze %dma_wait3A_183 : memref<1x640x32xf32, #tpu.memory_space<vmem>> -> memref<640x32xf32, #tpu.memory_space<vmem>>
      %dma_wait3A_185 = arith.constant 0 : i32
      %dma_wait3A_186 = tpu.memref_slice %arg7[%mul3A_178, %dma_wait3A_185] : memref<32x640xi32, #tpu.memory_space<vmem>> -> memref<1x640xi32, #tpu.memory_space<vmem>>
      %dma_wait3A_187 = tpu.memref_squeeze %dma_wait3A_186 : memref<1x640xi32, #tpu.memory_space<vmem>> -> memref<640xi32, #tpu.memory_space<vmem>>
      %dma_wait3A_188 = arith.constant 0 : i32
      %dma_wait3A_189 = arith.constant 0 : i32
      %dma_wait3A_190 = tpu.memref_slice %arg11[%dma_wait3A_188, %dma_wait3A_189] : memref<10240x32xf32, #tpu.memory_space<vmem_shared>> -> memref<10240x32xf32, #tpu.memory_space<vmem_shared>>
      %dma_wait3A_191 = tpu.memref_slice %arg13[%dma_wait3A_180] : memref<2x!tpu.dma_semaphore, #tpu.memory_space<semaphore_mem>> -> memref<1x!tpu.dma_semaphore, #tpu.memory_space<semaphore_mem>>
      %dma_wait3A_192 = tpu.memref_squeeze %dma_wait3A_191 : memref<1x!tpu.dma_semaphore, #tpu.memory_space<semaphore_mem>> -> memref<!tpu.dma_semaphore, #tpu.memory_space<semaphore_mem>>
      tpu.wait_indirect_dma semaphore(%dma_wait3A_192 : memref<!tpu.dma_semaphore, #tpu.memory_space<semaphore_mem>>) src(%dma_wait3A_184 : memref<640x32xf32, #tpu.memory_space<vmem>>) dst(%dma_wait3A_190 : memref<10240x32xf32, #tpu.memory_space<vmem_shared>>)
      %lt3A = arith.constant 15 : i32
      %lt3A_193 = arith.cmpi slt, %scan3A_88, %lt3A : i32
      %convert_element_type3A_194 = arith.extui %lt3A_193 : i1 to i32
      %cond3A_195 = arith.constant 0 : i32
      %cond3A_196 = arith.cmpi ne, %convert_element_type3A_194, %cond3A_195 : i32
      scf.if %cond3A_196 {
        %mul3A_197 = arith.constant 2 : i32
        %mul3A_198 = arith.muli %mul3A_197, %scan3A_88 : i32
        %add3A_199 = arith.constant 2 : i32
        %add3A_200 = arith.addi %mul3A_198, %add3A_199 : i32
        %dma_start3A_201 = arith.constant 0 : i32
        %dma_start3A_202 = arith.constant 0 : i32
        %dma_start3A_203 = arith.constant 0 : i32
        %dma_start3A_204 = arith.constant 0 : i32
        %dma_start3A_205 = tpu.memref_slice %arg9[%dma_start3A_201, %dma_start3A_203, %dma_start3A_204] : memref<2x640x32xf32, #tpu.memory_space<vmem>> -> memref<1x640x32xf32, #tpu.memory_space<vmem>>
        %dma_start3A_206 = tpu.memref_squeeze %dma_start3A_205 : memref<1x640x32xf32, #tpu.memory_space<vmem>> -> memref<640x32xf32, #tpu.memory_space<vmem>>
        %dma_start3A_207 = arith.constant 0 : i32
        %dma_start3A_208 = tpu.memref_slice %arg8[%add3A_200, %dma_start3A_207] : memref<32x640xi32, #tpu.memory_space<vmem>> -> memref<1x640xi32, #tpu.memory_space<vmem>>
        %dma_start3A_209 = tpu.memref_squeeze %dma_start3A_208 : memref<1x640xi32, #tpu.memory_space<vmem>> -> memref<640xi32, #tpu.memory_space<vmem>>
        %dma_start3A_210 = arith.constant 0 : i32
        %dma_start3A_211 = arith.constant 0 : i32
        %dma_start3A_212 = tpu.memref_slice %arg10[%dma_start3A_210, %dma_start3A_211] : memref<10000x32xf32, #tpu.memory_space<vmem_shared>> -> memref<10000x32xf32, #tpu.memory_space<vmem_shared>>
        %dma_start3A_213 = tpu.memref_slice %arg12[%dma_start3A_202] : memref<2x!tpu.dma_semaphore, #tpu.memory_space<semaphore_mem>> -> memref<1x!tpu.dma_semaphore, #tpu.memory_space<semaphore_mem>>
        %dma_start3A_214 = tpu.memref_squeeze %dma_start3A_213 : memref<1x!tpu.dma_semaphore, #tpu.memory_space<semaphore_mem>> -> memref<!tpu.dma_semaphore, #tpu.memory_space<semaphore_mem>>
        tpu.enqueue_indirect_dma source(%dma_start3A_212 : memref<10000x32xf32, #tpu.memory_space<vmem_shared>>) target(%dma_start3A_206 : memref<640x32xf32, #tpu.memory_space<vmem>>) offsets(%dma_start3A_209 : memref<640xi32, #tpu.memory_space<vmem>>) semaphore(%dma_start3A_214 : memref<!tpu.dma_semaphore, #tpu.memory_space<semaphore_mem>>)
      } else {
      }
    }
    %scan3A_71 = arith.constant 16 : i32
    %dma_wait3A_72 = arith.constant 1 : i32
    %dma_wait3A_73 = arith.constant 31 : i32
    %dma_wait3A_74 = arith.constant 1 : i32
    %dma_wait3A_75 = arith.constant 0 : i32
    %dma_wait3A_76 = arith.constant 0 : i32
    %dma_wait3A_77 = tpu.memref_slice %arg9[%dma_wait3A_72, %dma_wait3A_75, %dma_wait3A_76] : memref<2x640x32xf32, #tpu.memory_space<vmem>> -> memref<1x640x32xf32, #tpu.memory_space<vmem>>
    %dma_wait3A_78 = tpu.memref_squeeze %dma_wait3A_77 : memref<1x640x32xf32, #tpu.memory_space<vmem>> -> memref<640x32xf32, #tpu.memory_space<vmem>>
    %dma_wait3A_79 = arith.constant 0 : i32
    %dma_wait3A_80 = tpu.memref_slice %arg7[%dma_wait3A_73, %dma_wait3A_79] : memref<32x640xi32, #tpu.memory_space<vmem>> -> memref<1x640xi32, #tpu.memory_space<vmem>>
    %dma_wait3A_81 = tpu.memref_squeeze %dma_wait3A_80 : memref<1x640xi32, #tpu.memory_space<vmem>> -> memref<640xi32, #tpu.memory_space<vmem>>
    %dma_wait3A_82 = arith.constant 0 : i32
    %dma_wait3A_83 = arith.constant 0 : i32
    %dma_wait3A_84 = tpu.memref_slice %arg11[%dma_wait3A_82, %dma_wait3A_83] : memref<10240x32xf32, #tpu.memory_space<vmem_shared>> -> memref<10240x32xf32, #tpu.memory_space<vmem_shared>>
    %dma_wait3A_85 = tpu.memref_slice %arg13[%dma_wait3A_74] : memref<2x!tpu.dma_semaphore, #tpu.memory_space<semaphore_mem>> -> memref<1x!tpu.dma_semaphore, #tpu.memory_space<semaphore_mem>>
    %dma_wait3A_86 = tpu.memref_squeeze %dma_wait3A_85 : memref<1x!tpu.dma_semaphore, #tpu.memory_space<semaphore_mem>> -> memref<!tpu.dma_semaphore, #tpu.memory_space<semaphore_mem>>
    tpu.wait_indirect_dma semaphore(%dma_wait3A_86 : memref<!tpu.dma_semaphore, #tpu.memory_space<semaphore_mem>>) src(%dma_wait3A_78 : memref<640x32xf32, #tpu.memory_space<vmem>>) dst(%dma_wait3A_84 : memref<10240x32xf32, #tpu.memory_space<vmem_shared>>)
    %barrier3A_87 = arith.constant 0 : index
    tpu.barrier barrier_id(%barrier3A_87)
    "tpu.region"() ({
      %run_scoped3A = tpu.sem_alloc : memref<!tpu.dma_semaphore, #tpu.memory_space<semaphore_mem>>
      %dma_start3A_88 = tpu.memref_slice %arg6[%mul3A_2, %mul3A_49] : memref<10240x128xf32, #tpu.memory_space<hbm>> -> memref<640x32xf32, #tpu.memory_space<hbm>>
      %dma_start3A_89 = arith.constant 0 : i32
      %dma_start3A_90 = tpu.memref_slice %arg11[%mul3A_2, %dma_start3A_89] : memref<10240x32xf32, #tpu.memory_space<vmem_shared>> -> memref<640x32xf32, #tpu.memory_space<vmem_shared>>
      tpu.enqueue_dma source(%dma_start3A_90 : memref<640x32xf32, #tpu.memory_space<vmem_shared>>) target(%dma_start3A_88 : memref<640x32xf32, #tpu.memory_space<hbm>>) target_semaphore(%run_scoped3A : memref<!tpu.dma_semaphore, #tpu.memory_space<semaphore_mem>>)
      %dma_wait3A_91 = tpu.memref_slice %arg6[%mul3A_2, %mul3A_49] : memref<10240x128xf32, #tpu.memory_space<hbm>> -> memref<640x32xf32, #tpu.memory_space<hbm>>
      %dma_wait3A_92 = arith.constant 0 : i32
      %dma_wait3A_93 = tpu.memref_slice %arg11[%mul3A_2, %dma_wait3A_92] : memref<10240x32xf32, #tpu.memory_space<vmem_shared>> -> memref<640x32xf32, #tpu.memory_space<vmem_shared>>
      tpu.wait_dma2 semaphore(%run_scoped3A : memref<!tpu.dma_semaphore, #tpu.memory_space<semaphore_mem>>) src(%dma_wait3A_93 : memref<640x32xf32, #tpu.memory_space<vmem_shared>>) dst(%dma_wait3A_91 : memref<640x32xf32, #tpu.memory_space<hbm>>)
      tpu.yield
    }) : () -> ()
    return
  }
}

#map = affine_map<(d0, d1) -> (0, 0)>
module attributes {stable_mosaic.version = 14 : i64} {
  func.func @_deg_body(%arg0: i32, %arg1: i32, %arg2: memref<2560x128xi32, #tpu.memory_space<hbm>>, %arg3: memref<128x16xf32, #tpu.memory_space<hbm>>, %arg4: memref<640x16xf32, #tpu.memory_space<hbm>>, %arg5: memref<10240x16xf32, #tpu.memory_space<hbm>>, %arg6: memref<10240x16xf32, #tpu.memory_space<hbm>>, %arg7: memref<8x128xi32, #tpu.memory_space<vmem>>, %arg8: memref<128x16xf32, #tpu.memory_space<vmem>>, %arg9: memref<10240x16xf32, #tpu.memory_space<vmem_shared>>, %arg10: memref<!tpu.dma_semaphore, #tpu.memory_space<semaphore_mem>>) attributes {dimension_semantics = [#tpu.dimension_semantics<core_parallel>, #tpu.dimension_semantics<subcore_parallel>], iteration_bounds = array<i64: 2, 16>, scalar_prefetch = 0 : i64, scratch_operands = 4 : i64, tpu.core_type = #tpu.core_type<sc_vector_subcore>, window_params = [{transform_indices = #map}, {transform_indices = #map}, {transform_indices = #map}, {transform_indices = #map}, {transform_indices = #map}]} {
    %mul3A = arith.constant 640 : i32
    %mul3A_0 = arith.muli %arg1, %mul3A : i32
    "tpu.region"() ({
      %run_scoped3A = tpu.sem_alloc : memref<!tpu.dma_semaphore, #tpu.memory_space<semaphore_mem>>
      %dma_start3A = arith.constant 0 : i32
      %dma_start3A_20 = tpu.memref_slice %arg9[%mul3A_0, %dma_start3A] : memref<10240x16xf32, #tpu.memory_space<vmem_shared>> -> memref<640x16xf32, #tpu.memory_space<vmem_shared>>
      tpu.enqueue_dma source(%arg4 : memref<640x16xf32, #tpu.memory_space<hbm>>) target(%dma_start3A_20 : memref<640x16xf32, #tpu.memory_space<vmem_shared>>) target_semaphore(%run_scoped3A : memref<!tpu.dma_semaphore, #tpu.memory_space<semaphore_mem>>)
      %dma_wait3A = arith.constant 0 : i32
      %dma_wait3A_21 = tpu.memref_slice %arg9[%mul3A_0, %dma_wait3A] : memref<10240x16xf32, #tpu.memory_space<vmem_shared>> -> memref<640x16xf32, #tpu.memory_space<vmem_shared>>
      tpu.wait_dma2 semaphore(%run_scoped3A : memref<!tpu.dma_semaphore, #tpu.memory_space<semaphore_mem>>) src(%arg4 : memref<640x16xf32, #tpu.memory_space<hbm>>) dst(%dma_wait3A_21 : memref<640x16xf32, #tpu.memory_space<vmem_shared>>)
      tpu.yield
    }) : () -> ()
    "tpu.region"() ({
      %run_scoped3A = tpu.sem_alloc : memref<!tpu.dma_semaphore, #tpu.memory_space<semaphore_mem>>
      tpu.enqueue_dma source(%arg3 : memref<128x16xf32, #tpu.memory_space<hbm>>) target(%arg8 : memref<128x16xf32, #tpu.memory_space<vmem>>) target_semaphore(%run_scoped3A : memref<!tpu.dma_semaphore, #tpu.memory_space<semaphore_mem>>)
      tpu.wait_dma2 semaphore(%run_scoped3A : memref<!tpu.dma_semaphore, #tpu.memory_space<semaphore_mem>>) src(%arg3 : memref<128x16xf32, #tpu.memory_space<hbm>>) dst(%arg8 : memref<128x16xf32, #tpu.memory_space<vmem>>)
      tpu.yield
    }) : () -> ()
    %barrier3A = arith.constant 0 : index
    tpu.barrier barrier_id(%barrier3A)
    %mul3A_1 = arith.constant 2 : i32
    %mul3A_2 = arith.muli %arg1, %mul3A_1 : i32
    %add3A = arith.addi %mul3A_2, %arg0 : i32
    %mul3A_3 = arith.constant 80 : i32
    %mul3A_4 = arith.muli %add3A, %mul3A_3 : i32
    %scan3A = arith.constant 0 : i32
    %scan3A_5 = arith.constant 0 : i32
    %scan3A_6 = arith.constant 10 : i32
    %scan3A_7 = arith.addi %scan3A_5, %scan3A_6 : i32
    %scan3A_8 = arith.constant 1 : i32
    scf.for %scan3A_20 = %scan3A_5 to %scan3A_7 step %scan3A_8  : i32 {
      %mul3A_21 = arith.constant 8 : i32
      %mul3A_22 = arith.muli %scan3A_20, %mul3A_21 : i32
      %add3A_23 = arith.addi %mul3A_4, %mul3A_22 : i32
      "tpu.region"() ({
        %run_scoped3A_31 = tpu.sem_alloc : memref<!tpu.dma_semaphore, #tpu.memory_space<semaphore_mem>>
        %dma_start3A = arith.constant 0 : i32
        %dma_start3A_32 = tpu.memref_slice %arg2[%add3A_23, %dma_start3A] : memref<2560x128xi32, #tpu.memory_space<hbm>> -> memref<8x128xi32, #tpu.memory_space<hbm>>
        %dma_start3A_33 = arith.constant 0 : i32
        %dma_start3A_34 = tpu.memref_slice %arg2[%add3A_23, %dma_start3A_33] : memref<2560x128xi32, #tpu.memory_space<hbm>> -> memref<8x128xi32, #tpu.memory_space<hbm>>
        tpu.enqueue_dma source(%dma_start3A_34 : memref<8x128xi32, #tpu.memory_space<hbm>>) target(%arg7 : memref<8x128xi32, #tpu.memory_space<vmem>>) target_semaphore(%run_scoped3A_31 : memref<!tpu.dma_semaphore, #tpu.memory_space<semaphore_mem>>)
        %dma_wait3A = arith.constant 0 : i32
        %dma_wait3A_35 = tpu.memref_slice %arg2[%add3A_23, %dma_wait3A] : memref<2560x128xi32, #tpu.memory_space<hbm>> -> memref<8x128xi32, #tpu.memory_space<hbm>>
        %dma_wait3A_36 = arith.constant 0 : i32
        %dma_wait3A_37 = tpu.memref_slice %arg2[%add3A_23, %dma_wait3A_36] : memref<2560x128xi32, #tpu.memory_space<hbm>> -> memref<8x128xi32, #tpu.memory_space<hbm>>
        tpu.wait_dma2 semaphore(%run_scoped3A_31 : memref<!tpu.dma_semaphore, #tpu.memory_space<semaphore_mem>>) src(%dma_wait3A_37 : memref<8x128xi32, #tpu.memory_space<hbm>>) dst(%arg7 : memref<8x128xi32, #tpu.memory_space<vmem>>)
        tpu.yield
      }) : () -> ()
      %run_scoped3A = arith.constant 0 : i32
      "tpu.region"() ({
        %run_scoped3A_31 = tpu.sem_alloc : memref<!tpu.dma_semaphore, #tpu.memory_space<semaphore_mem>>
        %dma_start3A = arith.constant 0 : i32
        %dma_start3A_32 = tpu.memref_slice %arg7[%run_scoped3A, %dma_start3A] : memref<8x128xi32, #tpu.memory_space<vmem>> -> memref<1x128xi32, #tpu.memory_space<vmem>>
        %dma_start3A_33 = tpu.memref_squeeze %dma_start3A_32 : memref<1x128xi32, #tpu.memory_space<vmem>> -> memref<128xi32, #tpu.memory_space<vmem>>
        %dma_start3A_34 = arith.constant 0 : i32
        %dma_start3A_35 = arith.constant 0 : i32
        %dma_start3A_36 = tpu.memref_slice %arg9[%dma_start3A_34, %dma_start3A_35] : memref<10240x16xf32, #tpu.memory_space<vmem_shared>> -> memref<10240x16xf32, #tpu.memory_space<vmem_shared>>
        tpu.enqueue_indirect_dma source(%arg8 : memref<128x16xf32, #tpu.memory_space<vmem>>) target(%dma_start3A_36 : memref<10240x16xf32, #tpu.memory_space<vmem_shared>>) offsets(%dma_start3A_33 : memref<128xi32, #tpu.memory_space<vmem>>) semaphore(%run_scoped3A_31 : memref<!tpu.dma_semaphore, #tpu.memory_space<semaphore_mem>>) {add = true}
        %dma_wait3A = arith.constant 0 : i32
        %dma_wait3A_37 = tpu.memref_slice %arg7[%run_scoped3A, %dma_wait3A] : memref<8x128xi32, #tpu.memory_space<vmem>> -> memref<1x128xi32, #tpu.memory_space<vmem>>
        %dma_wait3A_38 = tpu.memref_squeeze %dma_wait3A_37 : memref<1x128xi32, #tpu.memory_space<vmem>> -> memref<128xi32, #tpu.memory_space<vmem>>
        %dma_wait3A_39 = arith.constant 0 : i32
        %dma_wait3A_40 = arith.constant 0 : i32
        %dma_wait3A_41 = tpu.memref_slice %arg9[%dma_wait3A_39, %dma_wait3A_40] : memref<10240x16xf32, #tpu.memory_space<vmem_shared>> -> memref<10240x16xf32, #tpu.memory_space<vmem_shared>>
        tpu.wait_indirect_dma semaphore(%run_scoped3A_31 : memref<!tpu.dma_semaphore, #tpu.memory_space<semaphore_mem>>) src(%arg8 : memref<128x16xf32, #tpu.memory_space<vmem>>) dst(%dma_wait3A_41 : memref<10240x16xf32, #tpu.memory_space<vmem_shared>>)
        tpu.yield
      }) : () -> ()
      %run_scoped3A_24 = arith.constant 1 : i32
      "tpu.region"() ({
        %run_scoped3A_31 = tpu.sem_alloc : memref<!tpu.dma_semaphore, #tpu.memory_space<semaphore_mem>>
        %dma_start3A = arith.constant 0 : i32
        %dma_start3A_32 = tpu.memref_slice %arg7[%run_scoped3A_24, %dma_start3A] : memref<8x128xi32, #tpu.memory_space<vmem>> -> memref<1x128xi32, #tpu.memory_space<vmem>>
        %dma_start3A_33 = tpu.memref_squeeze %dma_start3A_32 : memref<1x128xi32, #tpu.memory_space<vmem>> -> memref<128xi32, #tpu.memory_space<vmem>>
        %dma_start3A_34 = arith.constant 0 : i32
        %dma_start3A_35 = arith.constant 0 : i32
        %dma_start3A_36 = tpu.memref_slice %arg9[%dma_start3A_34, %dma_start3A_35] : memref<10240x16xf32, #tpu.memory_space<vmem_shared>> -> memref<10240x16xf32, #tpu.memory_space<vmem_shared>>
        tpu.enqueue_indirect_dma source(%arg8 : memref<128x16xf32, #tpu.memory_space<vmem>>) target(%dma_start3A_36 : memref<10240x16xf32, #tpu.memory_space<vmem_shared>>) offsets(%dma_start3A_33 : memref<128xi32, #tpu.memory_space<vmem>>) semaphore(%run_scoped3A_31 : memref<!tpu.dma_semaphore, #tpu.memory_space<semaphore_mem>>) {add = true}
        %dma_wait3A = arith.constant 0 : i32
        %dma_wait3A_37 = tpu.memref_slice %arg7[%run_scoped3A_24, %dma_wait3A] : memref<8x128xi32, #tpu.memory_space<vmem>> -> memref<1x128xi32, #tpu.memory_space<vmem>>
        %dma_wait3A_38 = tpu.memref_squeeze %dma_wait3A_37 : memref<1x128xi32, #tpu.memory_space<vmem>> -> memref<128xi32, #tpu.memory_space<vmem>>
        %dma_wait3A_39 = arith.constant 0 : i32
        %dma_wait3A_40 = arith.constant 0 : i32
        %dma_wait3A_41 = tpu.memref_slice %arg9[%dma_wait3A_39, %dma_wait3A_40] : memref<10240x16xf32, #tpu.memory_space<vmem_shared>> -> memref<10240x16xf32, #tpu.memory_space<vmem_shared>>
        tpu.wait_indirect_dma semaphore(%run_scoped3A_31 : memref<!tpu.dma_semaphore, #tpu.memory_space<semaphore_mem>>) src(%arg8 : memref<128x16xf32, #tpu.memory_space<vmem>>) dst(%dma_wait3A_41 : memref<10240x16xf32, #tpu.memory_space<vmem_shared>>)
        tpu.yield
      }) : () -> ()
      %run_scoped3A_25 = arith.constant 2 : i32
      "tpu.region"() ({
        %run_scoped3A_31 = tpu.sem_alloc : memref<!tpu.dma_semaphore, #tpu.memory_space<semaphore_mem>>
        %dma_start3A = arith.constant 0 : i32
        %dma_start3A_32 = tpu.memref_slice %arg7[%run_scoped3A_25, %dma_start3A] : memref<8x128xi32, #tpu.memory_space<vmem>> -> memref<1x128xi32, #tpu.memory_space<vmem>>
        %dma_start3A_33 = tpu.memref_squeeze %dma_start3A_32 : memref<1x128xi32, #tpu.memory_space<vmem>> -> memref<128xi32, #tpu.memory_space<vmem>>
        %dma_start3A_34 = arith.constant 0 : i32
        %dma_start3A_35 = arith.constant 0 : i32
        %dma_start3A_36 = tpu.memref_slice %arg9[%dma_start3A_34, %dma_start3A_35] : memref<10240x16xf32, #tpu.memory_space<vmem_shared>> -> memref<10240x16xf32, #tpu.memory_space<vmem_shared>>
        tpu.enqueue_indirect_dma source(%arg8 : memref<128x16xf32, #tpu.memory_space<vmem>>) target(%dma_start3A_36 : memref<10240x16xf32, #tpu.memory_space<vmem_shared>>) offsets(%dma_start3A_33 : memref<128xi32, #tpu.memory_space<vmem>>) semaphore(%run_scoped3A_31 : memref<!tpu.dma_semaphore, #tpu.memory_space<semaphore_mem>>) {add = true}
        %dma_wait3A = arith.constant 0 : i32
        %dma_wait3A_37 = tpu.memref_slice %arg7[%run_scoped3A_25, %dma_wait3A] : memref<8x128xi32, #tpu.memory_space<vmem>> -> memref<1x128xi32, #tpu.memory_space<vmem>>
        %dma_wait3A_38 = tpu.memref_squeeze %dma_wait3A_37 : memref<1x128xi32, #tpu.memory_space<vmem>> -> memref<128xi32, #tpu.memory_space<vmem>>
        %dma_wait3A_39 = arith.constant 0 : i32
        %dma_wait3A_40 = arith.constant 0 : i32
        %dma_wait3A_41 = tpu.memref_slice %arg9[%dma_wait3A_39, %dma_wait3A_40] : memref<10240x16xf32, #tpu.memory_space<vmem_shared>> -> memref<10240x16xf32, #tpu.memory_space<vmem_shared>>
        tpu.wait_indirect_dma semaphore(%run_scoped3A_31 : memref<!tpu.dma_semaphore, #tpu.memory_space<semaphore_mem>>) src(%arg8 : memref<128x16xf32, #tpu.memory_space<vmem>>) dst(%dma_wait3A_41 : memref<10240x16xf32, #tpu.memory_space<vmem_shared>>)
        tpu.yield
      }) : () -> ()
      %run_scoped3A_26 = arith.constant 3 : i32
      "tpu.region"() ({
        %run_scoped3A_31 = tpu.sem_alloc : memref<!tpu.dma_semaphore, #tpu.memory_space<semaphore_mem>>
        %dma_start3A = arith.constant 0 : i32
        %dma_start3A_32 = tpu.memref_slice %arg7[%run_scoped3A_26, %dma_start3A] : memref<8x128xi32, #tpu.memory_space<vmem>> -> memref<1x128xi32, #tpu.memory_space<vmem>>
        %dma_start3A_33 = tpu.memref_squeeze %dma_start3A_32 : memref<1x128xi32, #tpu.memory_space<vmem>> -> memref<128xi32, #tpu.memory_space<vmem>>
        %dma_start3A_34 = arith.constant 0 : i32
        %dma_start3A_35 = arith.constant 0 : i32
        %dma_start3A_36 = tpu.memref_slice %arg9[%dma_start3A_34, %dma_start3A_35] : memref<10240x16xf32, #tpu.memory_space<vmem_shared>> -> memref<10240x16xf32, #tpu.memory_space<vmem_shared>>
        tpu.enqueue_indirect_dma source(%arg8 : memref<128x16xf32, #tpu.memory_space<vmem>>) target(%dma_start3A_36 : memref<10240x16xf32, #tpu.memory_space<vmem_shared>>) offsets(%dma_start3A_33 : memref<128xi32, #tpu.memory_space<vmem>>) semaphore(%run_scoped3A_31 : memref<!tpu.dma_semaphore, #tpu.memory_space<semaphore_mem>>) {add = true}
        %dma_wait3A = arith.constant 0 : i32
        %dma_wait3A_37 = tpu.memref_slice %arg7[%run_scoped3A_26, %dma_wait3A] : memref<8x128xi32, #tpu.memory_space<vmem>> -> memref<1x128xi32, #tpu.memory_space<vmem>>
        %dma_wait3A_38 = tpu.memref_squeeze %dma_wait3A_37 : memref<1x128xi32, #tpu.memory_space<vmem>> -> memref<128xi32, #tpu.memory_space<vmem>>
        %dma_wait3A_39 = arith.constant 0 : i32
        %dma_wait3A_40 = arith.constant 0 : i32
        %dma_wait3A_41 = tpu.memref_slice %arg9[%dma_wait3A_39, %dma_wait3A_40] : memref<10240x16xf32, #tpu.memory_space<vmem_shared>> -> memref<10240x16xf32, #tpu.memory_space<vmem_shared>>
        tpu.wait_indirect_dma semaphore(%run_scoped3A_31 : memref<!tpu.dma_semaphore, #tpu.memory_space<semaphore_mem>>) src(%arg8 : memref<128x16xf32, #tpu.memory_space<vmem>>) dst(%dma_wait3A_41 : memref<10240x16xf32, #tpu.memory_space<vmem_shared>>)
        tpu.yield
      }) : () -> ()
      %run_scoped3A_27 = arith.constant 4 : i32
      "tpu.region"() ({
        %run_scoped3A_31 = tpu.sem_alloc : memref<!tpu.dma_semaphore, #tpu.memory_space<semaphore_mem>>
        %dma_start3A = arith.constant 0 : i32
        %dma_start3A_32 = tpu.memref_slice %arg7[%run_scoped3A_27, %dma_start3A] : memref<8x128xi32, #tpu.memory_space<vmem>> -> memref<1x128xi32, #tpu.memory_space<vmem>>
        %dma_start3A_33 = tpu.memref_squeeze %dma_start3A_32 : memref<1x128xi32, #tpu.memory_space<vmem>> -> memref<128xi32, #tpu.memory_space<vmem>>
        %dma_start3A_34 = arith.constant 0 : i32
        %dma_start3A_35 = arith.constant 0 : i32
        %dma_start3A_36 = tpu.memref_slice %arg9[%dma_start3A_34, %dma_start3A_35] : memref<10240x16xf32, #tpu.memory_space<vmem_shared>> -> memref<10240x16xf32, #tpu.memory_space<vmem_shared>>
        tpu.enqueue_indirect_dma source(%arg8 : memref<128x16xf32, #tpu.memory_space<vmem>>) target(%dma_start3A_36 : memref<10240x16xf32, #tpu.memory_space<vmem_shared>>) offsets(%dma_start3A_33 : memref<128xi32, #tpu.memory_space<vmem>>) semaphore(%run_scoped3A_31 : memref<!tpu.dma_semaphore, #tpu.memory_space<semaphore_mem>>) {add = true}
        %dma_wait3A = arith.constant 0 : i32
        %dma_wait3A_37 = tpu.memref_slice %arg7[%run_scoped3A_27, %dma_wait3A] : memref<8x128xi32, #tpu.memory_space<vmem>> -> memref<1x128xi32, #tpu.memory_space<vmem>>
        %dma_wait3A_38 = tpu.memref_squeeze %dma_wait3A_37 : memref<1x128xi32, #tpu.memory_space<vmem>> -> memref<128xi32, #tpu.memory_space<vmem>>
        %dma_wait3A_39 = arith.constant 0 : i32
        %dma_wait3A_40 = arith.constant 0 : i32
        %dma_wait3A_41 = tpu.memref_slice %arg9[%dma_wait3A_39, %dma_wait3A_40] : memref<10240x16xf32, #tpu.memory_space<vmem_shared>> -> memref<10240x16xf32, #tpu.memory_space<vmem_shared>>
        tpu.wait_indirect_dma semaphore(%run_scoped3A_31 : memref<!tpu.dma_semaphore, #tpu.memory_space<semaphore_mem>>) src(%arg8 : memref<128x16xf32, #tpu.memory_space<vmem>>) dst(%dma_wait3A_41 : memref<10240x16xf32, #tpu.memory_space<vmem_shared>>)
        tpu.yield
      }) : () -> ()
      %run_scoped3A_28 = arith.constant 5 : i32
      "tpu.region"() ({
        %run_scoped3A_31 = tpu.sem_alloc : memref<!tpu.dma_semaphore, #tpu.memory_space<semaphore_mem>>
        %dma_start3A = arith.constant 0 : i32
        %dma_start3A_32 = tpu.memref_slice %arg7[%run_scoped3A_28, %dma_start3A] : memref<8x128xi32, #tpu.memory_space<vmem>> -> memref<1x128xi32, #tpu.memory_space<vmem>>
        %dma_start3A_33 = tpu.memref_squeeze %dma_start3A_32 : memref<1x128xi32, #tpu.memory_space<vmem>> -> memref<128xi32, #tpu.memory_space<vmem>>
        %dma_start3A_34 = arith.constant 0 : i32
        %dma_start3A_35 = arith.constant 0 : i32
        %dma_start3A_36 = tpu.memref_slice %arg9[%dma_start3A_34, %dma_start3A_35] : memref<10240x16xf32, #tpu.memory_space<vmem_shared>> -> memref<10240x16xf32, #tpu.memory_space<vmem_shared>>
        tpu.enqueue_indirect_dma source(%arg8 : memref<128x16xf32, #tpu.memory_space<vmem>>) target(%dma_start3A_36 : memref<10240x16xf32, #tpu.memory_space<vmem_shared>>) offsets(%dma_start3A_33 : memref<128xi32, #tpu.memory_space<vmem>>) semaphore(%run_scoped3A_31 : memref<!tpu.dma_semaphore, #tpu.memory_space<semaphore_mem>>) {add = true}
        %dma_wait3A = arith.constant 0 : i32
        %dma_wait3A_37 = tpu.memref_slice %arg7[%run_scoped3A_28, %dma_wait3A] : memref<8x128xi32, #tpu.memory_space<vmem>> -> memref<1x128xi32, #tpu.memory_space<vmem>>
        %dma_wait3A_38 = tpu.memref_squeeze %dma_wait3A_37 : memref<1x128xi32, #tpu.memory_space<vmem>> -> memref<128xi32, #tpu.memory_space<vmem>>
        %dma_wait3A_39 = arith.constant 0 : i32
        %dma_wait3A_40 = arith.constant 0 : i32
        %dma_wait3A_41 = tpu.memref_slice %arg9[%dma_wait3A_39, %dma_wait3A_40] : memref<10240x16xf32, #tpu.memory_space<vmem_shared>> -> memref<10240x16xf32, #tpu.memory_space<vmem_shared>>
        tpu.wait_indirect_dma semaphore(%run_scoped3A_31 : memref<!tpu.dma_semaphore, #tpu.memory_space<semaphore_mem>>) src(%arg8 : memref<128x16xf32, #tpu.memory_space<vmem>>) dst(%dma_wait3A_41 : memref<10240x16xf32, #tpu.memory_space<vmem_shared>>)
        tpu.yield
      }) : () -> ()
      %run_scoped3A_29 = arith.constant 6 : i32
      "tpu.region"() ({
        %run_scoped3A_31 = tpu.sem_alloc : memref<!tpu.dma_semaphore, #tpu.memory_space<semaphore_mem>>
        %dma_start3A = arith.constant 0 : i32
        %dma_start3A_32 = tpu.memref_slice %arg7[%run_scoped3A_29, %dma_start3A] : memref<8x128xi32, #tpu.memory_space<vmem>> -> memref<1x128xi32, #tpu.memory_space<vmem>>
        %dma_start3A_33 = tpu.memref_squeeze %dma_start3A_32 : memref<1x128xi32, #tpu.memory_space<vmem>> -> memref<128xi32, #tpu.memory_space<vmem>>
        %dma_start3A_34 = arith.constant 0 : i32
        %dma_start3A_35 = arith.constant 0 : i32
        %dma_start3A_36 = tpu.memref_slice %arg9[%dma_start3A_34, %dma_start3A_35] : memref<10240x16xf32, #tpu.memory_space<vmem_shared>> -> memref<10240x16xf32, #tpu.memory_space<vmem_shared>>
        tpu.enqueue_indirect_dma source(%arg8 : memref<128x16xf32, #tpu.memory_space<vmem>>) target(%dma_start3A_36 : memref<10240x16xf32, #tpu.memory_space<vmem_shared>>) offsets(%dma_start3A_33 : memref<128xi32, #tpu.memory_space<vmem>>) semaphore(%run_scoped3A_31 : memref<!tpu.dma_semaphore, #tpu.memory_space<semaphore_mem>>) {add = true}
        %dma_wait3A = arith.constant 0 : i32
        %dma_wait3A_37 = tpu.memref_slice %arg7[%run_scoped3A_29, %dma_wait3A] : memref<8x128xi32, #tpu.memory_space<vmem>> -> memref<1x128xi32, #tpu.memory_space<vmem>>
        %dma_wait3A_38 = tpu.memref_squeeze %dma_wait3A_37 : memref<1x128xi32, #tpu.memory_space<vmem>> -> memref<128xi32, #tpu.memory_space<vmem>>
        %dma_wait3A_39 = arith.constant 0 : i32
        %dma_wait3A_40 = arith.constant 0 : i32
        %dma_wait3A_41 = tpu.memref_slice %arg9[%dma_wait3A_39, %dma_wait3A_40] : memref<10240x16xf32, #tpu.memory_space<vmem_shared>> -> memref<10240x16xf32, #tpu.memory_space<vmem_shared>>
        tpu.wait_indirect_dma semaphore(%run_scoped3A_31 : memref<!tpu.dma_semaphore, #tpu.memory_space<semaphore_mem>>) src(%arg8 : memref<128x16xf32, #tpu.memory_space<vmem>>) dst(%dma_wait3A_41 : memref<10240x16xf32, #tpu.memory_space<vmem_shared>>)
        tpu.yield
      }) : () -> ()
      %run_scoped3A_30 = arith.constant 7 : i32
      "tpu.region"() ({
        %run_scoped3A_31 = tpu.sem_alloc : memref<!tpu.dma_semaphore, #tpu.memory_space<semaphore_mem>>
        %dma_start3A = arith.constant 0 : i32
        %dma_start3A_32 = tpu.memref_slice %arg7[%run_scoped3A_30, %dma_start3A] : memref<8x128xi32, #tpu.memory_space<vmem>> -> memref<1x128xi32, #tpu.memory_space<vmem>>
        %dma_start3A_33 = tpu.memref_squeeze %dma_start3A_32 : memref<1x128xi32, #tpu.memory_space<vmem>> -> memref<128xi32, #tpu.memory_space<vmem>>
        %dma_start3A_34 = arith.constant 0 : i32
        %dma_start3A_35 = arith.constant 0 : i32
        %dma_start3A_36 = tpu.memref_slice %arg9[%dma_start3A_34, %dma_start3A_35] : memref<10240x16xf32, #tpu.memory_space<vmem_shared>> -> memref<10240x16xf32, #tpu.memory_space<vmem_shared>>
        tpu.enqueue_indirect_dma source(%arg8 : memref<128x16xf32, #tpu.memory_space<vmem>>) target(%dma_start3A_36 : memref<10240x16xf32, #tpu.memory_space<vmem_shared>>) offsets(%dma_start3A_33 : memref<128xi32, #tpu.memory_space<vmem>>) semaphore(%run_scoped3A_31 : memref<!tpu.dma_semaphore, #tpu.memory_space<semaphore_mem>>) {add = true}
        %dma_wait3A = arith.constant 0 : i32
        %dma_wait3A_37 = tpu.memref_slice %arg7[%run_scoped3A_30, %dma_wait3A] : memref<8x128xi32, #tpu.memory_space<vmem>> -> memref<1x128xi32, #tpu.memory_space<vmem>>
        %dma_wait3A_38 = tpu.memref_squeeze %dma_wait3A_37 : memref<1x128xi32, #tpu.memory_space<vmem>> -> memref<128xi32, #tpu.memory_space<vmem>>
        %dma_wait3A_39 = arith.constant 0 : i32
        %dma_wait3A_40 = arith.constant 0 : i32
        %dma_wait3A_41 = tpu.memref_slice %arg9[%dma_wait3A_39, %dma_wait3A_40] : memref<10240x16xf32, #tpu.memory_space<vmem_shared>> -> memref<10240x16xf32, #tpu.memory_space<vmem_shared>>
        tpu.wait_indirect_dma semaphore(%run_scoped3A_31 : memref<!tpu.dma_semaphore, #tpu.memory_space<semaphore_mem>>) src(%arg8 : memref<128x16xf32, #tpu.memory_space<vmem>>) dst(%dma_wait3A_41 : memref<10240x16xf32, #tpu.memory_space<vmem_shared>>)
        tpu.yield
      }) : () -> ()
    }
    %scan3A_9 = arith.constant 10 : i32
    %barrier3A_10 = arith.constant 0 : index
    tpu.barrier barrier_id(%barrier3A_10)
    %mul3A_11 = arith.constant 640 : i32
    %mul3A_12 = arith.muli %arg1, %mul3A_11 : i32
    %eq3A = arith.constant 0 : i32
    %eq3A_13 = arith.cmpi eq, %arg0, %eq3A : i32
    %convert_element_type3A = arith.extui %eq3A_13 : i1 to i32
    %cond3A = arith.constant 0 : i32
    %cond3A_14 = arith.cmpi ne, %convert_element_type3A, %cond3A : i32
    scf.if %cond3A_14 {
      "tpu.region"() ({
        %run_scoped3A = tpu.sem_alloc : memref<!tpu.dma_semaphore, #tpu.memory_space<semaphore_mem>>
        %dma_start3A = arith.constant 0 : i32
        %dma_start3A_20 = tpu.memref_slice %arg5[%mul3A_12, %dma_start3A] : memref<10240x16xf32, #tpu.memory_space<hbm>> -> memref<640x16xf32, #tpu.memory_space<hbm>>
        %dma_start3A_21 = arith.constant 0 : i32
        %dma_start3A_22 = tpu.memref_slice %arg9[%mul3A_12, %dma_start3A_21] : memref<10240x16xf32, #tpu.memory_space<vmem_shared>> -> memref<640x16xf32, #tpu.memory_space<vmem_shared>>
        tpu.enqueue_dma source(%dma_start3A_22 : memref<640x16xf32, #tpu.memory_space<vmem_shared>>) target(%dma_start3A_20 : memref<640x16xf32, #tpu.memory_space<hbm>>) target_semaphore(%run_scoped3A : memref<!tpu.dma_semaphore, #tpu.memory_space<semaphore_mem>>)
        %dma_wait3A = arith.constant 0 : i32
        %dma_wait3A_23 = tpu.memref_slice %arg5[%mul3A_12, %dma_wait3A] : memref<10240x16xf32, #tpu.memory_space<hbm>> -> memref<640x16xf32, #tpu.memory_space<hbm>>
        %dma_wait3A_24 = arith.constant 0 : i32
        %dma_wait3A_25 = tpu.memref_slice %arg9[%mul3A_12, %dma_wait3A_24] : memref<10240x16xf32, #tpu.memory_space<vmem_shared>> -> memref<640x16xf32, #tpu.memory_space<vmem_shared>>
        tpu.wait_dma2 semaphore(%run_scoped3A : memref<!tpu.dma_semaphore, #tpu.memory_space<semaphore_mem>>) src(%dma_wait3A_25 : memref<640x16xf32, #tpu.memory_space<vmem_shared>>) dst(%dma_wait3A_23 : memref<640x16xf32, #tpu.memory_space<hbm>>)
        tpu.yield
      }) : () -> ()
    } else {
    }
    %eq3A_15 = arith.constant 1 : i32
    %eq3A_16 = arith.cmpi eq, %arg0, %eq3A_15 : i32
    %convert_element_type3A_17 = arith.extui %eq3A_16 : i1 to i32
    %cond3A_18 = arith.constant 0 : i32
    %cond3A_19 = arith.cmpi ne, %convert_element_type3A_17, %cond3A_18 : i32
    scf.if %cond3A_19 {
      "tpu.region"() ({
        %run_scoped3A = tpu.sem_alloc : memref<!tpu.dma_semaphore, #tpu.memory_space<semaphore_mem>>
        %dma_start3A = arith.constant 0 : i32
        %dma_start3A_20 = tpu.memref_slice %arg6[%mul3A_12, %dma_start3A] : memref<10240x16xf32, #tpu.memory_space<hbm>> -> memref<640x16xf32, #tpu.memory_space<hbm>>
        %dma_start3A_21 = arith.constant 0 : i32
        %dma_start3A_22 = tpu.memref_slice %arg9[%mul3A_12, %dma_start3A_21] : memref<10240x16xf32, #tpu.memory_space<vmem_shared>> -> memref<640x16xf32, #tpu.memory_space<vmem_shared>>
        tpu.enqueue_dma source(%dma_start3A_22 : memref<640x16xf32, #tpu.memory_space<vmem_shared>>) target(%dma_start3A_20 : memref<640x16xf32, #tpu.memory_space<hbm>>) target_semaphore(%run_scoped3A : memref<!tpu.dma_semaphore, #tpu.memory_space<semaphore_mem>>)
        %dma_wait3A = arith.constant 0 : i32
        %dma_wait3A_23 = tpu.memref_slice %arg6[%mul3A_12, %dma_wait3A] : memref<10240x16xf32, #tpu.memory_space<hbm>> -> memref<640x16xf32, #tpu.memory_space<hbm>>
        %dma_wait3A_24 = arith.constant 0 : i32
        %dma_wait3A_25 = tpu.memref_slice %arg9[%mul3A_12, %dma_wait3A_24] : memref<10240x16xf32, #tpu.memory_space<vmem_shared>> -> memref<640x16xf32, #tpu.memory_space<vmem_shared>>
        tpu.wait_dma2 semaphore(%run_scoped3A : memref<!tpu.dma_semaphore, #tpu.memory_space<semaphore_mem>>) src(%dma_wait3A_25 : memref<640x16xf32, #tpu.memory_space<vmem_shared>>) dst(%dma_wait3A_23 : memref<640x16xf32, #tpu.memory_space<hbm>>)
        tpu.yield
      }) : () -> ()
    } else {
    }
    return
  }
}

module attributes {stable_mosaic.version = 14 : i64} {
  func.func @_scale_x_body(%arg0: i32, %arg1: memref<256x128xf32, #tpu.memory_space<vmem>>, %arg2: memref<1x256x16xf32, #tpu.memory_space<vmem>>, %arg3: memref<1x256x16xf32, #tpu.memory_space<vmem>>, %arg4: memref<256x128xf32, #tpu.memory_space<vmem>>) attributes {dimension_semantics = [#tpu.dimension_semantics<arbitrary>], iteration_bounds = array<i64: 40>, scalar_prefetch = 0 : i64, scratch_operands = 0 : i64, tpu.core_type = #tpu.core_type<tc>, window_params = [{transform_indices = @transform_0, window_bounds = array<i64: 256, 128>}, {transform_indices = @transform_1, window_bounds = array<i64: 1, 256, 16>}, {transform_indices = @transform_2, window_bounds = array<i64: 1, 256, 16>}, {transform_indices = @transform_3, window_bounds = array<i64: 256, 128>}]} {
    %get3A = arith.constant 0 : index
    %get3A_0 = arith.constant 0 : index
    %get3A_1 = vector.load %arg1[%get3A, %get3A_0] : memref<256x128xf32, #tpu.memory_space<vmem>>, vector<256x128xf32>
    %get3A_2 = arith.constant 0 : index
    %get3A_3 = arith.constant 0 : index
    %get3A_4 = arith.constant 0 : index
    %get3A_5 = vector.load %arg2[%get3A_2, %get3A_3, %get3A_4] : memref<1x256x16xf32, #tpu.memory_space<vmem>>, vector<1x256x16xf32>
    %get3A_6 = vector.shape_cast %get3A_5 : vector<1x256x16xf32> to vector<256x16xf32>
    %slice3A = vector.extract_strided_slice %get3A_6 {offsets = [0, 0], sizes = [256, 1], strides = [1, 1]} : vector<256x16xf32> to vector<256x1xf32>
    %get3A_7 = arith.constant 0 : index
    %get3A_8 = arith.constant 0 : index
    %get3A_9 = arith.constant 0 : index
    %get3A_10 = vector.load %arg3[%get3A_7, %get3A_8, %get3A_9] : memref<1x256x16xf32, #tpu.memory_space<vmem>>, vector<1x256x16xf32>
    %get3A_11 = vector.shape_cast %get3A_10 : vector<1x256x16xf32> to vector<256x16xf32>
    %slice3A_12 = vector.extract_strided_slice %get3A_11 {offsets = [0, 0], sizes = [256, 1], strides = [1, 1]} : vector<256x16xf32> to vector<256x1xf32>
    %add3A = arith.addf %slice3A, %slice3A_12 : vector<256x1xf32>
    %max3A = arith.constant 1.000000e+00 : f32
    %max3A_13 = vector.broadcast %max3A : f32 to vector<256x1xf32>
    %max3A_14 = arith.maximumf %add3A, %max3A_13 : vector<256x1xf32>
    %rsqrt3A = math.rsqrt %max3A_14 : vector<256x1xf32>
    %mul3A = vector.broadcast %rsqrt3A : vector<256x1xf32> to vector<256x128xf32>
    %mul3A_15 = arith.mulf %get3A_1, %mul3A : vector<256x128xf32>
    %swap3A = arith.constant 0 : index
    %swap3A_16 = arith.constant 0 : index
    %swap3A_17 = vector.load %arg4[%swap3A, %swap3A_16] : memref<256x128xf32, #tpu.memory_space<vmem>>, vector<256x128xf32>
    tpu.vector_store %arg4[%swap3A, %swap3A_16], %mul3A_15 {strides = array<i32>} : memref<256x128xf32, #tpu.memory_space<vmem>>, vector<256x128xf32>,
    return
  }
  func.func @transform_0(%arg0: i32) -> (i32, i32) {
    %c0_i32 = arith.constant 0 : i32
    %c0_i32_0 = arith.constant 0 : i32
    return %arg0, %c0_i32 : i32, i32
  }
  func.func @transform_1(%arg0: i32) -> (i32, i32, i32) {
    %c0_i32 = arith.constant 0 : i32
    %c0_i32_0 = arith.constant 0 : i32
    %c0_i32_1 = arith.constant 0 : i32
    return %c0_i32, %arg0, %c0_i32_0 : i32, i32, i32
  }
  func.func @transform_2(%arg0: i32) -> (i32, i32, i32) {
    %c0_i32 = arith.constant 0 : i32
    %c0_i32_0 = arith.constant 0 : i32
    %c0_i32_1 = arith.constant 0 : i32
    return %c0_i32, %arg0, %c0_i32_0 : i32, i32, i32
  }
  func.func @transform_3(%arg0: i32) -> (i32, i32) {
    %c0_i32 = arith.constant 0 : i32
    %c0_i32_0 = arith.constant 0 : i32
    return %arg0, %c0_i32 : i32, i32
  }
}

module attributes {stable_mosaic.version = 14 : i64} {
  func.func @_layer_body(%arg0: i32, %arg1: memref<256x128xf32, #tpu.memory_space<vmem>>, %arg2: memref<1x256x16xf32, #tpu.memory_space<vmem>>, %arg3: memref<1x256x16xf32, #tpu.memory_space<vmem>>, %arg4: memref<128x128xf32, #tpu.memory_space<vmem>>, %arg5: memref<1x128xf32, #tpu.memory_space<vmem>>, %arg6: memref<256x128xf32, #tpu.memory_space<vmem>>) attributes {dimension_semantics = [#tpu.dimension_semantics<arbitrary>], iteration_bounds = array<i64: 40>, scalar_prefetch = 0 : i64, scratch_operands = 0 : i64, tpu.core_type = #tpu.core_type<tc>, window_params = [{transform_indices = @transform_0, window_bounds = array<i64: 256, 128>}, {transform_indices = @transform_1, window_bounds = array<i64: 1, 256, 16>}, {transform_indices = @transform_2, window_bounds = array<i64: 1, 256, 16>}, {pipeline_mode = #tpu.pipeline_mode<synchronous>, transform_indices = @transform_3, window_bounds = array<i64: 128, 128>}, {pipeline_mode = #tpu.pipeline_mode<synchronous>, transform_indices = @transform_4, window_bounds = array<i64: 1, 128>}, {transform_indices = @transform_5, window_bounds = array<i64: 256, 128>}]} {
    %get3A = arith.constant 0 : index
    %get3A_0 = arith.constant 0 : index
    %get3A_1 = arith.constant 0 : index
    %get3A_2 = vector.load %arg2[%get3A, %get3A_0, %get3A_1] : memref<1x256x16xf32, #tpu.memory_space<vmem>>, vector<1x256x16xf32>
    %get3A_3 = vector.shape_cast %get3A_2 : vector<1x256x16xf32> to vector<256x16xf32>
    %slice3A = vector.extract_strided_slice %get3A_3 {offsets = [0, 0], sizes = [256, 1], strides = [1, 1]} : vector<256x16xf32> to vector<256x1xf32>
    %get3A_4 = arith.constant 0 : index
    %get3A_5 = arith.constant 0 : index
    %get3A_6 = arith.constant 0 : index
    %get3A_7 = vector.load %arg3[%get3A_4, %get3A_5, %get3A_6] : memref<1x256x16xf32, #tpu.memory_space<vmem>>, vector<1x256x16xf32>
    %get3A_8 = vector.shape_cast %get3A_7 : vector<1x256x16xf32> to vector<256x16xf32>
    %slice3A_9 = vector.extract_strided_slice %get3A_8 {offsets = [0, 0], sizes = [256, 1], strides = [1, 1]} : vector<256x16xf32> to vector<256x1xf32>
    %add3A = arith.addf %slice3A, %slice3A_9 : vector<256x1xf32>
    %max3A = arith.constant 1.000000e+00 : f32
    %max3A_10 = vector.broadcast %max3A : f32 to vector<256x1xf32>
    %max3A_11 = arith.maximumf %add3A, %max3A_10 : vector<256x1xf32>
    %rsqrt3A = math.rsqrt %max3A_11 : vector<256x1xf32>
    %get3A_12 = arith.constant 0 : index
    %get3A_13 = arith.constant 0 : index
    %get3A_14 = vector.load %arg1[%get3A_12, %get3A_13] : memref<256x128xf32, #tpu.memory_space<vmem>>, vector<256x128xf32>
    %mul3A = vector.broadcast %rsqrt3A : vector<256x1xf32> to vector<256x128xf32>
    %mul3A_15 = arith.mulf %get3A_14, %mul3A : vector<256x128xf32>
    %get3A_16 = arith.constant 0 : index
    %get3A_17 = arith.constant 0 : index
    %get3A_18 = vector.load %arg4[%get3A_16, %get3A_17] : memref<128x128xf32, #tpu.memory_space<vmem>>, vector<128x128xf32>
    %dot_general3A = arith.constant dense<0.000000e+00> : vector<256x128xf32>
    %dot_general3A_19 = tpu.matmul %mul3A_15, %get3A_18, %dot_general3A {dimension_numbers = #tpu.dot_dimension_numbers<[1], [0], [0], [1], [0, 0, 1, 1], [], []>, transpose_lhs_hint = false} : vector<256x128xf32>, vector<128x128xf32>, vector<256x128xf32> -> vector<256x128xf32>
    %get3A_20 = arith.constant 0 : index
    %get3A_21 = arith.constant 0 : index
    %get3A_22 = vector.load %arg5[%get3A_20, %get3A_21] : memref<1x128xf32, #tpu.memory_space<vmem>>, vector<1x128xf32>
    %add3A_23 = vector.broadcast %get3A_22 : vector<1x128xf32> to vector<256x128xf32>
    %add3A_24 = arith.addf %dot_general3A_19, %add3A_23 : vector<256x128xf32>
    %max3A_25 = arith.constant 0.000000e+00 : f32
    %max3A_26 = vector.broadcast %max3A_25 : f32 to vector<256x128xf32>
    %max3A_27 = arith.maximumf %add3A_24, %max3A_26 : vector<256x128xf32>
    %mul3A_28 = vector.broadcast %rsqrt3A : vector<256x1xf32> to vector<256x128xf32>
    %mul3A_29 = arith.mulf %max3A_27, %mul3A_28 : vector<256x128xf32>
    %swap3A = arith.constant 0 : index
    %swap3A_30 = arith.constant 0 : index
    %swap3A_31 = vector.load %arg6[%swap3A, %swap3A_30] : memref<256x128xf32, #tpu.memory_space<vmem>>, vector<256x128xf32>
    tpu.vector_store %arg6[%swap3A, %swap3A_30], %mul3A_29 {strides = array<i32>} : memref<256x128xf32, #tpu.memory_space<vmem>>, vector<256x128xf32>,
    return
  }
  func.func @transform_0(%arg0: i32) -> (i32, i32) {
    %c0_i32 = arith.constant 0 : i32
    %c0_i32_0 = arith.constant 0 : i32
    return %arg0, %c0_i32 : i32, i32
  }
  func.func @transform_1(%arg0: i32) -> (i32, i32, i32) {
    %c0_i32 = arith.constant 0 : i32
    %c0_i32_0 = arith.constant 0 : i32
    %c0_i32_1 = arith.constant 0 : i32
    return %c0_i32, %arg0, %c0_i32_0 : i32, i32, i32
  }
  func.func @transform_2(%arg0: i32) -> (i32, i32, i32) {
    %c0_i32 = arith.constant 0 : i32
    %c0_i32_0 = arith.constant 0 : i32
    %c0_i32_1 = arith.constant 0 : i32
    return %c0_i32, %arg0, %c0_i32_0 : i32, i32, i32
  }
  func.func @transform_3(%arg0: i32) -> (i32, i32) {
    %c0_i32 = arith.constant 0 : i32
    %c0_i32_0 = arith.constant 0 : i32
    %c0_i32_1 = arith.constant 0 : i32
    return %c0_i32, %c0_i32_0 : i32, i32
  }
  func.func @transform_4(%arg0: i32) -> (i32, i32) {
    %c0_i32 = arith.constant 0 : i32
    %c0_i32_0 = arith.constant 0 : i32
    %c0_i32_1 = arith.constant 0 : i32
    return %c0_i32, %c0_i32_0 : i32, i32
  }
  func.func @transform_5(%arg0: i32) -> (i32, i32) {
    %c0_i32 = arith.constant 0 : i32
    %c0_i32_0 = arith.constant 0 : i32
    return %arg0, %c0_i32 : i32, i32
  }
}

module attributes {stable_mosaic.version = 14 : i64} {
  func.func @_head_body(%arg0: i32, %arg1: memref<256x128xf32, #tpu.memory_space<vmem>>, %arg2: memref<1x256x16xf32, #tpu.memory_space<vmem>>, %arg3: memref<1x256x16xf32, #tpu.memory_space<vmem>>, %arg4: memref<128x128xf32, #tpu.memory_space<vmem>>, %arg5: memref<1x128xf32, #tpu.memory_space<vmem>>, %arg6: memref<128x64xf32, #tpu.memory_space<vmem>>, %arg7: memref<1x64xf32, #tpu.memory_space<vmem>>, %arg8: memref<64x16xf32, #tpu.memory_space<vmem>>, %arg9: memref<1x16xf32, #tpu.memory_space<vmem>>, %arg10: memref<256x16xf32, #tpu.memory_space<vmem>>) attributes {dimension_semantics = [#tpu.dimension_semantics<arbitrary>], iteration_bounds = array<i64: 40>, scalar_prefetch = 0 : i64, scratch_operands = 0 : i64, tpu.core_type = #tpu.core_type<tc>, window_params = [{transform_indices = @transform_0, window_bounds = array<i64: 256, 128>}, {transform_indices = @transform_1, window_bounds = array<i64: 1, 256, 16>}, {transform_indices = @transform_2, window_bounds = array<i64: 1, 256, 16>}, {pipeline_mode = #tpu.pipeline_mode<synchronous>, transform_indices = @transform_3, window_bounds = array<i64: 128, 128>}, {pipeline_mode = #tpu.pipeline_mode<synchronous>, transform_indices = @transform_4, window_bounds = array<i64: 1, 128>}, {pipeline_mode = #tpu.pipeline_mode<synchronous>, transform_indices = @transform_5, window_bounds = array<i64: 128, 64>}, {pipeline_mode = #tpu.pipeline_mode<synchronous>, transform_indices = @transform_6, window_bounds = array<i64: 1, 64>}, {pipeline_mode = #tpu.pipeline_mode<synchronous>, transform_indices = @transform_7, window_bounds = array<i64: 64, 16>}, {pipeline_mode = #tpu.pipeline_mode<synchronous>, transform_indices = @transform_8, window_bounds = array<i64: 1, 16>}, {transform_indices = @transform_9, window_bounds = array<i64: 256, 16>}]} {
    %get3A = arith.constant 0 : index
    %get3A_0 = arith.constant 0 : index
    %get3A_1 = arith.constant 0 : index
    %get3A_2 = vector.load %arg2[%get3A, %get3A_0, %get3A_1] : memref<1x256x16xf32, #tpu.memory_space<vmem>>, vector<1x256x16xf32>
    %get3A_3 = vector.shape_cast %get3A_2 : vector<1x256x16xf32> to vector<256x16xf32>
    %slice3A = vector.extract_strided_slice %get3A_3 {offsets = [0, 0], sizes = [256, 1], strides = [1, 1]} : vector<256x16xf32> to vector<256x1xf32>
    %get3A_4 = arith.constant 0 : index
    %get3A_5 = arith.constant 0 : index
    %get3A_6 = arith.constant 0 : index
    %get3A_7 = vector.load %arg3[%get3A_4, %get3A_5, %get3A_6] : memref<1x256x16xf32, #tpu.memory_space<vmem>>, vector<1x256x16xf32>
    %get3A_8 = vector.shape_cast %get3A_7 : vector<1x256x16xf32> to vector<256x16xf32>
    %slice3A_9 = vector.extract_strided_slice %get3A_8 {offsets = [0, 0], sizes = [256, 1], strides = [1, 1]} : vector<256x16xf32> to vector<256x1xf32>
    %add3A = arith.addf %slice3A, %slice3A_9 : vector<256x1xf32>
    %max3A = arith.constant 1.000000e+00 : f32
    %max3A_10 = vector.broadcast %max3A : f32 to vector<256x1xf32>
    %max3A_11 = arith.maximumf %add3A, %max3A_10 : vector<256x1xf32>
    %rsqrt3A = math.rsqrt %max3A_11 : vector<256x1xf32>
    %get3A_12 = arith.constant 0 : index
    %get3A_13 = arith.constant 0 : index
    %get3A_14 = vector.load %arg1[%get3A_12, %get3A_13] : memref<256x128xf32, #tpu.memory_space<vmem>>, vector<256x128xf32>
    %mul3A = vector.broadcast %rsqrt3A : vector<256x1xf32> to vector<256x128xf32>
    %mul3A_15 = arith.mulf %get3A_14, %mul3A : vector<256x128xf32>
    %get3A_16 = arith.constant 0 : index
    %get3A_17 = arith.constant 0 : index
    %get3A_18 = vector.load %arg4[%get3A_16, %get3A_17] : memref<128x128xf32, #tpu.memory_space<vmem>>, vector<128x128xf32>
    %dot_general3A = arith.constant dense<0.000000e+00> : vector<256x128xf32>
    %dot_general3A_19 = tpu.matmul %mul3A_15, %get3A_18, %dot_general3A {dimension_numbers = #tpu.dot_dimension_numbers<[1], [0], [0], [1], [0, 0, 1, 1], [], []>, transpose_lhs_hint = false} : vector<256x128xf32>, vector<128x128xf32>, vector<256x128xf32> -> vector<256x128xf32>
    %get3A_20 = arith.constant 0 : index
    %get3A_21 = arith.constant 0 : index
    %get3A_22 = vector.load %arg5[%get3A_20, %get3A_21] : memref<1x128xf32, #tpu.memory_space<vmem>>, vector<1x128xf32>
    %add3A_23 = vector.broadcast %get3A_22 : vector<1x128xf32> to vector<256x128xf32>
    %add3A_24 = arith.addf %dot_general3A_19, %add3A_23 : vector<256x128xf32>
    %max3A_25 = arith.constant 0.000000e+00 : f32
    %max3A_26 = vector.broadcast %max3A_25 : f32 to vector<256x128xf32>
    %max3A_27 = arith.maximumf %add3A_24, %max3A_26 : vector<256x128xf32>
    %get3A_28 = arith.constant 0 : index
    %get3A_29 = arith.constant 0 : index
    %get3A_30 = vector.load %arg6[%get3A_28, %get3A_29] : memref<128x64xf32, #tpu.memory_space<vmem>>, vector<128x64xf32>
    %dot_general3A_31 = arith.constant dense<0.000000e+00> : vector<256x64xf32>
    %dot_general3A_32 = tpu.matmul %max3A_27, %get3A_30, %dot_general3A_31 {dimension_numbers = #tpu.dot_dimension_numbers<[1], [0], [0], [1], [0, 0, 1, 1], [], []>, transpose_lhs_hint = false} : vector<256x128xf32>, vector<128x64xf32>, vector<256x64xf32> -> vector<256x64xf32>
    %get3A_33 = arith.constant 0 : index
    %get3A_34 = arith.constant 0 : index
    %get3A_35 = vector.load %arg7[%get3A_33, %get3A_34] : memref<1x64xf32, #tpu.memory_space<vmem>>, vector<1x64xf32>
    %add3A_36 = vector.broadcast %get3A_35 : vector<1x64xf32> to vector<256x64xf32>
    %add3A_37 = arith.addf %dot_general3A_32, %add3A_36 : vector<256x64xf32>
    %max3A_38 = arith.constant 0.000000e+00 : f32
    %max3A_39 = vector.broadcast %max3A_38 : f32 to vector<256x64xf32>
    %max3A_40 = arith.maximumf %add3A_37, %max3A_39 : vector<256x64xf32>
    %get3A_41 = arith.constant 0 : index
    %get3A_42 = arith.constant 0 : index
    %get3A_43 = vector.load %arg8[%get3A_41, %get3A_42] : memref<64x16xf32, #tpu.memory_space<vmem>>, vector<64x16xf32>
    %dot_general3A_44 = arith.constant dense<0.000000e+00> : vector<256x16xf32>
    %dot_general3A_45 = tpu.matmul %max3A_40, %get3A_43, %dot_general3A_44 {dimension_numbers = #tpu.dot_dimension_numbers<[1], [0], [0], [1], [0, 0, 1, 1], [], []>, transpose_lhs_hint = false} : vector<256x64xf32>, vector<64x16xf32>, vector<256x16xf32> -> vector<256x16xf32>
    %get3A_46 = arith.constant 0 : index
    %get3A_47 = arith.constant 0 : index
    %get3A_48 = vector.load %arg9[%get3A_46, %get3A_47] : memref<1x16xf32, #tpu.memory_space<vmem>>, vector<1x16xf32>
    %add3A_49 = vector.broadcast %get3A_48 : vector<1x16xf32> to vector<256x16xf32>
    %add3A_50 = arith.addf %dot_general3A_45, %add3A_49 : vector<256x16xf32>
    %swap3A = arith.constant 0 : index
    %swap3A_51 = arith.constant 0 : index
    %swap3A_52 = vector.load %arg10[%swap3A, %swap3A_51] : memref<256x16xf32, #tpu.memory_space<vmem>>, vector<256x16xf32>
    tpu.vector_store %arg10[%swap3A, %swap3A_51], %add3A_50 {strides = array<i32>} : memref<256x16xf32, #tpu.memory_space<vmem>>, vector<256x16xf32>,
    return
  }
  func.func @transform_0(%arg0: i32) -> (i32, i32) {
    %c0_i32 = arith.constant 0 : i32
    %c0_i32_0 = arith.constant 0 : i32
    return %arg0, %c0_i32 : i32, i32
  }
  func.func @transform_1(%arg0: i32) -> (i32, i32, i32) {
    %c0_i32 = arith.constant 0 : i32
    %c0_i32_0 = arith.constant 0 : i32
    %c0_i32_1 = arith.constant 0 : i32
    return %c0_i32, %arg0, %c0_i32_0 : i32, i32, i32
  }
  func.func @transform_2(%arg0: i32) -> (i32, i32, i32) {
    %c0_i32 = arith.constant 0 : i32
    %c0_i32_0 = arith.constant 0 : i32
    %c0_i32_1 = arith.constant 0 : i32
    return %c0_i32, %arg0, %c0_i32_0 : i32, i32, i32
  }
  func.func @transform_3(%arg0: i32) -> (i32, i32) {
    %c0_i32 = arith.constant 0 : i32
    %c0_i32_0 = arith.constant 0 : i32
    %c0_i32_1 = arith.constant 0 : i32
    return %c0_i32, %c0_i32_0 : i32, i32
  }
  func.func @transform_4(%arg0: i32) -> (i32, i32) {
    %c0_i32 = arith.constant 0 : i32
    %c0_i32_0 = arith.constant 0 : i32
    %c0_i32_1 = arith.constant 0 : i32
    return %c0_i32, %c0_i32_0 : i32, i32
  }
  func.func @transform_5(%arg0: i32) -> (i32, i32) {
    %c0_i32 = arith.constant 0 : i32
    %c0_i32_0 = arith.constant 0 : i32
    %c0_i32_1 = arith.constant 0 : i32
    return %c0_i32, %c0_i32_0 : i32, i32
  }
  func.func @transform_6(%arg0: i32) -> (i32, i32) {
    %c0_i32 = arith.constant 0 : i32
    %c0_i32_0 = arith.constant 0 : i32
    %c0_i32_1 = arith.constant 0 : i32
    return %c0_i32, %c0_i32_0 : i32, i32
  }
  func.func @transform_7(%arg0: i32) -> (i32, i32) {
    %c0_i32 = arith.constant 0 : i32
    %c0_i32_0 = arith.constant 0 : i32
    %c0_i32_1 = arith.constant 0 : i32
    return %c0_i32, %c0_i32_0 : i32, i32
  }
  func.func @transform_8(%arg0: i32) -> (i32, i32) {
    %c0_i32 = arith.constant 0 : i32
    %c0_i32_0 = arith.constant 0 : i32
    %c0_i32_1 = arith.constant 0 : i32
    return %c0_i32, %c0_i32_0 : i32, i32
  }
  func.func @transform_9(%arg0: i32) -> (i32, i32) {
    %c0_i32 = arith.constant 0 : i32
    %c0_i32_0 = arith.constant 0 : i32
    return %arg0, %c0_i32 : i32, i32
  }
}

</mosaic_0001>

<sc_bundles>
// kernel: kernel.11.cloned.1.call-start
scs
__scs_entry_jumppad:
0x0: {  	(pc) =	sbr.rel $0x88, $3  }
0x1: {  	(tag) =	ssettag $0x0;
	lr =	simm.s32 $0x1  }
0x2: {  	[smem:$0x3F97] =	sst lr;
	_ =	strace $0xD0000000  }
0x3: {  	_ = 	snop  }
0x4: {  	_ = 	snop  }
0x5: {  	_ = 	snop  }
0x6: {  	_ = 	snop  }
0x7: {  	_ = 	snop  }
__scs_overlays_trampoline_lowered:
0x8: {  	[smem:$0x3FA6] =	sst s0  }
0x9: {  	[smem:$0x3FA7] =	sst s1  }
0xa: {  	[smem:$0x3FA8] =	sst s2  }
0xb: {  	[smem:$0x3FA9] =	sst s3  }
0xc: {  	[smem:$0x3FAA] =	sst s4  }
0xd: {  	[smem:$0x3FAB] =	sst s5  }
0xe: {  	[smem:$0x3FAC] =	sst s6  }
0xf: {  	[smem:$0x3FAD] =	sst s7  }
0x10: {  	[smem:$0x3FAE] =	sst s8  }
0x11: {  	[smem:$0x3FAF] =	sst s9;
	s0 =	simm.s32 @!p0 $0x0  }
0x12: {  	s1 =	sld [smem:$0x3F95];
	s0 =	simm.s32 @p0 $0x1  }
0x13: {  	[smem:$0x3FB0] =	sst s0;
	s0 =	simm.s32 @!p1 $0x0  }
0x14: {  	s2 =	sld [smem:$0x3F94];
	s0 =	simm.s32 @p1 $0x1  }
0x15: {  	[smem:$0x3FB1] =	sst s0;
	s0 =	simm.s32 @!p2 $0x0  }
0x16: {  	s3 =	sld [smem:$0x3FDB];
	s0 =	simm.s32 @p2 $0x1  }
0x17: {  	s4 =	simm.s32 $0x1BF5;
	[smem:$0x3FB3] =	sst s0  }
0x18: {  	s0 =	sld [smem:$0x3F96];
	_ =	swait.ge [sflag:s4], $0x0  }
0x19: {  	s7 =	sld [smem:$0x3F97]  }
0x1a: {  	s8 =	sadd.s32 $0xFFFFE003, lr  }
0x1b: {  	s9 =	sadd.s32 $0xFFFFFEF7, lr;
	s5 =	simm.s32 $0xFFFFFFFF;
	p2 =	slt.u32 s8, $0xFFFFF086  }
0x1c: {  	p1 =	slt.u32 s9, $0xF7A;
	s5 =	simm.s32 @!p2 $0x0  }
0x1d: {  	s5 =	simm.s32 @p1 $0x1;
	p0 =	seq.s32 s7, s2  }
0x1e: {  	s7 =	smul.u32 @!p0 $0xF7A, s2;
	p2 =	seq.s32 @!p0 s5, $0x0  }
0x1f: {  	s9 =	smul.u32 $0xF7A, s1;
	s8 =	simm.s32 @!p0 $0x1BF5;
	p2 =	por !p2, p0  }
0x20: {  	[sflag:s8] =	ssyncset.s32 @!p0 $0xFFFFF086;
	s6 =	sadd.s32 @!p0 s3, s7;
	s7 =	simm.s32 @!p0 $0x108  }
0x21: {  	s3 =	sadd.s32 s3, s9;
	s6 =	sadd.s32 @!p0 $0x88, s6;
	s7 =	simm.s32 @p2 $0x1082  }
0x22: {  	[simem:s7], [sflag:s8] =	dma.local @!p0 [hbm:s6], $0xF7A  }
0x23: {  	s9 =	sor.u32 $0xD0000000, s2;
	s6 =	simm.s32 $0x108;
	_ =	swait.ge @!p0 [sflag:s8], $0x0  }
0x24: {  	s3 =	sadd.s32 $0x88, s3;
	s6 =	simm.s32 @!p1 $0x1082;
	[sflag:s4] =	ssyncset.s32 $0xFFFFF086  }
0x25: {  	[simem:s6], [sflag:s4] =	dma.local [hbm:s3], $0xF7A  }
0x26: {  	[smem:$0x3F97] =	sst s1;
	(tag) =	ssettag s2;
	_ =	strace s9  }
0x27: {  	s1 =	sld [smem:$0x3FA7]  }
0x28: {  	s2 =	sld [smem:$0x3FA8]  }
0x29: {  	s4 =	sld [smem:$0x3FAA]  }
0x2a: {  	p0 =	seq.s32 s5, $0x0;
	s5 =	sld [smem:$0x3FAB]  }
0x2b: {  	s6 =	sld [smem:$0x3FAC]  }
0x2c: {  	s7 =	sld [smem:$0x3FAD]  }
0x2d: {  	s3 =	simm.s32 $0x108;
	s8 =	sld [smem:$0x3FAE]  }
0x2e: {  	s3 =	simm.s32 @!p0 $0x1082;
	s9 =	sld [smem:$0x3FAF]  }
0x2f: {  	lr =	sadd.s32 s0, s3;
	s0 =	sld [smem:$0x3FA6]  }
0x30: {  	s3 =	sld [smem:$0x3FA9]  }
0x31: {  	[smem:$0x3FB2] =	sst s10  }
0x32: {  	s10 =	sld [smem:$0x3FB0];
	_ =	sdelay $0x3  }
0x33: {  	p0 =	seq.s32 s10, $0x1;
	s10 =	sld [smem:$0x3FB2];
	_ =	sdelay $0x3  }
0x34: {  	[smem:$0x3FB2] =	sst s10  }
0x35: {  	s10 =	sld [smem:$0x3FB1];
	_ =	sdelay $0x3  }
0x36: {  	p1 =	seq.s32 s10, $0x1;
	s10 =	sld [smem:$0x3FB2];
	_ =	sdelay $0x3  }
0x37: {  	[smem:$0x3FB2] =	sst s10  }
0x38: {  	s10 =	sld [smem:$0x3FB3]  }
0x39: {  	_ = 	snop;
	(pc) =	sbr.ind lr, $3  }
0x3a: {  	_ = 	snop  }
0x3b: {  	_ = 	snop  }
0x3c: {  	p2 =	seq.s32 s10, $0x1;
	s10 =	sld [smem:$0x3FB2]  }
0x3d: {  	_ =	shalt  }
0x3e: {  	_ =	shalt  }
0x3f: {  	_ =	shalt  }
0x40: {  	_ =	shalt  }
0x41: {  	_ =	shalt  }
0x42: {  	_ =	shalt  }
0x43: {  	_ =	shalt  }
0x44: {  	_ =	shalt  }
0x45: {  	_ =	shalt  }
0x46: {  	_ =	shalt  }
0x47: {  	_ =	shalt  }
0x48: {  	_ =	shalt  }
0x49: {  	_ =	shalt  }
0x4a: {  	_ =	shalt  }
0x4b: {  	_ =	shalt  }
0x4c: {  	_ =	shalt  }
0x4d: {  	_ =	shalt  }
0x4e: {  	_ =	shalt  }
0x4f: {  	_ =	shalt  }
0x50: {  	_ =	shalt  }
0x51: {  	_ =	shalt  }
0x52: {  	_ =	shalt  }
0x53: {  	_ =	shalt  }
0x54: {  	_ =	shalt  }
0x55: {  	_ =	shalt  }
0x56: {  	_ =	shalt  }
0x57: {  	_ =	shalt  }
0x58: {  	_ =	shalt  }
0x59: {  	_ =	shalt  }
0x5a: {  	_ =	shalt  }
0x5b: {  	_ =	shalt  }
0x5c: {  	_ =	shalt  }
0x5d: {  	_ =	shalt  }
0x5e: {  	_ =	shalt  }
0x5f: {  	_ =	shalt  }
0x60: {  	_ =	shalt  }
0x61: {  	_ =	shalt  }
0x62: {  	_ =	shalt  }
0x63: {  	_ =	shalt  }
0x64: {  	_ =	shalt  }
0x65: {  	_ =	shalt  }
0x66: {  	_ =	shalt  }
0x67: {  	_ =	shalt  }
0x68: {  	_ =	shalt  }
0x69: {  	_ =	shalt  }
0x6a: {  	_ =	shalt  }
0x6b: {  	_ =	shalt  }
0x6c: {  	_ =	shalt  }
0x6d: {  	_ =	shalt  }
0x6e: {  	_ =	shalt  }
0x6f: {  	_ =	shalt  }
0x70: {  	_ =	shalt  }
0x71: {  	_ =	shalt  }
0x72: {  	_ =	shalt  }
0x73: {  	_ =	shalt  }
0x74: {  	_ =	shalt  }
0x75: {  	_ =	shalt  }
0x76: {  	_ =	shalt  }
0x77: {  	_ =	shalt  }
0x78: {  	_ =	shalt  }
0x79: {  	_ =	shalt  }
0x7a: {  	_ =	shalt  }
0x7b: {  	_ =	shalt  }
0x7c: {  	_ =	shalt  }
0x7d: {  	_ =	shalt  }
0x7e: {  	_ =	shalt  }
0x7f: {  	_ =	shalt  }
0x80: {  	_ =	shalt  }
0x81: {  	_ =	shalt  }
0x82: {  	_ =	shalt  }
0x83: {  	_ =	shalt  }
0x84: {  	_ =	shalt  }
0x85: {  	_ =	shalt  }
0x86: {  	_ =	shalt  }
0x87: {  	_ =	shalt  }
.Lfunc_end0:
.L_simem_size_0:
called_computation.1_lowered:
.L_overlay_start_0:
0x88: {  	s2 =	sld [smem:$0x3FD9]  }
0x89: {  	s3 =	sld [smem:$0x3FFE];
	_ =	sdelay $0x1  }
0x8a: {  	s1 =	srdreg.scid  }
0x8b: {  	s0 =	sand.u32 $0x1, s1  }
0x8c: {  	s17 =	sshll.u32 s0, $0xA;
	s2 =	sadd.s32 s3, s2  }
0x8d: {  	s2 =	sadd.s32 s2, s17  }
0x8e: {  	[smem:$0x3FBE] =	sst s2  }
0x8f: {  	_ = 	snop  }
0x90: {  	s2 =	sld [smem:$0x3FD0];
	(tm) =	ssettm $0x1  }
0x91: {  	s18 =	sld [smem:$0x3FFB];
	_ =	sdelay $0x3  }
0x92: {  	_ =	strace s18  }
0x93: {  	s3 =	sld [smem:$0x3FFC];
	_ =	sdelay $0x3  }
0x94: {  	_ =	strace s3  }
0x95: {  	s3 =	sld [smem:$0x3FFD];
	_ =	sdelay $0x3  }
0x96: {  	_ =	strace s3  }
0x97: {  	_ =	strace $0x8FFFFFFF  }
0x98: {  	s19 =	sld [smem:$0x3FDB];
	_ =	sdelay $0x1  }
0x99: {  	s4 =	simm.s32 $_scs_section_size  }
0x9a: {  	s5 =	simm.s32 $_size__tile_overlayer_lowered;
	s6 =	simm.s32 $_tile_overlayer_lowered  }
0x9b: {  	s22 =	simm.s32 $0x1BFF;
	s21 =	sshll.u32 s6, $0x1;
	s3 =	sadd.s32 s4, s19  }
0x9c: {  	s7 =	simm.s32 $0x0;
	s20 =	sshll.u32 s5, $0x1;
	s5 =	sadd.s32 s21, s3  }
0x9d: {  	[timem:s7], [sflag:s22] =	dma.local [hbm:s5], s20  }
0x9e: {  	_ =	swait.ge [sflag:s22], s20  }
0x9f: {  	s4 =	ssub.s32 $0x0, s20;
	[sflag:s22] =	ssyncset.done $0x0  }
0xa0: {  	[sflag:s22] =	ssyncadd.s32 s4;
	_ =	sdelay $0x1  }
0xa1: {  	s23 =	simm.s32 $0x1B8B  }
0xa2: {  	_ =	swait.ge [sflag:s23], $0x1  }
0xa3: {  	[sflag:s23] =	ssyncset.done $0x0  }
0xa4: {  	s25 =	simm.s32 $0x1B8E;
	s24 =	sld [smem:$0x3FFE];
	[sflag:s23] =	ssyncadd.s32 $0xFFFFFFFF  }
0xa5: {  	s26 =	simm.s32 $execute0_lowered;
	[smem:$0x3FD2] =	sst s25  }
0xa6: {  	s5 =	sshll.u32 s26, $0x1;
	_ =	strace $0x80000049;
	[dreg:$0x1] =	wrdreg $0xFFFFFFFF  }
0xa7: {  	s28 =	simm.s32 $_size_execute0_lowered;
	s3 =	sadd.s32 s3, s5;
	[dreg:$0x0] =	wrdreg $0x0  }
0xa8: {  	s5 =	sshll.u32 s28, $0x1;
	[dreg:$0x2] =	wrdreg s3  }
0xa9: {  	[dreg:$0x3] =	wrdreg s5  }
0xaa: {  	[dreg:$0x4] =	wrdreg $0xC0  }
0xab: {  	_ =	task [dreg:s7], $0x5FFFF  }
0xac: {  	[dreg:$0x1] =	wrdreg $0xFFFFFFFF  }
0xad: {  	[dreg:$0x0] =	wrdreg $0x60  }
0xae: {  	[dreg:$0x2] =	wrdreg s24  }
0xaf: {  	[dreg:$0x3] =	wrdreg s2  }
0xb0: {  	[dreg:$0x4] =	wrdreg $0x18E200  }
0xb1: {  	[dreg:$0x5] =	wrdreg $0x140000  }
0xb2: {  	[dreg:$0x6] =	wrdreg $0x9  }
0xb3: {  	_ =	task.clear_ibuf [dreg:s7], $0x7FFFF;
	_ =	strace $0x90000049  }
0xb4: {  	s29 =	simm.s32 $0x9;
	_ =	strace $0x8000004B  }
0xb5: {  	_ =	swait.ge [sflag:s29], $0x1  }
0xb6: {  	[sflag:s29] =	ssyncadd.s32 $0xFFFFFFFF  }
0xb7: {  	_ =	strace $0x9000004B  }
0xb8: {  	_ =	sfence  }
0xb9: {  	s30 =	sld [smem:$0x0];
	_ =	sdelay $0x2  }
0xba: {  	s31 =	sshll.u32 s1, $0xD;
	s1 =	sshrl.u32 s1, $0x2  }
0xbb: {  	s3 =	sand.u32 $0x4000, s31;
	s1 =	sadd.s32 s1, s30  }
0xbc: {  	s0 =	sor.u32 s3, s0;
	s1 =	sshll.u32 s1, $0x11  }
0xbd: {  	s0 =	sor.u32 s1, s0  }
0xbe: {  	s0 =	sadd.s32 $0x8F2B, s0  }
0xbf: {  	[sflag:s0] =	ssyncadd.remote.s32 $0x1  }
0xc0: {  	_ =	sfence.sel $0xFFFF  }
0xc1: {  	[dreg:$0x0] =	wrdreg $0xFFFFFFFF;
	(pc) =	sbr.abs _section_cstart, $3  }
0xc2: {  	[dreg:$0x1] =	wrdreg $0xFFFFFFFF  }
0xc3: {  	_ =	task.clear_ibuf [dreg:s7], $0x2FFFF;
	_ =	strace $0x9FFFFFFF  }
0xc4: {  	(tm) =	ssettm $0x7FFFFFFF  }
0xc5: {  	_ =	shalt  }
tec
execute0_lowered:
.L_overlay_start_1:
0x0: {  	(tag) =	ssettag $0x1  }
0x1: {  	s6 =	rddreg [dreg:$0x0]  }
0x2: {  	s1 =	rddreg [dreg:$0x1]  }
0x3: {  	s2 =	rddreg [dreg:$0x2]  }
0x4: {  	s4 =	rddreg [dreg:$0x3]  }
0x5: {  	s5 =	simm.s32 $0x0;
	s3 =	stileid.u32;
	s8 =	srdreg.scid  }
0x6: {  	s18 =	simm.s32 $0x1;
	s19 =	simm.s32 $0x4;
	s20 =	simm.s32 $0x10  }
0x7: {  	s21 =	simm.s32 $0x280;
	s22 =	simm.s32 $0xA000;
	s28 =	simm.s32 $0x5500  }
0x8: {  	s29 =	simm.s32 $0x0;
	[smem:$0x7FF] =	sst s5;
	s7 =	smul.u32 $0xA00, s3  }
0x9: {  	s10 =	sadd.s32 $0x20600, s6;
	s8 =	sand.u32 $0x1, s8;
	s11 =	smul.u32 $0x14000, s3  }
0xa: {  	s12 =	sadd.s32 $0x47800, s6;
	s13 =	smul.u32 $0x13880, s3;
	s31 =	sshll.u32 s3, $0x6  }
0xb: {  	_ =	strace $0x8000004A;
	s9 =	ssub.s32 $0x2, s8;
	s24 =	sshll.u32 s8, $0x6  }
0xc: {  	s7 =	sadd.s32 s7, s6;
	s23 =	sshrl.u32 s9, $0x1;
	s25 =	sshrl.u32 s11, $0x2  }
0xd: {  	s15 =	sor.u32 s24, s13;
	s26 =	sshrl.u32 s13, $0x2;
	s30 =	sor.u32 $0x20, s24  }
0xe: {  	s14 =	ssub.s32 s9, s23;
	s6 =	sadd.s32 $0x16600, s7;
	s7 =	sadd.s32 $0x2600, s7  }
0xf: {  	s16 =	sadd.s32 s25, s2;
	s15 =	sshrl.u32 s15, $0x3;
	s17 =	sadd.s32 s26, s4  }
0x10: {  	s9 =	sor.u32 s24, s11;
	s13 =	sor.u32 s13, s30;
	s11 =	sor.u32 s11, s30  }
0x11: {  	s23 =	simm.s32 $0x5280;
	s24 =	simm.s32 $0xF000;
	s25 =	simm.s32 $0x2  }
.Ltmp0:
0x12: {  	s26 =	simm.s32 $0x3;
	s8 =	sadd.s32 s10, s15;
	(pc) =	sbr.rel .LBB2_1-.Ltmp0, $4  }
0x13: {  	s9 =	sshrl.u32 s9, $0x3;
	s13 =	sshrl.u32 s13, $0x3;
	s11 =	sshrl.u32 s11, $0x3  }
0x14: {  	s15 =	sor.u32 $0x1C05, s31;
	s16 =	sshrl.u32 s16, $0x3;
	s17 =	sshrl.u32 s17, $0x3  }
0x15: {  	s9 =	sadd.s32 s12, s9;
	s10 =	sadd.s32 s10, s13;
	s11 =	sadd.s32 s12, s11  }
0x16: {  	s12 =	smax.u32 s14, $0x1;
	s13 =	simm.s32 $0x5000;
	s14 =	simm.s32 $0x5  }
.LBB2_7:
0x17: {  	_ =	swait.ge [sflag:s19], $0x5000  }
0x18: {  	s29 =	sadd.s32 $0x1, s29;
	[sflag:s19] =	ssyncset.done $0x0  }
0x19: {  	p0 =	sne.s32 s29, s12;
	[sflag:s19] =	ssyncadd.s32 $0xFFFFB000  }
.Ltmp1:
0x1a: {  	[bflag:$0x0] =	sbarrier.arrive $0xFFFF;
	(pc) =	sbr.rel @!p0 .LBB2_8-.Ltmp1, $4  }
0x1b: {  	[hbm:s11@s20], [sflag:s15] =	dma.strided [spmem:s16@s19], $0xA00, s18, $0x4   }
0x1c: {  	_ =	swait.ge [sflag:s14], $0xA00  }
0x1d: {  	[sflag:s14] =	ssyncset.done $0x0  }
0x1e: {  	[sflag:s14] =	ssyncadd.s32 $0xFFFFF600  }
.LBB2_1:
0x1f: {  	[tilespmem:s13], [sflag:$0x5] =	stream.linear.gather [hbm4b:s6+s5], $0x5000, $0x38;
	[tilespmem:$0x1DE20] =	vst v63  }
0x20: {  	_ =	swait.ge [sflag:s14], $0x5000  }
0x21: {  	[sflag:s14] =	ssyncset.done $0x0  }
0x22: {  	[sflag:s14] =	ssyncadd.s32 $0xFFFFB000  }
0x23: {  	[tilespmem:s5], [sflag:$0x5] =	stream.linear.gather [hbm4b:s7+s5], $0x5000, $0x38;
	[tilespmem:$0x1DE20] =	vst v63  }
0x24: {  	_ =	swait.ge [sflag:s14], $0x5000  }
0x25: {  	[sflag:s14] =	ssyncset.done $0x0  }
0x26: {  	[sflag:s14] =	ssyncadd.s32 $0xFFFFB000  }
0x27: {  	[spmem:s16], [sflag:s15] =	dma.local [hbm:s1], $0xA00  }
0x28: {  	_ =	swait.ge [sflag:s14], $0xA00  }
0x29: {  	[sflag:s14] =	ssyncset.done $0x0  }
0x2a: {  	[sflag:s14] =	ssyncadd.s32 $0xFFFFF600  }
0x2b: {  	[spmem:s17@s19], [sflag:s15] =	dma.strided [hbm:s8@s20], $0x9C4, s18, $0x4   }
0x2c: {  	_ =	swait.ge [sflag:s14], $0x9C4  }
0x2d: {  	[sflag:s14] =	ssyncset.done $0x0  }
0x2e: {  	[sflag:s14] =	ssyncadd.s32 $0xFFFFF63C  }
0x2f: {  	[bflag:$0x0] =	sbarrier.arrive $0xFFFF  }
0x30: {  	[tilespmem:s22], [sflag:$0x1] =	stream.indirect.gather [spmem:s4], $0x20, s13, s21, $0xb8;
	[tilespmem:$0x1DE20] =	vst v63  }
0x31: {  	_ =	swait.ge [sflag:s18], $0x5000  }
0x32: {  	[sflag:s18] =	ssyncset.done $0x0  }
0x33: {  	[sflag:s18] =	ssyncadd.s32 $0xFFFFB000  }
0x34: {  	[spmem:s2] =	stream.indirect.scatter.add.f32 [tilespmem:s22], [sflag:$0x3], $0x20, s5, s21, $0xb8;
	[tilespmem:$0x1DE20] =	vst v63  }
0x35: {  	_ = 	snop  }
0x36: {  	[tilespmem:s24], [sflag:$0x2] =	stream.indirect.gather [spmem:s4], $0x20, s23, s21, $0xb8;
	[tilespmem:$0x1DE20] =	vst v63  }
0x37: {  	_ =	swait.ge [sflag:s25], $0x5000  }
0x38: {  	[sflag:s25] =	ssyncset.done $0x0  }
0x39: {  	[sflag:s25] =	ssyncadd.s32 $0xFFFFB000  }
0x3a: {  	[spmem:s2] =	stream.indirect.scatter.add.f32 [tilespmem:s24], [sflag:$0x4], $0x20, s21, s21, $0xb8;
	[tilespmem:$0x1DE20] =	vst v63  }
0x3b: {  	_ =	swait.ge [sflag:s26], $0x5000  }
0x3c: {  	[sflag:s26] =	ssyncset.done $0x0  }
0x3d: {  	s30 =	simm.s32 $0xFFFEE800;
	[sflag:s26] =	ssyncadd.s32 $0xFFFFB000  }
0x3e: {  	[tilespmem:s22], [sflag:$0x1] =	stream.indirect.gather [spmem:s4], $0x20, s28, s21, $0xb8;
	[tilespmem:$0x1DE20] =	vst v63  }
.LBB2_2:
0x3f: {  	_ =	swait.ge [sflag:s18], $0x5000  }
0x40: {  	s31 =	sshra.s32 s30, $0x2;
	[sflag:s18] =	ssyncset.done $0x0  }
0x41: {  	s0 =	sadd.s32 $0x4B00, s31;
	[sflag:s18] =	ssyncadd.s32 $0xFFFFB000  }
0x42: {  	[spmem:s2] =	stream.indirect.scatter.add.f32 [tilespmem:s22], [sflag:$0x3], $0x20, s0, s21, $0xb8;
	[tilespmem:$0x1DE20] =	vst v63  }
0x43: {  	_ =	swait.ge [sflag:s19], $0x5000  }
0x44: {  	[sflag:s19] =	ssyncset.done $0x0  }
0x45: {  	s0 =	sadd.s32 $0x9D80, s31;
	[sflag:s19] =	ssyncadd.s32 $0xFFFFB000  }
0x46: {  	[tilespmem:s24], [sflag:$0x2] =	stream.indirect.gather [spmem:s4], $0x20, s0, s21, $0xb8;
	[tilespmem:$0x1DE20] =	vst v63  }
0x47: {  	_ =	swait.ge [sflag:s25], $0x5000  }
0x48: {  	p0 =	seq.s32 s30, $0x0;
	[sflag:s25] =	ssyncset.done $0x0  }
.Ltmp2:
0x49: {  	s0 =	sadd.s32 $0x4D80, s31;
	[sflag:s25] =	ssyncadd.s32 $0xFFFFB000;
	(pc) =	sbr.rel @p0 .LBB2_4-.Ltmp2, $4  }
0x4a: {  	[spmem:s2] =	stream.indirect.scatter.add.f32 [tilespmem:s24], [sflag:$0x4], $0x20, s0, s21, $0xb8;
	[tilespmem:$0x1DE20] =	vst v63  }
0x4b: {  	_ =	swait.ge [sflag:s26], $0x5000  }
0x4c: {  	[sflag:s26] =	ssyncset.done $0x0  }
0x4d: {  	[sflag:s26] =	ssyncadd.s32 $0xFFFFB000  }
.Ltmp3:
0x4e: {  	(pc) =	sbr.rel .LBB2_2-.Ltmp3, $3  }
0x4f: {  	_ =	sdelay $0x1  }
0x50: {  	s0 =	sadd.s32 $0xA000, s31;
	s30 =	sadd.s32 $0x1400, s30  }
0x51: {  	[tilespmem:s22], [sflag:$0x1] =	stream.indirect.gather [spmem:s4], $0x20, s0, s21, $0xb8;
	[tilespmem:$0x1DE20] =	vst v63  }
.LBB2_4:
0x52: {  	_ =	swait.ge [sflag:s19], $0x5000  }
0x53: {  	[sflag:s19] =	ssyncset.done $0x0  }
0x54: {  	[sflag:s19] =	ssyncadd.s32 $0xFFFFB000  }
0x55: {  	[bflag:$0x0] =	sbarrier.arrive $0xFFFF  }
0x56: {  	[hbm:s9@s20], [sflag:s15] =	dma.strided [spmem:s16@s19], $0xA00, s18, $0x4   }
0x57: {  	_ =	swait.ge [sflag:s14], $0xA00  }
0x58: {  	[sflag:s14] =	ssyncset.done $0x0  }
0x59: {  	[sflag:s14] =	ssyncadd.s32 $0xFFFFF600  }
0x5a: {  	[spmem:s16], [sflag:s15] =	dma.local [hbm:s1], $0xA00  }
0x5b: {  	_ =	swait.ge [sflag:s14], $0xA00  }
0x5c: {  	[sflag:s14] =	ssyncset.done $0x0  }
0x5d: {  	[sflag:s14] =	ssyncadd.s32 $0xFFFFF600  }
0x5e: {  	[spmem:s17@s19], [sflag:s15] =	dma.strided [hbm:s10@s20], $0x9C4, s18, $0x4   }
0x5f: {  	_ =	swait.ge [sflag:s14], $0x9C4  }
0x60: {  	[sflag:s14] =	ssyncset.done $0x0  }
0x61: {  	[sflag:s14] =	ssyncadd.s32 $0xFFFFF63C  }
0x62: {  	[bflag:$0x0] =	sbarrier.arrive $0xFFFF  }
0x63: {  	[tilespmem:s22], [sflag:$0x1] =	stream.indirect.gather [spmem:s4], $0x20, s13, s21, $0xb8;
	[tilespmem:$0x1DE20] =	vst v63  }
0x64: {  	_ =	swait.ge [sflag:s18], $0x5000  }
0x65: {  	[sflag:s18] =	ssyncset.done $0x0  }
0x66: {  	[sflag:s18] =	ssyncadd.s32 $0xFFFFB000  }
0x67: {  	[spmem:s2] =	stream.indirect.scatter.add.f32 [tilespmem:s22], [sflag:$0x3], $0x20, s5, s21, $0xb8;
	[tilespmem:$0x1DE20] =	vst v63  }
0x68: {  	_ = 	snop  }
0x69: {  	[tilespmem:s24], [sflag:$0x2] =	stream.indirect.gather [spmem:s4], $0x20, s23, s21, $0xb8;
	[tilespmem:$0x1DE20] =	vst v63  }
0x6a: {  	_ =	swait.ge [sflag:s25], $0x5000  }
0x6b: {  	[sflag:s25] =	ssyncset.done $0x0  }
0x6c: {  	[sflag:s25] =	ssyncadd.s32 $0xFFFFB000  }
0x6d: {  	[spmem:s2] =	stream.indirect.scatter.add.f32 [tilespmem:s24], [sflag:$0x4], $0x20, s21, s21, $0xb8;
	[tilespmem:$0x1DE20] =	vst v63  }
0x6e: {  	_ =	swait.ge [sflag:s26], $0x5000  }
0x6f: {  	[sflag:s26] =	ssyncset.done $0x0  }
0x70: {  	s30 =	simm.s32 $0xFFFEE800;
	[sflag:s26] =	ssyncadd.s32 $0xFFFFB000  }
0x71: {  	[tilespmem:s22], [sflag:$0x1] =	stream.indirect.gather [spmem:s4], $0x20, s28, s21, $0xb8;
	[tilespmem:$0x1DE20] =	vst v63  }
.LBB2_5:
0x72: {  	_ =	swait.ge [sflag:s18], $0x5000  }
0x73: {  	s31 =	sshra.s32 s30, $0x2;
	[sflag:s18] =	ssyncset.done $0x0  }
0x74: {  	s0 =	sadd.s32 $0x4B00, s31;
	[sflag:s18] =	ssyncadd.s32 $0xFFFFB000  }
0x75: {  	[spmem:s2] =	stream.indirect.scatter.add.f32 [tilespmem:s22], [sflag:$0x3], $0x20, s0, s21, $0xb8;
	[tilespmem:$0x1DE20] =	vst v63  }
0x76: {  	_ =	swait.ge [sflag:s19], $0x5000  }
0x77: {  	[sflag:s19] =	ssyncset.done $0x0  }
0x78: {  	s0 =	sadd.s32 $0x9D80, s31;
	[sflag:s19] =	ssyncadd.s32 $0xFFFFB000  }
0x79: {  	[tilespmem:s24], [sflag:$0x2] =	stream.indirect.gather [spmem:s4], $0x20, s0, s21, $0xb8;
	[tilespmem:$0x1DE20] =	vst v63  }
0x7a: {  	_ =	swait.ge [sflag:s25], $0x5000  }
0x7b: {  	p0 =	seq.s32 s30, $0x0;
	[sflag:s25] =	ssyncset.done $0x0  }
.Ltmp4:
0x7c: {  	s0 =	sadd.s32 $0x4D80, s31;
	[sflag:s25] =	ssyncadd.s32 $0xFFFFB000;
	(pc) =	sbr.rel @p0 .LBB2_7-.Ltmp4, $4  }
0x7d: {  	[spmem:s2] =	stream.indirect.scatter.add.f32 [tilespmem:s24], [sflag:$0x4], $0x20, s0, s21, $0xb8;
	[tilespmem:$0x1DE20] =	vst v63  }
0x7e: {  	_ =	swait.ge [sflag:s26], $0x5000  }
0x7f: {  	[sflag:s26] =	ssyncset.done $0x0  }
0x80: {  	[sflag:s26] =	ssyncadd.s32 $0xFFFFB000  }
.Ltmp5:
0x81: {  	(pc) =	sbr.rel .LBB2_5-.Ltmp5, $3  }
0x82: {  	_ =	sdelay $0x1  }
0x83: {  	s0 =	sadd.s32 $0xA000, s31;
	s30 =	sadd.s32 $0x1400, s30  }
0x84: {  	[tilespmem:s22], [sflag:$0x1] =	stream.indirect.gather [spmem:s4], $0x20, s0, s21, $0xb8;
	[tilespmem:$0x1DE20] =	vst v63  }
.LBB2_8:
0x85: {  	_ =	sfence.sel $0x180000  }
0x86: {  	[bflag:$0x0] =	sbarrier.arrive $0xFFFF  }
0x87: {  	_ =	strace $0x9000004A  }
0x88: {  	[bflag:$0x2] =	sbarrier.arrive $0xFFFF  }
0x89: {  	p0 =	sne.s32 s3, $0x0;
	s0 =	rddreg [dreg:$0x4]  }
0x8a: {  	s0 =	sadd.s32 @!p0 $0x100000, s0  }
0x8b: {  	[sflag:s0] =	ssyncadd.tile.s32 @!p0 $0x1;
	_ =	shalt  }
.Lfunc_end2:
_tile_overlayer_lowered:
.L_overlay_start_2:
0x8c: {  	(tag) =	ssettag $0x2  }
0x8d: {  	s0 =	rddreg [dreg:$0x0];
	s2 =	stileid.u32  }
0x8e: {  	s1 =	rddreg [dreg:$0x1];
	p0 =	sne.s32 s2, $0x0  }
0x8f: {  	s3 =	rddreg [dreg:$0x2];
	[bflag:$0x3] =	sbarrier.arrive $0xFFFF;
	s2 =	simm.s32 @!p0 $0x1C05  }
0x90: {  	[timem:s3], [sflag:s2] =	dma.local @!p0 [hbm:s0], s1  }
0x91: {  	s0 =	simm.s32 @!p0 $0x5  }
0x92: {  	_ =	swait.ge @!p0 [sflag:s0], s1  }
0x93: {  	s1 =	ssub.s32 @!p0 $0x0, s1;
	[sflag:s0] =	ssyncset.done @!p0 $0x0  }
0x94: {  	[sflag:s0] =	ssyncadd.s32 @!p0 s1  }
0x95: {  	[bflag:$0x3] =	sbarrier.arrive $0xFFFF  }
0x96: {  	_ =	shalt  }

// kernel: kernel.14.cloned.1.call-start
scs
__scs_entry_jumppad:
0x0: {  	(pc) =	sbr.rel $0x88, $3  }
0x1: {  	(tag) =	ssettag $0x0;
	lr =	simm.s32 $0x1  }
0x2: {  	[smem:$0x3F97] =	sst lr;
	_ =	strace $0xD0000000  }
0x3: {  	_ = 	snop  }
0x4: {  	_ = 	snop  }
0x5: {  	_ = 	snop  }
0x6: {  	_ = 	snop  }
0x7: {  	_ = 	snop  }
__scs_overlays_trampoline_lowered:
0x8: {  	[smem:$0x3FA6] =	sst s0  }
0x9: {  	[smem:$0x3FA7] =	sst s1  }
0xa: {  	[smem:$0x3FA8] =	sst s2  }
0xb: {  	[smem:$0x3FA9] =	sst s3  }
0xc: {  	[smem:$0x3FAA] =	sst s4  }
0xd: {  	[smem:$0x3FAB] =	sst s5  }
0xe: {  	[smem:$0x3FAC] =	sst s6  }
0xf: {  	[smem:$0x3FAD] =	sst s7  }
0x10: {  	[smem:$0x3FAE] =	sst s8  }
0x11: {  	[smem:$0x3FAF] =	sst s9;
	s0 =	simm.s32 @!p0 $0x0  }
0x12: {  	s1 =	sld [smem:$0x3F95];
	s0 =	simm.s32 @p0 $0x1  }
0x13: {  	[smem:$0x3FB0] =	sst s0;
	s0 =	simm.s32 @!p1 $0x0  }
0x14: {  	s2 =	sld [smem:$0x3F94];
	s0 =	simm.s32 @p1 $0x1  }
0x15: {  	[smem:$0x3FB1] =	sst s0;
	s0 =	simm.s32 @!p2 $0x0  }
0x16: {  	s3 =	sld [smem:$0x3FDB];
	s0 =	simm.s32 @p2 $0x1  }
0x17: {  	s4 =	simm.s32 $0x1BF5;
	[smem:$0x3FB3] =	sst s0  }
0x18: {  	s0 =	sld [smem:$0x3F96];
	_ =	swait.ge [sflag:s4], $0x0  }
0x19: {  	s7 =	sld [smem:$0x3F97]  }
0x1a: {  	s8 =	sadd.s32 $0xFFFFE003, lr  }
0x1b: {  	s9 =	sadd.s32 $0xFFFFFEF7, lr;
	s5 =	simm.s32 $0xFFFFFFFF;
	p2 =	slt.u32 s8, $0xFFFFF086  }
0x1c: {  	p1 =	slt.u32 s9, $0xF7A;
	s5 =	simm.s32 @!p2 $0x0  }
0x1d: {  	s5 =	simm.s32 @p1 $0x1;
	p0 =	seq.s32 s7, s2  }
0x1e: {  	s7 =	smul.u32 @!p0 $0xF7A, s2;
	p2 =	seq.s32 @!p0 s5, $0x0  }
0x1f: {  	s9 =	smul.u32 $0xF7A, s1;
	s8 =	simm.s32 @!p0 $0x1BF5;
	p2 =	por !p2, p0  }
0x20: {  	[sflag:s8] =	ssyncset.s32 @!p0 $0xFFFFF086;
	s6 =	sadd.s32 @!p0 s3, s7;
	s7 =	simm.s32 @!p0 $0x108  }
0x21: {  	s3 =	sadd.s32 s3, s9;
	s6 =	sadd.s32 @!p0 $0x88, s6;
	s7 =	simm.s32 @p2 $0x1082  }
0x22: {  	[simem:s7], [sflag:s8] =	dma.local @!p0 [hbm:s6], $0xF7A  }
0x23: {  	s9 =	sor.u32 $0xD0000000, s2;
	s6 =	simm.s32 $0x108;
	_ =	swait.ge @!p0 [sflag:s8], $0x0  }
0x24: {  	s3 =	sadd.s32 $0x88, s3;
	s6 =	simm.s32 @!p1 $0x1082;
	[sflag:s4] =	ssyncset.s32 $0xFFFFF086  }
0x25: {  	[simem:s6], [sflag:s4] =	dma.local [hbm:s3], $0xF7A  }
0x26: {  	[smem:$0x3F97] =	sst s1;
	(tag) =	ssettag s2;
	_ =	strace s9  }
0x27: {  	s1 =	sld [smem:$0x3FA7]  }
0x28: {  	s2 =	sld [smem:$0x3FA8]  }
0x29: {  	s4 =	sld [smem:$0x3FAA]  }
0x2a: {  	p0 =	seq.s32 s5, $0x0;
	s5 =	sld [smem:$0x3FAB]  }
0x2b: {  	s6 =	sld [smem:$0x3FAC]  }
0x2c: {  	s7 =	sld [smem:$0x3FAD]  }
0x2d: {  	s3 =	simm.s32 $0x108;
	s8 =	sld [smem:$0x3FAE]  }
0x2e: {  	s3 =	simm.s32 @!p0 $0x1082;
	s9 =	sld [smem:$0x3FAF]  }
0x2f: {  	lr =	sadd.s32 s0, s3;
	s0 =	sld [smem:$0x3FA6]  }
0x30: {  	s3 =	sld [smem:$0x3FA9]  }
0x31: {  	[smem:$0x3FB2] =	sst s10  }
0x32: {  	s10 =	sld [smem:$0x3FB0];
	_ =	sdelay $0x3  }
0x33: {  	p0 =	seq.s32 s10, $0x1;
	s10 =	sld [smem:$0x3FB2];
	_ =	sdelay $0x3  }
0x34: {  	[smem:$0x3FB2] =	sst s10  }
0x35: {  	s10 =	sld [smem:$0x3FB1];
	_ =	sdelay $0x3  }
0x36: {  	p1 =	seq.s32 s10, $0x1;
	s10 =	sld [smem:$0x3FB2];
	_ =	sdelay $0x3  }
0x37: {  	[smem:$0x3FB2] =	sst s10  }
0x38: {  	s10 =	sld [smem:$0x3FB3]  }
0x39: {  	_ = 	snop;
	(pc) =	sbr.ind lr, $3  }
0x3a: {  	_ = 	snop  }
0x3b: {  	_ = 	snop  }
0x3c: {  	p2 =	seq.s32 s10, $0x1;
	s10 =	sld [smem:$0x3FB2]  }
0x3d: {  	_ =	shalt  }
0x3e: {  	_ =	shalt  }
0x3f: {  	_ =	shalt  }
0x40: {  	_ =	shalt  }
0x41: {  	_ =	shalt  }
0x42: {  	_ =	shalt  }
0x43: {  	_ =	shalt  }
0x44: {  	_ =	shalt  }
0x45: {  	_ =	shalt  }
0x46: {  	_ =	shalt  }
0x47: {  	_ =	shalt  }
0x48: {  	_ =	shalt  }
0x49: {  	_ =	shalt  }
0x4a: {  	_ =	shalt  }
0x4b: {  	_ =	shalt  }
0x4c: {  	_ =	shalt  }
0x4d: {  	_ =	shalt  }
0x4e: {  	_ =	shalt  }
0x4f: {  	_ =	shalt  }
0x50: {  	_ =	shalt  }
0x51: {  	_ =	shalt  }
0x52: {  	_ =	shalt  }
0x53: {  	_ =	shalt  }
0x54: {  	_ =	shalt  }
0x55: {  	_ =	shalt  }
0x56: {  	_ =	shalt  }
0x57: {  	_ =	shalt  }
0x58: {  	_ =	shalt  }
0x59: {  	_ =	shalt  }
0x5a: {  	_ =	shalt  }
0x5b: {  	_ =	shalt  }
0x5c: {  	_ =	shalt  }
0x5d: {  	_ =	shalt  }
0x5e: {  	_ =	shalt  }
0x5f: {  	_ =	shalt  }
0x60: {  	_ =	shalt  }
0x61: {  	_ =	shalt  }
0x62: {  	_ =	shalt  }
0x63: {  	_ =	shalt  }
0x64: {  	_ =	shalt  }
0x65: {  	_ =	shalt  }
0x66: {  	_ =	shalt  }
0x67: {  	_ =	shalt  }
0x68: {  	_ =	shalt  }
0x69: {  	_ =	shalt  }
0x6a: {  	_ =	shalt  }
0x6b: {  	_ =	shalt  }
0x6c: {  	_ =	shalt  }
0x6d: {  	_ =	shalt  }
0x6e: {  	_ =	shalt  }
0x6f: {  	_ =	shalt  }
0x70: {  	_ =	shalt  }
0x71: {  	_ =	shalt  }
0x72: {  	_ =	shalt  }
0x73: {  	_ =	shalt  }
0x74: {  	_ =	shalt  }
0x75: {  	_ =	shalt  }
0x76: {  	_ =	shalt  }
0x77: {  	_ =	shalt  }
0x78: {  	_ =	shalt  }
0x79: {  	_ =	shalt  }
0x7a: {  	_ =	shalt  }
0x7b: {  	_ =	shalt  }
0x7c: {  	_ =	shalt  }
0x7d: {  	_ =	shalt  }
0x7e: {  	_ =	shalt  }
0x7f: {  	_ =	shalt  }
0x80: {  	_ =	shalt  }
0x81: {  	_ =	shalt  }
0x82: {  	_ =	shalt  }
0x83: {  	_ =	shalt  }
0x84: {  	_ =	shalt  }
0x85: {  	_ =	shalt  }
0x86: {  	_ =	shalt  }
0x87: {  	_ =	shalt  }
.Lfunc_end0:
.L_simem_size_0:
called_computation.2_lowered:
.L_overlay_start_0:
0x88: {  	s2 =	sld [smem:$0x3FD9]  }
0x89: {  	s3 =	sld [smem:$0x3FFE];
	_ =	sdelay $0x1  }
0x8a: {  	s1 =	srdreg.scid  }
0x8b: {  	s0 =	sand.u32 $0x1, s1  }
0x8c: {  	s17 =	sshll.u32 s0, $0xA;
	s2 =	sadd.s32 s3, s2  }
0x8d: {  	s2 =	sadd.s32 s2, s17  }
0x8e: {  	[smem:$0x3FBE] =	sst s2  }
0x8f: {  	_ = 	snop  }
0x90: {  	s2 =	sld [smem:$0x3FD0];
	(tm) =	ssettm $0x1  }
0x91: {  	s18 =	sld [smem:$0x3FFB];
	_ =	sdelay $0x3  }
0x92: {  	_ =	strace s18  }
0x93: {  	s3 =	sld [smem:$0x3FFC];
	_ =	sdelay $0x3  }
0x94: {  	_ =	strace s3  }
0x95: {  	s3 =	sld [smem:$0x3FFD];
	_ =	sdelay $0x3  }
0x96: {  	_ =	strace s3  }
0x97: {  	_ =	strace $0x8FFFFFFF  }
0x98: {  	s19 =	sld [smem:$0x3FDB];
	_ =	sdelay $0x1  }
0x99: {  	s4 =	simm.s32 $_scs_section_size  }
0x9a: {  	s5 =	simm.s32 $_size__tile_overlayer_lowered;
	s6 =	simm.s32 $_tile_overlayer_lowered  }
0x9b: {  	s22 =	simm.s32 $0x1BFF;
	s21 =	sshll.u32 s6, $0x1;
	s3 =	sadd.s32 s4, s19  }
0x9c: {  	s7 =	simm.s32 $0x0;
	s20 =	sshll.u32 s5, $0x1;
	s5 =	sadd.s32 s21, s3  }
0x9d: {  	[timem:s7], [sflag:s22] =	dma.local [hbm:s5], s20  }
0x9e: {  	_ =	swait.ge [sflag:s22], s20  }
0x9f: {  	s4 =	ssub.s32 $0x0, s20;
	[sflag:s22] =	ssyncset.done $0x0  }
0xa0: {  	[sflag:s22] =	ssyncadd.s32 s4;
	_ =	sdelay $0x1  }
0xa1: {  	s23 =	simm.s32 $0x1B8B  }
0xa2: {  	_ =	swait.ge [sflag:s23], $0x1  }
0xa3: {  	[sflag:s23] =	ssyncset.done $0x0  }
0xa4: {  	s25 =	simm.s32 $0x1B8E;
	s24 =	sld [smem:$0x3FFE];
	[sflag:s23] =	ssyncadd.s32 $0xFFFFFFFF  }
0xa5: {  	s26 =	simm.s32 $execute0_lowered;
	[smem:$0x3FD2] =	sst s25  }
0xa6: {  	s5 =	sshll.u32 s26, $0x1;
	_ =	strace $0x8000004C;
	[dreg:$0x1] =	wrdreg $0xFFFFFFFF  }
0xa7: {  	s28 =	simm.s32 $_size_execute0_lowered;
	s3 =	sadd.s32 s3, s5;
	[dreg:$0x0] =	wrdreg $0x0  }
0xa8: {  	s5 =	sshll.u32 s28, $0x1;
	[dreg:$0x2] =	wrdreg s3  }
0xa9: {  	[dreg:$0x3] =	wrdreg s5  }
0xaa: {  	[dreg:$0x4] =	wrdreg $0xC0  }
0xab: {  	_ =	task [dreg:s7], $0x5FFFF  }
0xac: {  	[dreg:$0x1] =	wrdreg $0xFFFFFFFF  }
0xad: {  	[dreg:$0x0] =	wrdreg $0x60  }
0xae: {  	[dreg:$0x2] =	wrdreg s24  }
0xaf: {  	[dreg:$0x3] =	wrdreg s2  }
0xb0: {  	[dreg:$0x4] =	wrdreg $0x18E200  }
0xb1: {  	[dreg:$0x5] =	wrdreg $0x140000  }
0xb2: {  	[dreg:$0x6] =	wrdreg $0x9  }
0xb3: {  	_ =	task.clear_ibuf [dreg:s7], $0x7FFFF;
	_ =	strace $0x9000004C  }
0xb4: {  	s29 =	simm.s32 $0x9;
	_ =	strace $0x8000004E  }
0xb5: {  	_ =	swait.ge [sflag:s29], $0x1  }
0xb6: {  	[sflag:s29] =	ssyncadd.s32 $0xFFFFFFFF  }
0xb7: {  	_ =	strace $0x9000004E  }
0xb8: {  	_ =	sfence  }
0xb9: {  	s30 =	sld [smem:$0x0];
	_ =	sdelay $0x2  }
0xba: {  	s31 =	sshll.u32 s1, $0xD;
	s1 =	sshrl.u32 s1, $0x2  }
0xbb: {  	s3 =	sand.u32 $0x4000, s31;
	s1 =	sadd.s32 s1, s30  }
0xbc: {  	s0 =	sor.u32 s3, s0;
	s1 =	sshll.u32 s1, $0x11  }
0xbd: {  	s0 =	sor.u32 s1, s0  }
0xbe: {  	s0 =	sadd.s32 $0x8F2B, s0  }
0xbf: {  	[sflag:s0] =	ssyncadd.remote.s32 $0x1  }
0xc0: {  	_ =	sfence.sel $0xFFFF  }
0xc1: {  	[dreg:$0x0] =	wrdreg $0xFFFFFFFF;
	(pc) =	sbr.abs _section_cstart, $3  }
0xc2: {  	[dreg:$0x1] =	wrdreg $0xFFFFFFFF  }
0xc3: {  	_ =	task.clear_ibuf [dreg:s7], $0x2FFFF;
	_ =	strace $0x9FFFFFFF  }
0xc4: {  	(tm) =	ssettm $0x7FFFFFFF  }
0xc5: {  	_ =	shalt  }
tec
execute0_lowered:
.L_overlay_start_1:
0x0: {  	(tag) =	ssettag $0x1  }
0x1: {  	s6 =	rddreg [dreg:$0x0]  }
0x2: {  	s1 =	rddreg [dreg:$0x1]  }
0x3: {  	s2 =	rddreg [dreg:$0x2]  }
0x4: {  	s4 =	rddreg [dreg:$0x3]  }
0x5: {  	s5 =	simm.s32 $0x0;
	s3 =	stileid.u32;
	s8 =	srdreg.scid  }
0x6: {  	s18 =	simm.s32 $0x1;
	s19 =	simm.s32 $0x4;
	s20 =	simm.s32 $0x10  }
0x7: {  	s21 =	simm.s32 $0x280;
	s22 =	simm.s32 $0xA000;
	s28 =	simm.s32 $0x5500  }
0x8: {  	s29 =	simm.s32 $0x0;
	[smem:$0x7FF] =	sst s5;
	s7 =	smul.u32 $0xA00, s3  }
0x9: {  	s10 =	sadd.s32 $0x20600, s6;
	s8 =	sand.u32 $0x1, s8;
	s11 =	smul.u32 $0x14000, s3  }
0xa: {  	s12 =	sadd.s32 $0x47800, s6;
	s13 =	smul.u32 $0x13880, s3;
	s31 =	sshll.u32 s3, $0x6  }
0xb: {  	_ =	strace $0x8000004D;
	s9 =	ssub.s32 $0x2, s8;
	s24 =	sshll.u32 s8, $0x6  }
0xc: {  	s7 =	sadd.s32 s7, s6;
	s23 =	sshrl.u32 s9, $0x1;
	s25 =	sshrl.u32 s11, $0x2  }
0xd: {  	s15 =	sor.u32 s24, s13;
	s26 =	sshrl.u32 s13, $0x2;
	s30 =	sor.u32 $0x20, s24  }
0xe: {  	s14 =	ssub.s32 s9, s23;
	s6 =	sadd.s32 $0x16600, s7;
	s7 =	sadd.s32 $0x2600, s7  }
0xf: {  	s16 =	sadd.s32 s25, s2;
	s15 =	sshrl.u32 s15, $0x3;
	s17 =	sadd.s32 s26, s4  }
0x10: {  	s9 =	sor.u32 s24, s11;
	s13 =	sor.u32 s13, s30;
	s11 =	sor.u32 s11, s30  }
0x11: {  	s23 =	simm.s32 $0x5280;
	s24 =	simm.s32 $0xF000;
	s25 =	simm.s32 $0x2  }
.Ltmp0:
0x12: {  	s26 =	simm.s32 $0x3;
	s8 =	sadd.s32 s10, s15;
	(pc) =	sbr.rel .LBB2_1-.Ltmp0, $4  }
0x13: {  	s9 =	sshrl.u32 s9, $0x3;
	s13 =	sshrl.u32 s13, $0x3;
	s11 =	sshrl.u32 s11, $0x3  }
0x14: {  	s15 =	sor.u32 $0x1C05, s31;
	s16 =	sshrl.u32 s16, $0x3;
	s17 =	sshrl.u32 s17, $0x3  }
0x15: {  	s9 =	sadd.s32 s12, s9;
	s10 =	sadd.s32 s10, s13;
	s11 =	sadd.s32 s12, s11  }
0x16: {  	s12 =	smax.u32 s14, $0x1;
	s13 =	simm.s32 $0x5000;
	s14 =	simm.s32 $0x5  }
.LBB2_7:
0x17: {  	_ =	swait.ge [sflag:s19], $0x5000  }
0x18: {  	s29 =	sadd.s32 $0x1, s29;
	[sflag:s19] =	ssyncset.done $0x0  }
0x19: {  	p0 =	sne.s32 s29, s12;
	[sflag:s19] =	ssyncadd.s32 $0xFFFFB000  }
.Ltmp1:
0x1a: {  	[bflag:$0x0] =	sbarrier.arrive $0xFFFF;
	(pc) =	sbr.rel @!p0 .LBB2_8-.Ltmp1, $4  }
0x1b: {  	[hbm:s11@s20], [sflag:s15] =	dma.strided [spmem:s16@s19], $0xA00, s18, $0x4   }
0x1c: {  	_ =	swait.ge [sflag:s14], $0xA00  }
0x1d: {  	[sflag:s14] =	ssyncset.done $0x0  }
0x1e: {  	[sflag:s14] =	ssyncadd.s32 $0xFFFFF600  }
.LBB2_1:
0x1f: {  	[tilespmem:s13], [sflag:$0x5] =	stream.linear.gather [hbm4b:s6+s5], $0x5000, $0x38;
	[tilespmem:$0x1DE20] =	vst v63  }
0x20: {  	_ =	swait.ge [sflag:s14], $0x5000  }
0x21: {  	[sflag:s14] =	ssyncset.done $0x0  }
0x22: {  	[sflag:s14] =	ssyncadd.s32 $0xFFFFB000  }
0x23: {  	[tilespmem:s5], [sflag:$0x5] =	stream.linear.gather [hbm4b:s7+s5], $0x5000, $0x38;
	[tilespmem:$0x1DE20] =	vst v63  }
0x24: {  	_ =	swait.ge [sflag:s14], $0x5000  }
0x25: {  	[sflag:s14] =	ssyncset.done $0x0  }
0x26: {  	[sflag:s14] =	ssyncadd.s32 $0xFFFFB000  }
0x27: {  	[spmem:s16], [sflag:s15] =	dma.local [hbm:s1], $0xA00  }
0x28: {  	_ =	swait.ge [sflag:s14], $0xA00  }
0x29: {  	[sflag:s14] =	ssyncset.done $0x0  }
0x2a: {  	[sflag:s14] =	ssyncadd.s32 $0xFFFFF600  }
0x2b: {  	[spmem:s17@s19], [sflag:s15] =	dma.strided [hbm:s8@s20], $0x9C4, s18, $0x4   }
0x2c: {  	_ =	swait.ge [sflag:s14], $0x9C4  }
0x2d: {  	[sflag:s14] =	ssyncset.done $0x0  }
0x2e: {  	[sflag:s14] =	ssyncadd.s32 $0xFFFFF63C  }
0x2f: {  	[bflag:$0x0] =	sbarrier.arrive $0xFFFF  }
0x30: {  	[tilespmem:s22], [sflag:$0x1] =	stream.indirect.gather [spmem:s4], $0x20, s13, s21, $0xb8;
	[tilespmem:$0x1DE20] =	vst v63  }
0x31: {  	_ =	swait.ge [sflag:s18], $0x5000  }
0x32: {  	[sflag:s18] =	ssyncset.done $0x0  }
0x33: {  	[sflag:s18] =	ssyncadd.s32 $0xFFFFB000  }
0x34: {  	[spmem:s2] =	stream.indirect.scatter.add.f32 [tilespmem:s22], [sflag:$0x3], $0x20, s5, s21, $0xb8;
	[tilespmem:$0x1DE20] =	vst v63  }
0x35: {  	_ = 	snop  }
0x36: {  	[tilespmem:s24], [sflag:$0x2] =	stream.indirect.gather [spmem:s4], $0x20, s23, s21, $0xb8;
	[tilespmem:$0x1DE20] =	vst v63  }
0x37: {  	_ =	swait.ge [sflag:s25], $0x5000  }
0x38: {  	[sflag:s25] =	ssyncset.done $0x0  }
0x39: {  	[sflag:s25] =	ssyncadd.s32 $0xFFFFB000  }
0x3a: {  	[spmem:s2] =	stream.indirect.scatter.add.f32 [tilespmem:s24], [sflag:$0x4], $0x20, s21, s21, $0xb8;
	[tilespmem:$0x1DE20] =	vst v63  }
0x3b: {  	_ =	swait.ge [sflag:s26], $0x5000  }
0x3c: {  	[sflag:s26] =	ssyncset.done $0x0  }
0x3d: {  	s30 =	simm.s32 $0xFFFEE800;
	[sflag:s26] =	ssyncadd.s32 $0xFFFFB000  }
0x3e: {  	[tilespmem:s22], [sflag:$0x1] =	stream.indirect.gather [spmem:s4], $0x20, s28, s21, $0xb8;
	[tilespmem:$0x1DE20] =	vst v63  }
.LBB2_2:
0x3f: {  	_ =	swait.ge [sflag:s18], $0x5000  }
0x40: {  	s31 =	sshra.s32 s30, $0x2;
	[sflag:s18] =	ssyncset.done $0x0  }
0x41: {  	s0 =	sadd.s32 $0x4B00, s31;
	[sflag:s18] =	ssyncadd.s32 $0xFFFFB000  }
0x42: {  	[spmem:s2] =	stream.indirect.scatter.add.f32 [tilespmem:s22], [sflag:$0x3], $0x20, s0, s21, $0xb8;
	[tilespmem:$0x1DE20] =	vst v63  }
0x43: {  	_ =	swait.ge [sflag:s19], $0x5000  }
0x44: {  	[sflag:s19] =	ssyncset.done $0x0  }
0x45: {  	s0 =	sadd.s32 $0x9D80, s31;
	[sflag:s19] =	ssyncadd.s32 $0xFFFFB000  }
0x46: {  	[tilespmem:s24], [sflag:$0x2] =	stream.indirect.gather [spmem:s4], $0x20, s0, s21, $0xb8;
	[tilespmem:$0x1DE20] =	vst v63  }
0x47: {  	_ =	swait.ge [sflag:s25], $0x5000  }
0x48: {  	p0 =	seq.s32 s30, $0x0;
	[sflag:s25] =	ssyncset.done $0x0  }
.Ltmp2:
0x49: {  	s0 =	sadd.s32 $0x4D80, s31;
	[sflag:s25] =	ssyncadd.s32 $0xFFFFB000;
	(pc) =	sbr.rel @p0 .LBB2_4-.Ltmp2, $4  }
0x4a: {  	[spmem:s2] =	stream.indirect.scatter.add.f32 [tilespmem:s24], [sflag:$0x4], $0x20, s0, s21, $0xb8;
	[tilespmem:$0x1DE20] =	vst v63  }
0x4b: {  	_ =	swait.ge [sflag:s26], $0x5000  }
0x4c: {  	[sflag:s26] =	ssyncset.done $0x0  }
0x4d: {  	[sflag:s26] =	ssyncadd.s32 $0xFFFFB000  }
.Ltmp3:
0x4e: {  	(pc) =	sbr.rel .LBB2_2-.Ltmp3, $3  }
0x4f: {  	_ =	sdelay $0x1  }
0x50: {  	s0 =	sadd.s32 $0xA000, s31;
	s30 =	sadd.s32 $0x1400, s30  }
0x51: {  	[tilespmem:s22], [sflag:$0x1] =	stream.indirect.gather [spmem:s4], $0x20, s0, s21, $0xb8;
	[tilespmem:$0x1DE20] =	vst v63  }
.LBB2_4:
0x52: {  	_ =	swait.ge [sflag:s19], $0x5000  }
0x53: {  	[sflag:s19] =	ssyncset.done $0x0  }
0x54: {  	[sflag:s19] =	ssyncadd.s32 $0xFFFFB000  }
0x55: {  	[bflag:$0x0] =	sbarrier.arrive $0xFFFF  }
0x56: {  	[hbm:s9@s20], [sflag:s15] =	dma.strided [spmem:s16@s19], $0xA00, s18, $0x4   }
0x57: {  	_ =	swait.ge [sflag:s14], $0xA00  }
0x58: {  	[sflag:s14] =	ssyncset.done $0x0  }
0x59: {  	[sflag:s14] =	ssyncadd.s32 $0xFFFFF600  }
0x5a: {  	[spmem:s16], [sflag:s15] =	dma.local [hbm:s1], $0xA00  }
0x5b: {  	_ =	swait.ge [sflag:s14], $0xA00  }
0x5c: {  	[sflag:s14] =	ssyncset.done $0x0  }
0x5d: {  	[sflag:s14] =	ssyncadd.s32 $0xFFFFF600  }
0x5e: {  	[spmem:s17@s19], [sflag:s15] =	dma.strided [hbm:s10@s20], $0x9C4, s18, $0x4   }
0x5f: {  	_ =	swait.ge [sflag:s14], $0x9C4  }
0x60: {  	[sflag:s14] =	ssyncset.done $0x0  }
0x61: {  	[sflag:s14] =	ssyncadd.s32 $0xFFFFF63C  }
0x62: {  	[bflag:$0x0] =	sbarrier.arrive $0xFFFF  }
0x63: {  	[tilespmem:s22], [sflag:$0x1] =	stream.indirect.gather [spmem:s4], $0x20, s13, s21, $0xb8;
	[tilespmem:$0x1DE20] =	vst v63  }
0x64: {  	_ =	swait.ge [sflag:s18], $0x5000  }
0x65: {  	[sflag:s18] =	ssyncset.done $0x0  }
0x66: {  	[sflag:s18] =	ssyncadd.s32 $0xFFFFB000  }
0x67: {  	[spmem:s2] =	stream.indirect.scatter.add.f32 [tilespmem:s22], [sflag:$0x3], $0x20, s5, s21, $0xb8;
	[tilespmem:$0x1DE20] =	vst v63  }
0x68: {  	_ = 	snop  }
0x69: {  	[tilespmem:s24], [sflag:$0x2] =	stream.indirect.gather [spmem:s4], $0x20, s23, s21, $0xb8;
	[tilespmem:$0x1DE20] =	vst v63  }
0x6a: {  	_ =	swait.ge [sflag:s25], $0x5000  }
0x6b: {  	[sflag:s25] =	ssyncset.done $0x0  }
0x6c: {  	[sflag:s25] =	ssyncadd.s32 $0xFFFFB000  }
0x6d: {  	[spmem:s2] =	stream.indirect.scatter.add.f32 [tilespmem:s24], [sflag:$0x4], $0x20, s21, s21, $0xb8;
	[tilespmem:$0x1DE20] =	vst v63  }
0x6e: {  	_ =	swait.ge [sflag:s26], $0x5000  }
0x6f: {  	[sflag:s26] =	ssyncset.done $0x0  }
0x70: {  	s30 =	simm.s32 $0xFFFEE800;
	[sflag:s26] =	ssyncadd.s32 $0xFFFFB000  }
0x71: {  	[tilespmem:s22], [sflag:$0x1] =	stream.indirect.gather [spmem:s4], $0x20, s28, s21, $0xb8;
	[tilespmem:$0x1DE20] =	vst v63  }
.LBB2_5:
0x72: {  	_ =	swait.ge [sflag:s18], $0x5000  }
0x73: {  	s31 =	sshra.s32 s30, $0x2;
	[sflag:s18] =	ssyncset.done $0x0  }
0x74: {  	s0 =	sadd.s32 $0x4B00, s31;
	[sflag:s18] =	ssyncadd.s32 $0xFFFFB000  }
0x75: {  	[spmem:s2] =	stream.indirect.scatter.add.f32 [tilespmem:s22], [sflag:$0x3], $0x20, s0, s21, $0xb8;
	[tilespmem:$0x1DE20] =	vst v63  }
0x76: {  	_ =	swait.ge [sflag:s19], $0x5000  }
0x77: {  	[sflag:s19] =	ssyncset.done $0x0  }
0x78: {  	s0 =	sadd.s32 $0x9D80, s31;
	[sflag:s19] =	ssyncadd.s32 $0xFFFFB000  }
0x79: {  	[tilespmem:s24], [sflag:$0x2] =	stream.indirect.gather [spmem:s4], $0x20, s0, s21, $0xb8;
	[tilespmem:$0x1DE20] =	vst v63  }
0x7a: {  	_ =	swait.ge [sflag:s25], $0x5000  }
0x7b: {  	p0 =	seq.s32 s30, $0x0;
	[sflag:s25] =	ssyncset.done $0x0  }
.Ltmp4:
0x7c: {  	s0 =	sadd.s32 $0x4D80, s31;
	[sflag:s25] =	ssyncadd.s32 $0xFFFFB000;
	(pc) =	sbr.rel @p0 .LBB2_7-.Ltmp4, $4  }
0x7d: {  	[spmem:s2] =	stream.indirect.scatter.add.f32 [tilespmem:s24], [sflag:$0x4], $0x20, s0, s21, $0xb8;
	[tilespmem:$0x1DE20] =	vst v63  }
0x7e: {  	_ =	swait.ge [sflag:s26], $0x5000  }
0x7f: {  	[sflag:s26] =	ssyncset.done $0x0  }
0x80: {  	[sflag:s26] =	ssyncadd.s32 $0xFFFFB000  }
.Ltmp5:
0x81: {  	(pc) =	sbr.rel .LBB2_5-.Ltmp5, $3  }
0x82: {  	_ =	sdelay $0x1  }
0x83: {  	s0 =	sadd.s32 $0xA000, s31;
	s30 =	sadd.s32 $0x1400, s30  }
0x84: {  	[tilespmem:s22], [sflag:$0x1] =	stream.indirect.gather [spmem:s4], $0x20, s0, s21, $0xb8;
	[tilespmem:$0x1DE20] =	vst v63  }
.LBB2_8:
0x85: {  	_ =	sfence.sel $0x180000  }
0x86: {  	[bflag:$0x0] =	sbarrier.arrive $0xFFFF  }
0x87: {  	_ =	strace $0x9000004D  }
0x88: {  	[bflag:$0x2] =	sbarrier.arrive $0xFFFF  }
0x89: {  	p0 =	sne.s32 s3, $0x0;
	s0 =	rddreg [dreg:$0x4]  }
0x8a: {  	s0 =	sadd.s32 @!p0 $0x100000, s0  }
0x8b: {  	[sflag:s0] =	ssyncadd.tile.s32 @!p0 $0x1;
	_ =	shalt  }
.Lfunc_end2:
_tile_overlayer_lowered:
.L_overlay_start_2:
0x8c: {  	(tag) =	ssettag $0x2  }
0x8d: {  	s0 =	rddreg [dreg:$0x0];
	s2 =	stileid.u32  }
0x8e: {  	s1 =	rddreg [dreg:$0x1];
	p0 =	sne.s32 s2, $0x0  }
0x8f: {  	s3 =	rddreg [dreg:$0x2];
	[bflag:$0x3] =	sbarrier.arrive $0xFFFF;
	s2 =	simm.s32 @!p0 $0x1C05  }
0x90: {  	[timem:s3], [sflag:s2] =	dma.local @!p0 [hbm:s0], s1  }
0x91: {  	s0 =	simm.s32 @!p0 $0x5  }
0x92: {  	_ =	swait.ge @!p0 [sflag:s0], s1  }
0x93: {  	s1 =	ssub.s32 @!p0 $0x0, s1;
	[sflag:s0] =	ssyncset.done @!p0 $0x0  }
0x94: {  	[sflag:s0] =	ssyncadd.s32 @!p0 s1  }
0x95: {  	[bflag:$0x3] =	sbarrier.arrive $0xFFFF  }
0x96: {  	_ =	shalt  }

// kernel: kernel.8.cloned.1.call-start
scs
__scs_entry_jumppad:
0x0: {  	(pc) =	sbr.rel $0x88, $3  }
0x1: {  	(tag) =	ssettag $0x0;
	lr =	simm.s32 $0x1  }
0x2: {  	[smem:$0x3F97] =	sst lr;
	_ =	strace $0xD0000000  }
0x3: {  	_ = 	snop  }
0x4: {  	_ = 	snop  }
0x5: {  	_ = 	snop  }
0x6: {  	_ = 	snop  }
0x7: {  	_ = 	snop  }
__scs_overlays_trampoline_lowered:
0x8: {  	[smem:$0x3FA6] =	sst s0  }
0x9: {  	[smem:$0x3FA7] =	sst s1  }
0xa: {  	[smem:$0x3FA8] =	sst s2  }
0xb: {  	[smem:$0x3FA9] =	sst s3  }
0xc: {  	[smem:$0x3FAA] =	sst s4  }
0xd: {  	[smem:$0x3FAB] =	sst s5  }
0xe: {  	[smem:$0x3FAC] =	sst s6  }
0xf: {  	[smem:$0x3FAD] =	sst s7  }
0x10: {  	[smem:$0x3FAE] =	sst s8  }
0x11: {  	[smem:$0x3FAF] =	sst s9;
	s0 =	simm.s32 @!p0 $0x0  }
0x12: {  	s1 =	sld [smem:$0x3F95];
	s0 =	simm.s32 @p0 $0x1  }
0x13: {  	[smem:$0x3FB0] =	sst s0;
	s0 =	simm.s32 @!p1 $0x0  }
0x14: {  	s2 =	sld [smem:$0x3F94];
	s0 =	simm.s32 @p1 $0x1  }
0x15: {  	[smem:$0x3FB1] =	sst s0;
	s0 =	simm.s32 @!p2 $0x0  }
0x16: {  	s3 =	sld [smem:$0x3FDB];
	s0 =	simm.s32 @p2 $0x1  }
0x17: {  	s4 =	simm.s32 $0x1BF5;
	[smem:$0x3FB3] =	sst s0  }
0x18: {  	s0 =	sld [smem:$0x3F96];
	_ =	swait.ge [sflag:s4], $0x0  }
0x19: {  	s7 =	sld [smem:$0x3F97]  }
0x1a: {  	s8 =	sadd.s32 $0xFFFFE003, lr  }
0x1b: {  	s9 =	sadd.s32 $0xFFFFFEF7, lr;
	s5 =	simm.s32 $0xFFFFFFFF;
	p2 =	slt.u32 s8, $0xFFFFF086  }
0x1c: {  	p1 =	slt.u32 s9, $0xF7A;
	s5 =	simm.s32 @!p2 $0x0  }
0x1d: {  	s5 =	simm.s32 @p1 $0x1;
	p0 =	seq.s32 s7, s2  }
0x1e: {  	s7 =	smul.u32 @!p0 $0xF7A, s2;
	p2 =	seq.s32 @!p0 s5, $0x0  }
0x1f: {  	s9 =	smul.u32 $0xF7A, s1;
	s8 =	simm.s32 @!p0 $0x1BF5;
	p2 =	por !p2, p0  }
0x20: {  	[sflag:s8] =	ssyncset.s32 @!p0 $0xFFFFF086;
	s6 =	sadd.s32 @!p0 s3, s7;
	s7 =	simm.s32 @!p0 $0x108  }
0x21: {  	s3 =	sadd.s32 s3, s9;
	s6 =	sadd.s32 @!p0 $0x88, s6;
	s7 =	simm.s32 @p2 $0x1082  }
0x22: {  	[simem:s7], [sflag:s8] =	dma.local @!p0 [hbm:s6], $0xF7A  }
0x23: {  	s9 =	sor.u32 $0xD0000000, s2;
	s6 =	simm.s32 $0x108;
	_ =	swait.ge @!p0 [sflag:s8], $0x0  }
0x24: {  	s3 =	sadd.s32 $0x88, s3;
	s6 =	simm.s32 @!p1 $0x1082;
	[sflag:s4] =	ssyncset.s32 $0xFFFFF086  }
0x25: {  	[simem:s6], [sflag:s4] =	dma.local [hbm:s3], $0xF7A  }
0x26: {  	[smem:$0x3F97] =	sst s1;
	(tag) =	ssettag s2;
	_ =	strace s9  }
0x27: {  	s1 =	sld [smem:$0x3FA7]  }
0x28: {  	s2 =	sld [smem:$0x3FA8]  }
0x29: {  	s4 =	sld [smem:$0x3FAA]  }
0x2a: {  	p0 =	seq.s32 s5, $0x0;
	s5 =	sld [smem:$0x3FAB]  }
0x2b: {  	s6 =	sld [smem:$0x3FAC]  }
0x2c: {  	s7 =	sld [smem:$0x3FAD]  }
0x2d: {  	s3 =	simm.s32 $0x108;
	s8 =	sld [smem:$0x3FAE]  }
0x2e: {  	s3 =	simm.s32 @!p0 $0x1082;
	s9 =	sld [smem:$0x3FAF]  }
0x2f: {  	lr =	sadd.s32 s0, s3;
	s0 =	sld [smem:$0x3FA6]  }
0x30: {  	s3 =	sld [smem:$0x3FA9]  }
0x31: {  	[smem:$0x3FB2] =	sst s10  }
0x32: {  	s10 =	sld [smem:$0x3FB0];
	_ =	sdelay $0x3  }
0x33: {  	p0 =	seq.s32 s10, $0x1;
	s10 =	sld [smem:$0x3FB2];
	_ =	sdelay $0x3  }
0x34: {  	[smem:$0x3FB2] =	sst s10  }
0x35: {  	s10 =	sld [smem:$0x3FB1];
	_ =	sdelay $0x3  }
0x36: {  	p1 =	seq.s32 s10, $0x1;
	s10 =	sld [smem:$0x3FB2];
	_ =	sdelay $0x3  }
0x37: {  	[smem:$0x3FB2] =	sst s10  }
0x38: {  	s10 =	sld [smem:$0x3FB3]  }
0x39: {  	_ = 	snop;
	(pc) =	sbr.ind lr, $3  }
0x3a: {  	_ = 	snop  }
0x3b: {  	_ = 	snop  }
0x3c: {  	p2 =	seq.s32 s10, $0x1;
	s10 =	sld [smem:$0x3FB2]  }
0x3d: {  	_ =	shalt  }
0x3e: {  	_ =	shalt  }
0x3f: {  	_ =	shalt  }
0x40: {  	_ =	shalt  }
0x41: {  	_ =	shalt  }
0x42: {  	_ =	shalt  }
0x43: {  	_ =	shalt  }
0x44: {  	_ =	shalt  }
0x45: {  	_ =	shalt  }
0x46: {  	_ =	shalt  }
0x47: {  	_ =	shalt  }
0x48: {  	_ =	shalt  }
0x49: {  	_ =	shalt  }
0x4a: {  	_ =	shalt  }
0x4b: {  	_ =	shalt  }
0x4c: {  	_ =	shalt  }
0x4d: {  	_ =	shalt  }
0x4e: {  	_ =	shalt  }
0x4f: {  	_ =	shalt  }
0x50: {  	_ =	shalt  }
0x51: {  	_ =	shalt  }
0x52: {  	_ =	shalt  }
0x53: {  	_ =	shalt  }
0x54: {  	_ =	shalt  }
0x55: {  	_ =	shalt  }
0x56: {  	_ =	shalt  }
0x57: {  	_ =	shalt  }
0x58: {  	_ =	shalt  }
0x59: {  	_ =	shalt  }
0x5a: {  	_ =	shalt  }
0x5b: {  	_ =	shalt  }
0x5c: {  	_ =	shalt  }
0x5d: {  	_ =	shalt  }
0x5e: {  	_ =	shalt  }
0x5f: {  	_ =	shalt  }
0x60: {  	_ =	shalt  }
0x61: {  	_ =	shalt  }
0x62: {  	_ =	shalt  }
0x63: {  	_ =	shalt  }
0x64: {  	_ =	shalt  }
0x65: {  	_ =	shalt  }
0x66: {  	_ =	shalt  }
0x67: {  	_ =	shalt  }
0x68: {  	_ =	shalt  }
0x69: {  	_ =	shalt  }
0x6a: {  	_ =	shalt  }
0x6b: {  	_ =	shalt  }
0x6c: {  	_ =	shalt  }
0x6d: {  	_ =	shalt  }
0x6e: {  	_ =	shalt  }
0x6f: {  	_ =	shalt  }
0x70: {  	_ =	shalt  }
0x71: {  	_ =	shalt  }
0x72: {  	_ =	shalt  }
0x73: {  	_ =	shalt  }
0x74: {  	_ =	shalt  }
0x75: {  	_ =	shalt  }
0x76: {  	_ =	shalt  }
0x77: {  	_ =	shalt  }
0x78: {  	_ =	shalt  }
0x79: {  	_ =	shalt  }
0x7a: {  	_ =	shalt  }
0x7b: {  	_ =	shalt  }
0x7c: {  	_ =	shalt  }
0x7d: {  	_ =	shalt  }
0x7e: {  	_ =	shalt  }
0x7f: {  	_ =	shalt  }
0x80: {  	_ =	shalt  }
0x81: {  	_ =	shalt  }
0x82: {  	_ =	shalt  }
0x83: {  	_ =	shalt  }
0x84: {  	_ =	shalt  }
0x85: {  	_ =	shalt  }
0x86: {  	_ =	shalt  }
0x87: {  	_ =	shalt  }
.Lfunc_end0:
.L_simem_size_0:
called_computation_lowered:
.L_overlay_start_0:
0x88: {  	s2 =	sld [smem:$0x3FD9]  }
0x89: {  	s3 =	sld [smem:$0x3FFE];
	_ =	sdelay $0x1  }
0x8a: {  	s1 =	srdreg.scid  }
0x8b: {  	s0 =	sand.u32 $0x1, s1  }
0x8c: {  	s17 =	sshll.u32 s0, $0xA;
	s2 =	sadd.s32 s3, s2  }
0x8d: {  	s2 =	sadd.s32 s2, s17  }
0x8e: {  	[smem:$0x3FBE] =	sst s2  }
0x8f: {  	_ = 	snop  }
0x90: {  	s2 =	sld [smem:$0x3FD0];
	(tm) =	ssettm $0x1  }
0x91: {  	s18 =	sld [smem:$0x3FFB];
	_ =	sdelay $0x3  }
0x92: {  	_ =	strace s18  }
0x93: {  	s3 =	sld [smem:$0x3FFC];
	_ =	sdelay $0x3  }
0x94: {  	_ =	strace s3  }
0x95: {  	s3 =	sld [smem:$0x3FFD];
	_ =	sdelay $0x3  }
0x96: {  	_ =	strace s3  }
0x97: {  	_ =	strace $0x8FFFFFFF  }
0x98: {  	s19 =	sld [smem:$0x3FDB];
	_ =	sdelay $0x1  }
0x99: {  	s4 =	simm.s32 $_scs_section_size  }
0x9a: {  	s5 =	simm.s32 $_size__tile_overlayer_lowered;
	s6 =	simm.s32 $_tile_overlayer_lowered  }
0x9b: {  	s22 =	simm.s32 $0x1BFF;
	s21 =	sshll.u32 s6, $0x1;
	s3 =	sadd.s32 s4, s19  }
0x9c: {  	s7 =	simm.s32 $0x0;
	s20 =	sshll.u32 s5, $0x1;
	s5 =	sadd.s32 s21, s3  }
0x9d: {  	[timem:s7], [sflag:s22] =	dma.local [hbm:s5], s20  }
0x9e: {  	_ =	swait.ge [sflag:s22], s20  }
0x9f: {  	s4 =	ssub.s32 $0x0, s20;
	[sflag:s22] =	ssyncset.done $0x0  }
0xa0: {  	[sflag:s22] =	ssyncadd.s32 s4;
	_ =	sdelay $0x1  }
0xa1: {  	s23 =	simm.s32 $0x1B8B  }
0xa2: {  	_ =	swait.ge [sflag:s23], $0x1  }
0xa3: {  	[sflag:s23] =	ssyncset.done $0x0  }
0xa4: {  	s25 =	simm.s32 $0x1B8E;
	s24 =	sld [smem:$0x3FFE];
	[sflag:s23] =	ssyncadd.s32 $0xFFFFFFFF  }
0xa5: {  	s26 =	simm.s32 $execute0_lowered;
	[smem:$0x3FD2] =	sst s25  }
0xa6: {  	s5 =	sshll.u32 s26, $0x1;
	_ =	strace $0x80000046;
	[dreg:$0x1] =	wrdreg $0xFFFFFFFF  }
0xa7: {  	s28 =	simm.s32 $_size_execute0_lowered;
	s3 =	sadd.s32 s3, s5;
	[dreg:$0x0] =	wrdreg $0x0  }
0xa8: {  	s5 =	sshll.u32 s28, $0x1;
	[dreg:$0x2] =	wrdreg s3  }
0xa9: {  	[dreg:$0x3] =	wrdreg s5  }
0xaa: {  	[dreg:$0x4] =	wrdreg $0xC0  }
0xab: {  	_ =	task [dreg:s7], $0x5FFFF  }
0xac: {  	[dreg:$0x1] =	wrdreg $0xFFFFFFFF  }
0xad: {  	[dreg:$0x0] =	wrdreg $0x60  }
0xae: {  	[dreg:$0x2] =	wrdreg s24  }
0xaf: {  	[dreg:$0x3] =	wrdreg s2  }
0xb0: {  	[dreg:$0x4] =	wrdreg $0xC000  }
0xb1: {  	[dreg:$0x5] =	wrdreg $0x9  }
0xb2: {  	_ =	task.clear_ibuf [dreg:s7], $0x6FFFF;
	_ =	strace $0x90000046  }
0xb3: {  	s29 =	simm.s32 $0x9;
	_ =	strace $0x80000048  }
0xb4: {  	_ =	swait.ge [sflag:s29], $0x1  }
0xb5: {  	[sflag:s29] =	ssyncadd.s32 $0xFFFFFFFF  }
0xb6: {  	_ =	strace $0x90000048  }
0xb7: {  	_ =	sfence  }
0xb8: {  	s30 =	sld [smem:$0x0];
	_ =	sdelay $0x2  }
0xb9: {  	s31 =	sshll.u32 s1, $0xD;
	s1 =	sshrl.u32 s1, $0x2  }
0xba: {  	s3 =	sand.u32 $0x4000, s31;
	s1 =	sadd.s32 s1, s30  }
0xbb: {  	s0 =	sor.u32 s3, s0;
	s1 =	sshll.u32 s1, $0x11  }
0xbc: {  	s0 =	sor.u32 s1, s0  }
0xbd: {  	s0 =	sadd.s32 $0x8F2B, s0  }
0xbe: {  	[sflag:s0] =	ssyncadd.remote.s32 $0x1  }
0xbf: {  	_ =	sfence.sel $0xFFFF  }
0xc0: {  	[dreg:$0x0] =	wrdreg $0xFFFFFFFF;
	(pc) =	sbr.abs _section_cstart, $3  }
0xc1: {  	[dreg:$0x1] =	wrdreg $0xFFFFFFFF  }
0xc2: {  	_ =	task.clear_ibuf [dreg:s7], $0x2FFFF;
	_ =	strace $0x9FFFFFFF  }
0xc3: {  	(tm) =	ssettm $0x7FFFFFFF  }
tec
execute0_lowered:
.L_overlay_start_1:
0x0: {  	(tag) =	ssettag $0x1  }
0x1: {  	s6 =	rddreg [dreg:$0x0]  }
0x2: {  	s1 =	srdreg.scid;
	s2 =	rddreg [dreg:$0x1]  }
0x3: {  	s0 =	stileid.u32;
	s3 =	rddreg [dreg:$0x2];
	s4 =	simm.s32 $0x0  }
0x4: {  	s14 =	simm.s32 $0x100;
	s15 =	simm.s32 $0x180;
	s16 =	simm.s32 $0x200  }
0x5: {  	s17 =	simm.s32 $0x280;
	s18 =	simm.s32 $0x300;
	s19 =	simm.s32 $0x380  }
0x6: {  	s7 =	sand.u32 $0x1, s1;
	s5 =	smul.u32 $0x5000, s0;
	s1 =	rddreg [dreg:$0x3]  }
0x7: {  	s20 =	simm.s32 $0x0;
	[smem:$0x7FF] =	sst s4;
	s10 =	smul.u32 $0x2800, s0  }
0x8: {  	s12 =	sshll.u32 s0, $0x6;
	s8 =	smul.u32 $0x2800, s7;
	_ =	strace $0x80000047  }
0x9: {  	s30 =	ssub.s32 $0x2, s7;
	p0 =	seq.s32 s7, $0x1;
	s7 =	simm.s32 $0x11600  }
0xa: {  	s11 =	sshrl.u32 s30, $0x1;
	s31 =	sadd.s32 s10, s3;
	s7 =	simm.s32 @!p0 $0xC600  }
0xb: {  	s10 =	sshrl.u32 s10, $0x3;
	s5 =	sadd.s32 s8, s5;
	s8 =	ssub.s32 s30, s11  }
0xc: {  	s13 =	sadd.s32 s7, s6;
	s11 =	simm.s32 $0x1;
	s5 =	sshrl.u32 s5, $0x3  }
0xd: {  	s7 =	smax.u32 s8, $0x1;
	s8 =	sadd.s32 s13, s10;
	s10 =	sshrl.u32 s31, $0x3  }
0xe: {  	s13 =	simm.s32 $0x80;
	s9 =	sadd.s32 s5, s6;
	s5 =	sadd.s32 $0x2400, s6  }
0xf: {  	s6 =	sor.u32 $0x1C01, s12;
	s12 =	simm.s32 $0x400;
	s9 =	sadd.s32 $0x2600, s9  }
.LBB2_1:
0x10: {  	[spmem:s10], [sflag:s6] =	dma.local [hbm:s2], $0x500  }
0x11: {  	_ =	swait.ge [sflag:s11], $0x500  }
0x12: {  	[sflag:s11] =	ssyncset.done $0x0  }
0x13: {  	[sflag:s11] =	ssyncadd.s32 $0xFFFFFB00  }
0x14: {  	[tilespmem:s12], [sflag:$0x1] =	stream.linear.gather [hbm4b:s5+s4], $0x800, $0x38;
	[tilespmem:$0x3400] =	vst v63  }
0x15: {  	_ =	swait.ge [sflag:s11], $0x800  }
0x16: {  	[sflag:s11] =	ssyncset.done $0x0  }
0x17: {  	[sflag:s11] =	ssyncadd.s32 $0xFFFFF800  }
0x18: {  	s21 =	sadd.s32 $0x0, s9;
	[bflag:$0x0] =	sbarrier.arrive $0xFFFF  }
0x19: {  	[tilespmem:s4], [sflag:$0x1] =	stream.linear.gather [hbm4b:s21+s4], $0x400, $0x38;
	[tilespmem:$0x3400] =	vst v63  }
0x1a: {  	_ =	swait.ge [sflag:s11], $0x400  }
0x1b: {  	[sflag:s11] =	ssyncset.done $0x0  }
0x1c: {  	[sflag:s11] =	ssyncadd.s32 $0xFFFFFC00  }
0x1d: {  	[spmem:s3] =	stream.indirect.scatter.add.f32 [tilespmem:s12], [sflag:$0x1], $0x10, s4, s13, $0xb8;
	[tilespmem:$0x3400] =	vst v63  }
0x1e: {  	_ =	swait.ge [sflag:s11], $0x800  }
0x1f: {  	[sflag:s11] =	ssyncset.done $0x0  }
0x20: {  	[sflag:s11] =	ssyncadd.s32 $0xFFFFF800  }
0x21: {  	[spmem:s3] =	stream.indirect.scatter.add.f32 [tilespmem:s12], [sflag:$0x1], $0x10, s13, s13, $0xb8;
	[tilespmem:$0x3400] =	vst v63  }
0x22: {  	_ =	swait.ge [sflag:s11], $0x800  }
0x23: {  	[sflag:s11] =	ssyncset.done $0x0  }
0x24: {  	[sflag:s11] =	ssyncadd.s32 $0xFFFFF800  }
0x25: {  	[spmem:s3] =	stream.indirect.scatter.add.f32 [tilespmem:s12], [sflag:$0x1], $0x10, s14, s13, $0xb8;
	[tilespmem:$0x3400] =	vst v63  }
0x26: {  	_ =	swait.ge [sflag:s11], $0x800  }
0x27: {  	[sflag:s11] =	ssyncset.done $0x0  }
0x28: {  	[sflag:s11] =	ssyncadd.s32 $0xFFFFF800  }
0x29: {  	[spmem:s3] =	stream.indirect.scatter.add.f32 [tilespmem:s12], [sflag:$0x1], $0x10, s15, s13, $0xb8;
	[tilespmem:$0x3400] =	vst v63  }
0x2a: {  	_ =	swait.ge [sflag:s11], $0x800  }
0x2b: {  	[sflag:s11] =	ssyncset.done $0x0  }
0x2c: {  	[sflag:s11] =	ssyncadd.s32 $0xFFFFF800  }
0x2d: {  	[spmem:s3] =	stream.indirect.scatter.add.f32 [tilespmem:s12], [sflag:$0x1], $0x10, s16, s13, $0xb8;
	[tilespmem:$0x3400] =	vst v63  }
0x2e: {  	_ =	swait.ge [sflag:s11], $0x800  }
0x2f: {  	[sflag:s11] =	ssyncset.done $0x0  }
0x30: {  	[sflag:s11] =	ssyncadd.s32 $0xFFFFF800  }
0x31: {  	[spmem:s3] =	stream.indirect.scatter.add.f32 [tilespmem:s12], [sflag:$0x1], $0x10, s17, s13, $0xb8;
	[tilespmem:$0x3400] =	vst v63  }
0x32: {  	_ =	swait.ge [sflag:s11], $0x800  }
0x33: {  	[sflag:s11] =	ssyncset.done $0x0  }
0x34: {  	[sflag:s11] =	ssyncadd.s32 $0xFFFFF800  }
0x35: {  	[spmem:s3] =	stream.indirect.scatter.add.f32 [tilespmem:s12], [sflag:$0x1], $0x10, s18, s13, $0xb8;
	[tilespmem:$0x3400] =	vst v63  }
0x36: {  	_ =	swait.ge [sflag:s11], $0x800  }
0x37: {  	[sflag:s11] =	ssyncset.done $0x0  }
0x38: {  	[sflag:s11] =	ssyncadd.s32 $0xFFFFF800  }
0x39: {  	[spmem:s3] =	stream.indirect.scatter.add.f32 [tilespmem:s12], [sflag:$0x1], $0x10, s19, s13, $0xb8;
	[tilespmem:$0x3400] =	vst v63  }
0x3a: {  	_ =	swait.ge [sflag:s11], $0x800  }
0x3b: {  	s23 =	simm.s32 $0x100;
	s21 =	simm.s32 $0x80;
	[sflag:s11] =	ssyncset.done $0x0  }
.LBB2_2:
0x3c: {  	s24 =	sadd.s32 s21, s9  }
0x3d: {  	[sflag:s11] =	ssyncadd.s32 $0xFFFFF800;
	s21 =	smov.u32 s23;
	s22 =	sadd.s32 $0x80, s23  }
0x3e: {  	[tilespmem:s4], [sflag:$0x1] =	stream.linear.gather [hbm4b:s24+s4], $0x400, $0x38;
	[tilespmem:$0x3400] =	vst v63  }
0x3f: {  	p0 =	sne.s32 s23, $0x480;
	_ =	swait.ge [sflag:s11], $0x400  }
0x40: {  	[sflag:s11] =	ssyncset.done $0x0  }
0x41: {  	[sflag:s11] =	ssyncadd.s32 $0xFFFFFC00  }
0x42: {  	[spmem:s3] =	stream.indirect.scatter.add.f32 [tilespmem:s12], [sflag:$0x1], $0x10, s4, s13, $0xb8;
	[tilespmem:$0x3400] =	vst v63  }
0x43: {  	_ =	swait.ge [sflag:s11], $0x800  }
0x44: {  	[sflag:s11] =	ssyncset.done $0x0  }
0x45: {  	[sflag:s11] =	ssyncadd.s32 $0xFFFFF800  }
0x46: {  	[spmem:s3] =	stream.indirect.scatter.add.f32 [tilespmem:s12], [sflag:$0x1], $0x10, s13, s13, $0xb8;
	[tilespmem:$0x3400] =	vst v63  }
0x47: {  	_ =	swait.ge [sflag:s11], $0x800  }
0x48: {  	[sflag:s11] =	ssyncset.done $0x0  }
0x49: {  	[sflag:s11] =	ssyncadd.s32 $0xFFFFF800  }
0x4a: {  	[spmem:s3] =	stream.indirect.scatter.add.f32 [tilespmem:s12], [sflag:$0x1], $0x10, s14, s13, $0xb8;
	[tilespmem:$0x3400] =	vst v63  }
0x4b: {  	_ =	swait.ge [sflag:s11], $0x800  }
0x4c: {  	[sflag:s11] =	ssyncset.done $0x0  }
0x4d: {  	[sflag:s11] =	ssyncadd.s32 $0xFFFFF800  }
0x4e: {  	[spmem:s3] =	stream.indirect.scatter.add.f32 [tilespmem:s12], [sflag:$0x1], $0x10, s15, s13, $0xb8;
	[tilespmem:$0x3400] =	vst v63  }
0x4f: {  	_ =	swait.ge [sflag:s11], $0x800  }
0x50: {  	[sflag:s11] =	ssyncset.done $0x0  }
0x51: {  	[sflag:s11] =	ssyncadd.s32 $0xFFFFF800  }
0x52: {  	[spmem:s3] =	stream.indirect.scatter.add.f32 [tilespmem:s12], [sflag:$0x1], $0x10, s16, s13, $0xb8;
	[tilespmem:$0x3400] =	vst v63  }
0x53: {  	_ =	swait.ge [sflag:s11], $0x800  }
0x54: {  	[sflag:s11] =	ssyncset.done $0x0  }
0x55: {  	[sflag:s11] =	ssyncadd.s32 $0xFFFFF800  }
0x56: {  	[spmem:s3] =	stream.indirect.scatter.add.f32 [tilespmem:s12], [sflag:$0x1], $0x10, s17, s13, $0xb8;
	[tilespmem:$0x3400] =	vst v63  }
0x57: {  	_ =	swait.ge [sflag:s11], $0x800  }
0x58: {  	[sflag:s11] =	ssyncset.done $0x0  }
0x59: {  	[sflag:s11] =	ssyncadd.s32 $0xFFFFF800  }
0x5a: {  	[spmem:s3] =	stream.indirect.scatter.add.f32 [tilespmem:s12], [sflag:$0x1], $0x10, s18, s13, $0xb8;
	[tilespmem:$0x3400] =	vst v63  }
0x5b: {  	_ =	swait.ge [sflag:s11], $0x800  }
.Ltmp0:
0x5c: {  	[sflag:s11] =	ssyncset.done $0x0;
	(pc) =	sbr.rel @p0 .LBB2_2-.Ltmp0, $4  }
0x5d: {  	[sflag:s11] =	ssyncadd.s32 $0xFFFFF800  }
0x5e: {  	[spmem:s3] =	stream.indirect.scatter.add.f32 [tilespmem:s12], [sflag:$0x1], $0x10, s19, s13, $0xb8;
	[tilespmem:$0x3400] =	vst v63  }
0x5f: {  	_ =	swait.ge [sflag:s11], $0x800  }
0x60: {  	s23 =	smov.u32 s22;
	[sflag:s11] =	ssyncset.done $0x0  }
0x61: {  	s21 =	sadd.s32 s21, s9;
	[sflag:s11] =	ssyncadd.s32 $0xFFFFF800  }
0x62: {  	[tilespmem:s4], [sflag:$0x1] =	stream.linear.gather [hbm4b:s21+s4], $0x400, $0x38;
	[tilespmem:$0x3400] =	vst v63  }
0x63: {  	_ =	swait.ge [sflag:s11], $0x400  }
0x64: {  	[sflag:s11] =	ssyncset.done $0x0  }
0x65: {  	[sflag:s11] =	ssyncadd.s32 $0xFFFFFC00  }
0x66: {  	[spmem:s3] =	stream.indirect.scatter.add.f32 [tilespmem:s12], [sflag:$0x1], $0x10, s4, s13, $0xb8;
	[tilespmem:$0x3400] =	vst v63  }
0x67: {  	_ =	swait.ge [sflag:s11], $0x800  }
0x68: {  	[sflag:s11] =	ssyncset.done $0x0  }
0x69: {  	[sflag:s11] =	ssyncadd.s32 $0xFFFFF800  }
0x6a: {  	[spmem:s3] =	stream.indirect.scatter.add.f32 [tilespmem:s12], [sflag:$0x1], $0x10, s13, s13, $0xb8;
	[tilespmem:$0x3400] =	vst v63  }
0x6b: {  	_ =	swait.ge [sflag:s11], $0x800  }
0x6c: {  	[sflag:s11] =	ssyncset.done $0x0  }
0x6d: {  	[sflag:s11] =	ssyncadd.s32 $0xFFFFF800  }
0x6e: {  	[spmem:s3] =	stream.indirect.scatter.add.f32 [tilespmem:s12], [sflag:$0x1], $0x10, s14, s13, $0xb8;
	[tilespmem:$0x3400] =	vst v63  }
0x6f: {  	_ =	swait.ge [sflag:s11], $0x800  }
0x70: {  	[sflag:s11] =	ssyncset.done $0x0  }
0x71: {  	[sflag:s11] =	ssyncadd.s32 $0xFFFFF800  }
0x72: {  	[spmem:s3] =	stream.indirect.scatter.add.f32 [tilespmem:s12], [sflag:$0x1], $0x10, s15, s13, $0xb8;
	[tilespmem:$0x3400] =	vst v63  }
0x73: {  	_ =	swait.ge [sflag:s11], $0x800  }
0x74: {  	[sflag:s11] =	ssyncset.done $0x0  }
0x75: {  	[sflag:s11] =	ssyncadd.s32 $0xFFFFF800  }
0x76: {  	[spmem:s3] =	stream.indirect.scatter.add.f32 [tilespmem:s12], [sflag:$0x1], $0x10, s16, s13, $0xb8;
	[tilespmem:$0x3400] =	vst v63  }
0x77: {  	_ =	swait.ge [sflag:s11], $0x800  }
0x78: {  	[sflag:s11] =	ssyncset.done $0x0  }
0x79: {  	[sflag:s11] =	ssyncadd.s32 $0xFFFFF800  }
0x7a: {  	[spmem:s3] =	stream.indirect.scatter.add.f32 [tilespmem:s12], [sflag:$0x1], $0x10, s17, s13, $0xb8;
	[tilespmem:$0x3400] =	vst v63  }
0x7b: {  	_ =	swait.ge [sflag:s11], $0x800  }
0x7c: {  	[sflag:s11] =	ssyncset.done $0x0  }
0x7d: {  	[sflag:s11] =	ssyncadd.s32 $0xFFFFF800  }
0x7e: {  	[spmem:s3] =	stream.indirect.scatter.add.f32 [tilespmem:s12], [sflag:$0x1], $0x10, s18, s13, $0xb8;
	[tilespmem:$0x3400] =	vst v63  }
0x7f: {  	_ =	swait.ge [sflag:s11], $0x800  }
0x80: {  	[sflag:s11] =	ssyncset.done $0x0  }
0x81: {  	[sflag:s11] =	ssyncadd.s32 $0xFFFFF800  }
0x82: {  	[spmem:s3] =	stream.indirect.scatter.add.f32 [tilespmem:s12], [sflag:$0x1], $0x10, s19, s13, $0xb8;
	[tilespmem:$0x3400] =	vst v63  }
0x83: {  	_ =	swait.ge [sflag:s11], $0x800  }
0x84: {  	s20 =	sadd.s32 $0x1, s20;
	[sflag:s11] =	ssyncset.done $0x0  }
0x85: {  	p0 =	sne.s32 s20, s7;
	[sflag:s11] =	ssyncadd.s32 $0xFFFFF800  }
.Ltmp1:
0x86: {  	[bflag:$0x0] =	sbarrier.arrive $0xFFFF;
	(pc) =	sbr.rel @p0 .LBB2_1-.Ltmp1, $4  }
0x87: {  	[hbm:s8], [sflag:s6] =	dma.local [spmem:s10], $0x500  }
0x88: {  	_ =	swait.ge [sflag:s11], $0x500  }
0x89: {  	[sflag:s11] =	ssyncset.done $0x0  }
0x8a: {  	[sflag:s11] =	ssyncadd.s32 $0xFFFFFB00  }
0x8b: {  	_ =	sfence.sel $0x180000  }
0x8c: {  	[bflag:$0x0] =	sbarrier.arrive $0xFFFF  }
0x8d: {  	p0 =	sne.s32 s0, $0x0;
	_ =	strace $0x90000047  }
0x8e: {  	s0 =	sadd.s32 @!p0 $0x100000, s1;
	[bflag:$0x2] =	sbarrier.arrive $0xFFFF  }
0x8f: {  	[sflag:s0] =	ssyncadd.tile.s32 @!p0 $0x1;
	_ =	shalt  }
.Lfunc_end2:
_tile_overlayer_lowered:
.L_overlay_start_2:
0x90: {  	(tag) =	ssettag $0x2  }
0x91: {  	s0 =	rddreg [dreg:$0x0];
	s2 =	stileid.u32  }
0x92: {  	s1 =	rddreg [dreg:$0x1];
	p0 =	sne.s32 s2, $0x0  }
0x93: {  	s3 =	rddreg [dreg:$0x2];
	[bflag:$0x3] =	sbarrier.arrive $0xFFFF;
	s2 =	simm.s32 @!p0 $0x1C01  }
0x94: {  	[timem:s3], [sflag:s2] =	dma.local @!p0 [hbm:s0], s1  }
0x95: {  	s0 =	simm.s32 @!p0 $0x1  }
0x96: {  	_ =	swait.ge @!p0 [sflag:s0], s1  }
0x97: {  	s1 =	ssub.s32 @!p0 $0x0, s1;
	[sflag:s0] =	ssyncset.done @!p0 $0x0  }
0x98: {  	[sflag:s0] =	ssyncadd.s32 @!p0 s1  }
0x99: {  	[bflag:$0x3] =	sbarrier.arrive $0xFFFF  }
0x9a: {  	_ =	shalt  }

</sc_bundles>
